<compile_context>
chip_gen: v7x
topology: tpu7x:2x2x1
jax: 0.10.2.dev20260603
libtpu: 0.0.44.dev20260713+nightly
codegen_flags: <defaults>
</compile_context>

<pallas_src>
import functools

import jax
import jax.numpy as jnp
from jax import lax
from jax.experimental import pallas as pl
from jax.experimental.pallas import tpu as pltpu
from jax.experimental.pallas import tpu_sc as plsc

NC = 2
NS = 16
NW = NC * NS
K = 4
BR = 8


@functools.cache
def _make_gather_kernel(S, V, D, BCH):
    NB = 16
    BB = BCH // NB
    SH = S // 2
    tpw = SH * BB
    mesh = plsc.VectorSubcoreMesh(
        core_axis_name="c", subcore_axis_name="s", num_cores=NC, num_subcores=NS
    )

    @functools.partial(
        pl.kernel,
        out_type=jax.ShapeDtypeStruct((S, BCH, D), jnp.float32),
        mesh=mesh,
        scratch_types=[
            pltpu.VMEM((tpw,), jnp.int32),
            [pltpu.VMEM((BB, D), jnp.float32)] * 2,
            [pltpu.SemaphoreType.DMA] * 2,
            [pltpu.SemaphoreType.DMA] * 2,
        ],
    )
    def gk(xu_ref, tok_ref, emb_ref, idx_v, bufs, gsems, osems):
        wid = lax.axis_index("s") * NC + lax.axis_index("c")
        half = wid // NB
        col = pl.multiple_of((wid % NB) * BB, BB)
        srow = half * SH

        pltpu.sync_copy(xu_ref.at[pl.ds(wid * tpw, tpw)], idx_v)

        def issue_gather(u, b):
            pltpu.async_copy(
                tok_ref.at[idx_v.at[pl.ds(u * BB, BB)]], bufs[b], gsems[b])

        def s_step(u, b, first=False):
            pltpu.make_async_copy(
                tok_ref.at[idx_v.at[pl.ds(u * BB, BB)]],
                bufs[b], gsems[b]).wait()
            pltpu.async_copy(
                bufs[b], emb_ref.at[srow + u, pl.ds(col, BB)], osems[b])

            if not first:
                pltpu.make_async_copy(
                    bufs[1 - b], emb_ref.at[0, pl.ds(0, BB)],
                    osems[1 - b]).wait()

            @pl.when(u + 1 < SH)
            def _():
                issue_gather(u + 1, 1 - b)

        issue_gather(0, 0)
        s_step(0, 0, first=True)

        def outer(o, _):
            for j in range(2):
                u = 1 + o * 2 + j
                s_step(u, 1 - j)
            return 0

        lax.fori_loop(0, (SH - 1) // 2, outer, 0)
        b_last = (SH - 1) % 2
        pltpu.make_async_copy(
            bufs[b_last], emb_ref.at[0, pl.ds(0, BB)], osems[b_last]).wait()

    return gk


def _ln_body(emb_ref, pos_ref, g_ref, b_ref, *rest):
    out_ref = rest[-1]
    e = emb_ref[...] + pos_ref[...]
    mean = jnp.mean(e, axis=2, keepdims=True)
    c = e - mean
    var = jnp.mean(c * c, axis=2, keepdims=True)
    out_ref[...] = (c * lax.rsqrt(var + 1e-5) * g_ref[0][None, None, :]
                    + b_ref[0][None, None, :])


def _make_ln_call(k_idx, S, B, D, BCH, SP, aliased):
    out_spec = pl.BlockSpec((1, BCH, D), lambda g: (g, k_idx, 0))
    in_specs = [
        pl.BlockSpec((1, BCH, D), lambda g: (g, 0, 0)),
        pl.BlockSpec((1, 1, D), lambda g: (g, 0, 0)),
        pl.BlockSpec((1, D), lambda g: (0, 0)),
        pl.BlockSpec((1, D), lambda g: (0, 0)),
    ]
    kwargs = {}
    if aliased:
        in_specs.append(pl.BlockSpec(memory_space=pl.ANY))
        kwargs["input_output_aliases"] = {4: 0}
    return pl.pallas_call(
        _ln_body,
        grid=(S,),
        in_specs=in_specs,
        out_specs=out_spec,
        out_shape=jax.ShapeDtypeStruct((S, B, D), jnp.float32),
        **kwargs,
    )


def kernel(x, tok_table, pos_table, gamma, beta):
    B, S = x.shape
    V, D = tok_table.shape
    SP = pos_table.shape[0]
    BCH = B // K
    g2 = gamma.reshape(1, D)
    b2 = beta.reshape(1, D)
    pos3 = pos_table[:S].reshape(S, 1, D)
    gk = _make_gather_kernel(S, V, D, BCH)
    out = None
    for k in range(K):
        xu = (x[k * BCH:(k + 1) * BCH].reshape(16, BCH // 16, 2, S // 2)
              .transpose(2, 0, 3, 1).reshape(-1))
        emb = gk(xu, tok_table)
        ln = _make_ln_call(k, S, B, D, BCH, SP, aliased=k > 0)
        args = (emb, pos3, g2, b2) + ((out,) if k > 0 else ())
        out = ln(*args)
    return out.transpose(1, 0, 2)

# --- scband reference (transcript-rebuilt; emitter-appended) ---
"""Pipeline reference for scband-embedding-22342419874384 (READ-ONLY COPY).

The authoritative reference and input builder live on the scoring server;
editing this copy changes nothing except your own understanding.
"""

import jax, jax.numpy as jnp
import numpy as np

D_MODEL = 768
MAXLEN = 100 // 2 + 8  # 58
VOCAB = 100000


def setup_inputs(seed: int = 0) -> dict:
    key = jax.random.key(seed)
    k1, k2, k3 = jax.random.split(key, 3)
    x = jax.random.randint(k1, (4096, 50), 0, VOCAB, dtype=jnp.int64 if jax.config.jax_enable_x64 else jnp.int32).astype(jnp.int32)
    tok_table = jax.random.normal(k2, (VOCAB, D_MODEL), dtype=jnp.float32) * 0.02
    pos_table = jax.random.normal(k3, (MAXLEN, D_MODEL), dtype=jnp.float32) * 0.02
    gamma = jnp.ones((D_MODEL,), dtype=jnp.float32)
    beta = jnp.zeros((D_MODEL,), dtype=jnp.float32)
    return {"x": x, "tok_table": tok_table, "pos_table": pos_table, "gamma": gamma, "beta": beta}


def reference(x, tok_table, pos_table, gamma, beta):
    seq_len = x.shape[1]
    pos = jnp.arange(seq_len, dtype=jnp.int32)
    pos = jnp.broadcast_to(pos[None, :], x.shape)
    emb = jnp.take(tok_table, x, axis=0) + jnp.take(pos_table, pos, axis=0)
    mean = jnp.mean(emb, axis=-1, keepdims=True)
    var = jnp.mean(jnp.square(emb - mean), axis=-1, keepdims=True)
    normed = (emb - mean) / jnp.sqrt(var + 1e-5)
    return normed * gamma + beta

if __name__ == "__main__":
    import jax
    _d = setup_inputs()
    print(jax.jit(kernel)(*tuple(_d.values())))

</pallas_src>

<mosaic_0001>
#map = affine_map<(d0, d1) -> (0)>
#map1 = affine_map<(d0, d1) -> (0, 0)>
#map2 = affine_map<(d0, d1) -> (0, 0, 0)>
module attributes {stable_mosaic.version = 14 : i64} {
  func.func @gk(%arg0: i32, %arg1: i32, %arg2: memref<51200xi32, #tpu.memory_space<hbm>>, %arg3: memref<100000x768xf32, #tpu.memory_space<hbm>>, %arg4: memref<50x1024x768xf32, #tpu.memory_space<hbm>>, %arg5: memref<1600xi32, #tpu.memory_space<vmem>>, %arg6: memref<64x768xf32, #tpu.memory_space<vmem>>, %arg7: memref<64x768xf32, #tpu.memory_space<vmem>>, %arg8: memref<!tpu.dma_semaphore, #tpu.memory_space<semaphore_mem>>, %arg9: memref<!tpu.dma_semaphore, #tpu.memory_space<semaphore_mem>>, %arg10: memref<!tpu.dma_semaphore, #tpu.memory_space<semaphore_mem>>, %arg11: memref<!tpu.dma_semaphore, #tpu.memory_space<semaphore_mem>>) attributes {dimension_semantics = [#tpu.dimension_semantics<core_parallel>, #tpu.dimension_semantics<subcore_parallel>], iteration_bounds = array<i64: 2, 16>, scalar_prefetch = 0 : i64, scratch_operands = 7 : i64, tpu.core_type = #tpu.core_type<sc_vector_subcore>, window_params = [{transform_indices = #map}, {transform_indices = #map1}, {transform_indices = #map2}]} {
    %mul3A = arith.constant 2 : i32
    %mul3A_0 = arith.muli %arg1, %mul3A : i32
    %add3A = arith.addi %mul3A_0, %arg0 : i32
    %jit3A = arith.constant 16 : i32
    %div3A = arith.divsi %add3A, %jit3A : i32
    %sign3A = arith.constant 0 : i32
    %sign3A_1 = arith.cmpi sgt, %add3A, %sign3A : i32
    %sign3A_2 = arith.extui %sign3A_1 : i1 to i32
    %sign3A_3 = arith.constant 0 : i32
    %sign3A_4 = arith.cmpi slt, %add3A, %sign3A_3 : i32
    %sign3A_5 = arith.extui %sign3A_4 : i1 to i32
    %sign3A_6 = arith.subi %sign3A_2, %sign3A_5 : i32
    %sign3A_7 = arith.constant 0 : i32
    %sign3A_8 = arith.cmpi sgt, %jit3A, %sign3A_7 : i32
    %sign3A_9 = arith.extui %sign3A_8 : i1 to i32
    %sign3A_10 = arith.constant 0 : i32
    %sign3A_11 = arith.cmpi slt, %jit3A, %sign3A_10 : i32
    %sign3A_12 = arith.extui %sign3A_11 : i1 to i32
    %sign3A_13 = arith.subi %sign3A_9, %sign3A_12 : i32
    %ne3A = arith.cmpi ne, %sign3A_6, %sign3A_13 : i32
    %rem3A = arith.remsi %add3A, %jit3A : i32
    %ne3A_14 = arith.constant 0 : i32
    %ne3A_15 = arith.cmpi ne, %rem3A, %ne3A_14 : i32
    %and3A = arith.andi %ne3A, %ne3A_15 : i1
    %sub3A = arith.constant 1 : i32
    %sub3A_16 = arith.subi %div3A, %sub3A : i32
    %select_n3A = arith.select %and3A, %sub3A_16, %div3A : i32
    %jit3A_17 = arith.constant 16 : i32
    %eq3A = arith.constant 0 : i32
    %eq3A_18 = arith.cmpi eq, %jit3A_17, %eq3A : i32
    %jit3A_19 = arith.constant 1 : i32
    %select_n3A_20 = arith.select %eq3A_18, %jit3A_19, %jit3A_17 : i32
    %rem3A_21 = arith.remsi %add3A, %select_n3A_20 : i32
    %ne3A_22 = arith.constant 0 : i32
    %ne3A_23 = arith.cmpi ne, %rem3A_21, %ne3A_22 : i32
    %lt3A = arith.constant 0 : i32
    %lt3A_24 = arith.cmpi slt, %rem3A_21, %lt3A : i32
    %lt3A_25 = arith.constant 0 : i32
    %lt3A_26 = arith.cmpi slt, %select_n3A_20, %lt3A_25 : i32
    %ne3A_27 = arith.xori %lt3A_24, %lt3A_26 : i1
    %and3A_28 = arith.andi %ne3A_27, %ne3A_23 : i1
    %add3A_29 = arith.addi %rem3A_21, %select_n3A_20 : i32
    %select_n3A_30 = arith.select %and3A_28, %add3A_29, %rem3A_21 : i32
    %mul3A_31 = arith.constant 64 : i32
    %mul3A_32 = arith.muli %select_n3A_30, %mul3A_31 : i32
    %multiple_of3A = tpu.assume_multiple %mul3A_32, 64 : i32
    %mul3A_33 = arith.constant 25 : i32
    %mul3A_34 = arith.muli %select_n3A, %mul3A_33 : i32
    %mul3A_35 = arith.constant 1600 : i32
    %mul3A_36 = arith.muli %add3A, %mul3A_35 : i32
    "tpu.region"() ({
      %run_scoped3A = tpu.sem_alloc : memref<!tpu.dma_semaphore, #tpu.memory_space<semaphore_mem>>
      %dma_start3A_73 = tpu.memref_slice %arg2[%mul3A_36] : memref<51200xi32, #tpu.memory_space<hbm>> -> memref<1600xi32, #tpu.memory_space<hbm>>
      %dma_start3A_74 = tpu.memref_slice %arg2[%mul3A_36] : memref<51200xi32, #tpu.memory_space<hbm>> -> memref<1600xi32, #tpu.memory_space<hbm>>
      tpu.enqueue_dma source(%dma_start3A_74 : memref<1600xi32, #tpu.memory_space<hbm>>) target(%arg5 : memref<1600xi32, #tpu.memory_space<vmem>>) target_semaphore(%run_scoped3A : memref<!tpu.dma_semaphore, #tpu.memory_space<semaphore_mem>>)
      %dma_wait3A_75 = tpu.memref_slice %arg2[%mul3A_36] : memref<51200xi32, #tpu.memory_space<hbm>> -> memref<1600xi32, #tpu.memory_space<hbm>>
      %dma_wait3A_76 = tpu.memref_slice %arg2[%mul3A_36] : memref<51200xi32, #tpu.memory_space<hbm>> -> memref<1600xi32, #tpu.memory_space<hbm>>
      tpu.wait_dma2 semaphore(%run_scoped3A : memref<!tpu.dma_semaphore, #tpu.memory_space<semaphore_mem>>) src(%dma_wait3A_76 : memref<1600xi32, #tpu.memory_space<hbm>>) dst(%arg5 : memref<1600xi32, #tpu.memory_space<vmem>>)
      tpu.yield
    }) : () -> ()
    %dma_start3A = arith.constant 0 : i32
    %dma_start3A_37 = tpu.memref_slice %arg5[%dma_start3A] : memref<1600xi32, #tpu.memory_space<vmem>> -> memref<64xi32, #tpu.memory_space<vmem>>
    %dma_start3A_38 = arith.constant 0 : i32
    %dma_start3A_39 = arith.constant 0 : i32
    %dma_start3A_40 = tpu.memref_slice %arg3[%dma_start3A_38, %dma_start3A_39] : memref<100000x768xf32, #tpu.memory_space<hbm>> -> memref<100000x768xf32, #tpu.memory_space<hbm>>
    tpu.enqueue_indirect_dma source(%dma_start3A_40 : memref<100000x768xf32, #tpu.memory_space<hbm>>) target(%arg6 : memref<64x768xf32, #tpu.memory_space<vmem>>) offsets(%dma_start3A_37 : memref<64xi32, #tpu.memory_space<vmem>>) semaphore(%arg8 : memref<!tpu.dma_semaphore, #tpu.memory_space<semaphore_mem>>)
    %dma_wait3A = arith.constant 0 : i32
    %dma_wait3A_41 = tpu.memref_slice %arg5[%dma_wait3A] : memref<1600xi32, #tpu.memory_space<vmem>> -> memref<64xi32, #tpu.memory_space<vmem>>
    %dma_wait3A_42 = arith.constant 0 : i32
    %dma_wait3A_43 = arith.constant 0 : i32
    %dma_wait3A_44 = tpu.memref_slice %arg3[%dma_wait3A_42, %dma_wait3A_43] : memref<100000x768xf32, #tpu.memory_space<hbm>> -> memref<100000x768xf32, #tpu.memory_space<hbm>>
    tpu.wait_indirect_dma semaphore(%arg8 : memref<!tpu.dma_semaphore, #tpu.memory_space<semaphore_mem>>) src(%dma_wait3A_44 : memref<100000x768xf32, #tpu.memory_space<hbm>>) dst(%arg6 : memref<64x768xf32, #tpu.memory_space<vmem>>)
    %add3A_45 = arith.constant 0 : i32
    %add3A_46 = arith.addi %mul3A_34, %add3A_45 : i32
    %dma_start3A_47 = arith.constant 0 : i32
    %dma_start3A_48 = tpu.memref_slice %arg4[%add3A_46, %multiple_of3A, %dma_start3A_47] : memref<50x1024x768xf32, #tpu.memory_space<hbm>> -> memref<1x64x768xf32, #tpu.memory_space<hbm>>
    %dma_start3A_49 = tpu.memref_squeeze %dma_start3A_48 : memref<1x64x768xf32, #tpu.memory_space<hbm>> -> memref<64x768xf32, #tpu.memory_space<hbm>>
    %dma_start3A_50 = arith.constant 0 : i32
    %dma_start3A_51 = tpu.memref_slice %arg4[%add3A_46, %multiple_of3A, %dma_start3A_50] : memref<50x1024x768xf32, #tpu.memory_space<hbm>> -> memref<1x64x768xf32, #tpu.memory_space<hbm>>
    %dma_start3A_52 = tpu.memref_squeeze %dma_start3A_51 : memref<1x64x768xf32, #tpu.memory_space<hbm>> -> memref<64x768xf32, #tpu.memory_space<hbm>>
    tpu.enqueue_dma source(%arg6 : memref<64x768xf32, #tpu.memory_space<vmem>>) target(%dma_start3A_52 : memref<64x768xf32, #tpu.memory_space<hbm>>) target_semaphore(%arg10 : memref<!tpu.dma_semaphore, #tpu.memory_space<semaphore_mem>>)
    %dma_start3A_53 = arith.constant 64 : i32
    %dma_start3A_54 = tpu.memref_slice %arg5[%dma_start3A_53] : memref<1600xi32, #tpu.memory_space<vmem>> -> memref<64xi32, #tpu.memory_space<vmem>>
    %dma_start3A_55 = arith.constant 0 : i32
    %dma_start3A_56 = arith.constant 0 : i32
    %dma_start3A_57 = tpu.memref_slice %arg3[%dma_start3A_55, %dma_start3A_56] : memref<100000x768xf32, #tpu.memory_space<hbm>> -> memref<100000x768xf32, #tpu.memory_space<hbm>>
    tpu.enqueue_indirect_dma source(%dma_start3A_57 : memref<100000x768xf32, #tpu.memory_space<hbm>>) target(%arg7 : memref<64x768xf32, #tpu.memory_space<vmem>>) offsets(%dma_start3A_54 : memref<64xi32, #tpu.memory_space<vmem>>) semaphore(%arg9 : memref<!tpu.dma_semaphore, #tpu.memory_space<semaphore_mem>>)
    %scan3A = arith.constant 0 : i32
    %scan3A_58 = arith.constant 0 : i32
    %scan3A_59 = arith.constant 12 : i32
    %scan3A_60 = arith.addi %scan3A_58, %scan3A_59 : i32
    %scan3A_61 = arith.constant 1 : i32
    %scan3A_62 = scf.for %scan3A_73 = %scan3A_58 to %scan3A_60 step %scan3A_61 iter_args(%scan3A_74 = %scan3A) -> (i32)  : i32 {
      %mul3A_75 = arith.constant 2 : i32
      %mul3A_76 = arith.muli %scan3A_73, %mul3A_75 : i32
      %add3A_77 = arith.constant 1 : i32
      %add3A_78 = arith.addi %add3A_77, %mul3A_76 : i32
      %add3A_79 = arith.constant 0 : i32
      %add3A_80 = arith.addi %add3A_78, %add3A_79 : i32
      %mul3A_81 = arith.constant 64 : i32
      %mul3A_82 = arith.muli %add3A_80, %mul3A_81 : i32
      %dma_wait3A_83 = tpu.memref_slice %arg5[%mul3A_82] : memref<1600xi32, #tpu.memory_space<vmem>> -> memref<64xi32, #tpu.memory_space<vmem>>
      %dma_wait3A_84 = arith.constant 0 : i32
      %dma_wait3A_85 = arith.constant 0 : i32
      %dma_wait3A_86 = tpu.memref_slice %arg3[%dma_wait3A_84, %dma_wait3A_85] : memref<100000x768xf32, #tpu.memory_space<hbm>> -> memref<100000x768xf32, #tpu.memory_space<hbm>>
      tpu.wait_indirect_dma semaphore(%arg9 : memref<!tpu.dma_semaphore, #tpu.memory_space<semaphore_mem>>) src(%dma_wait3A_86 : memref<100000x768xf32, #tpu.memory_space<hbm>>) dst(%arg7 : memref<64x768xf32, #tpu.memory_space<vmem>>)
      %add3A_87 = arith.addi %mul3A_34, %add3A_80 : i32
      %dma_start3A_88 = arith.constant 0 : i32
      %dma_start3A_89 = tpu.memref_slice %arg4[%add3A_87, %multiple_of3A, %dma_start3A_88] : memref<50x1024x768xf32, #tpu.memory_space<hbm>> -> memref<1x64x768xf32, #tpu.memory_space<hbm>>
      %dma_start3A_90 = tpu.memref_squeeze %dma_start3A_89 : memref<1x64x768xf32, #tpu.memory_space<hbm>> -> memref<64x768xf32, #tpu.memory_space<hbm>>
      %dma_start3A_91 = arith.constant 0 : i32
      %dma_start3A_92 = tpu.memref_slice %arg4[%add3A_87, %multiple_of3A, %dma_start3A_91] : memref<50x1024x768xf32, #tpu.memory_space<hbm>> -> memref<1x64x768xf32, #tpu.memory_space<hbm>>
      %dma_start3A_93 = tpu.memref_squeeze %dma_start3A_92 : memref<1x64x768xf32, #tpu.memory_space<hbm>> -> memref<64x768xf32, #tpu.memory_space<hbm>>
      tpu.enqueue_dma source(%arg7 : memref<64x768xf32, #tpu.memory_space<vmem>>) target(%dma_start3A_93 : memref<64x768xf32, #tpu.memory_space<hbm>>) target_semaphore(%arg11 : memref<!tpu.dma_semaphore, #tpu.memory_space<semaphore_mem>>)
      %dma_wait3A_94 = arith.constant 0 : i32
      %dma_wait3A_95 = arith.constant 0 : i32
      %dma_wait3A_96 = arith.constant 0 : i32
      %dma_wait3A_97 = tpu.memref_slice %arg4[%dma_wait3A_94, %dma_wait3A_95, %dma_wait3A_96] : memref<50x1024x768xf32, #tpu.memory_space<hbm>> -> memref<1x64x768xf32, #tpu.memory_space<hbm>>
      %dma_wait3A_98 = tpu.memref_squeeze %dma_wait3A_97 : memref<1x64x768xf32, #tpu.memory_space<hbm>> -> memref<64x768xf32, #tpu.memory_space<hbm>>
      %dma_wait3A_99 = arith.constant 0 : i32
      %dma_wait3A_100 = arith.constant 0 : i32
      %dma_wait3A_101 = tpu.memref_slice %arg4[%dma_wait3A_94, %dma_wait3A_99, %dma_wait3A_100] : memref<50x1024x768xf32, #tpu.memory_space<hbm>> -> memref<1x64x768xf32, #tpu.memory_space<hbm>>
      %dma_wait3A_102 = tpu.memref_squeeze %dma_wait3A_101 : memref<1x64x768xf32, #tpu.memory_space<hbm>> -> memref<64x768xf32, #tpu.memory_space<hbm>>
      tpu.wait_dma2 semaphore(%arg10 : memref<!tpu.dma_semaphore, #tpu.memory_space<semaphore_mem>>) src(%arg6 : memref<64x768xf32, #tpu.memory_space<vmem>>) dst(%dma_wait3A_102 : memref<64x768xf32, #tpu.memory_space<hbm>>)
      %add3A_103 = arith.constant 1 : i32
      %add3A_104 = arith.addi %add3A_80, %add3A_103 : i32
      %lt3A_105 = arith.constant 25 : i32
      %lt3A_106 = arith.cmpi slt, %add3A_104, %lt3A_105 : i32
      %convert_element_type3A = arith.extui %lt3A_106 : i1 to i32
      %cond3A = arith.constant 0 : i32
      %cond3A_107 = arith.cmpi ne, %convert_element_type3A, %cond3A : i32
      scf.if %cond3A_107 {
        %add3A_144 = arith.constant 1 : i32
        %add3A_145 = arith.addi %add3A_80, %add3A_144 : i32
        %mul3A_146 = arith.constant 64 : i32
        %mul3A_147 = arith.muli %add3A_145, %mul3A_146 : i32
        %dma_start3A_148 = tpu.memref_slice %arg5[%mul3A_147] : memref<1600xi32, #tpu.memory_space<vmem>> -> memref<64xi32, #tpu.memory_space<vmem>>
        %dma_start3A_149 = arith.constant 0 : i32
        %dma_start3A_150 = arith.constant 0 : i32
        %dma_start3A_151 = tpu.memref_slice %arg3[%dma_start3A_149, %dma_start3A_150] : memref<100000x768xf32, #tpu.memory_space<hbm>> -> memref<100000x768xf32, #tpu.memory_space<hbm>>
        tpu.enqueue_indirect_dma source(%dma_start3A_151 : memref<100000x768xf32, #tpu.memory_space<hbm>>) target(%arg6 : memref<64x768xf32, #tpu.memory_space<vmem>>) offsets(%dma_start3A_148 : memref<64xi32, #tpu.memory_space<vmem>>) semaphore(%arg8 : memref<!tpu.dma_semaphore, #tpu.memory_space<semaphore_mem>>)
      } else {
      }
      %mul3A_108 = arith.constant 2 : i32
      %mul3A_109 = arith.muli %scan3A_73, %mul3A_108 : i32
      %add3A_110 = arith.constant 1 : i32
      %add3A_111 = arith.addi %add3A_110, %mul3A_109 : i32
      %add3A_112 = arith.constant 1 : i32
      %add3A_113 = arith.addi %add3A_111, %add3A_112 : i32
      %mul3A_114 = arith.constant 64 : i32
      %mul3A_115 = arith.muli %add3A_113, %mul3A_114 : i32
      %dma_wait3A_116 = tpu.memref_slice %arg5[%mul3A_115] : memref<1600xi32, #tpu.memory_space<vmem>> -> memref<64xi32, #tpu.memory_space<vmem>>
      %dma_wait3A_117 = arith.constant 0 : i32
      %dma_wait3A_118 = arith.constant 0 : i32
      %dma_wait3A_119 = tpu.memref_slice %arg3[%dma_wait3A_117, %dma_wait3A_118] : memref<100000x768xf32, #tpu.memory_space<hbm>> -> memref<100000x768xf32, #tpu.memory_space<hbm>>
      tpu.wait_indirect_dma semaphore(%arg8 : memref<!tpu.dma_semaphore, #tpu.memory_space<semaphore_mem>>) src(%dma_wait3A_119 : memref<100000x768xf32, #tpu.memory_space<hbm>>) dst(%arg6 : memref<64x768xf32, #tpu.memory_space<vmem>>)
      %add3A_120 = arith.addi %mul3A_34, %add3A_113 : i32
      %dma_start3A_121 = arith.constant 0 : i32
      %dma_start3A_122 = tpu.memref_slice %arg4[%add3A_120, %multiple_of3A, %dma_start3A_121] : memref<50x1024x768xf32, #tpu.memory_space<hbm>> -> memref<1x64x768xf32, #tpu.memory_space<hbm>>
      %dma_start3A_123 = tpu.memref_squeeze %dma_start3A_122 : memref<1x64x768xf32, #tpu.memory_space<hbm>> -> memref<64x768xf32, #tpu.memory_space<hbm>>
      %dma_start3A_124 = arith.constant 0 : i32
      %dma_start3A_125 = tpu.memref_slice %arg4[%add3A_120, %multiple_of3A, %dma_start3A_124] : memref<50x1024x768xf32, #tpu.memory_space<hbm>> -> memref<1x64x768xf32, #tpu.memory_space<hbm>>
      %dma_start3A_126 = tpu.memref_squeeze %dma_start3A_125 : memref<1x64x768xf32, #tpu.memory_space<hbm>> -> memref<64x768xf32, #tpu.memory_space<hbm>>
      tpu.enqueue_dma source(%arg6 : memref<64x768xf32, #tpu.memory_space<vmem>>) target(%dma_start3A_126 : memref<64x768xf32, #tpu.memory_space<hbm>>) target_semaphore(%arg10 : memref<!tpu.dma_semaphore, #tpu.memory_space<semaphore_mem>>)
      %dma_wait3A_127 = arith.constant 0 : i32
      %dma_wait3A_128 = arith.constant 0 : i32
      %dma_wait3A_129 = arith.constant 0 : i32
      %dma_wait3A_130 = tpu.memref_slice %arg4[%dma_wait3A_127, %dma_wait3A_128, %dma_wait3A_129] : memref<50x1024x768xf32, #tpu.memory_space<hbm>> -> memref<1x64x768xf32, #tpu.memory_space<hbm>>
      %dma_wait3A_131 = tpu.memref_squeeze %dma_wait3A_130 : memref<1x64x768xf32, #tpu.memory_space<hbm>> -> memref<64x768xf32, #tpu.memory_space<hbm>>
      %dma_wait3A_132 = arith.constant 0 : i32
      %dma_wait3A_133 = arith.constant 0 : i32
      %dma_wait3A_134 = tpu.memref_slice %arg4[%dma_wait3A_127, %dma_wait3A_132, %dma_wait3A_133] : memref<50x1024x768xf32, #tpu.memory_space<hbm>> -> memref<1x64x768xf32, #tpu.memory_space<hbm>>
      %dma_wait3A_135 = tpu.memref_squeeze %dma_wait3A_134 : memref<1x64x768xf32, #tpu.memory_space<hbm>> -> memref<64x768xf32, #tpu.memory_space<hbm>>
      tpu.wait_dma2 semaphore(%arg11 : memref<!tpu.dma_semaphore, #tpu.memory_space<semaphore_mem>>) src(%arg7 : memref<64x768xf32, #tpu.memory_space<vmem>>) dst(%dma_wait3A_135 : memref<64x768xf32, #tpu.memory_space<hbm>>)
      %add3A_136 = arith.constant 1 : i32
      %add3A_137 = arith.addi %add3A_113, %add3A_136 : i32
      %lt3A_138 = arith.constant 25 : i32
      %lt3A_139 = arith.cmpi slt, %add3A_137, %lt3A_138 : i32
      %convert_element_type3A_140 = arith.extui %lt3A_139 : i1 to i32
      %cond3A_141 = arith.constant 0 : i32
      %cond3A_142 = arith.cmpi ne, %convert_element_type3A_140, %cond3A_141 : i32
      scf.if %cond3A_142 {
        %add3A_144 = arith.constant 1 : i32
        %add3A_145 = arith.addi %add3A_113, %add3A_144 : i32
        %mul3A_146 = arith.constant 64 : i32
        %mul3A_147 = arith.muli %add3A_145, %mul3A_146 : i32
        %dma_start3A_148 = tpu.memref_slice %arg5[%mul3A_147] : memref<1600xi32, #tpu.memory_space<vmem>> -> memref<64xi32, #tpu.memory_space<vmem>>
        %dma_start3A_149 = arith.constant 0 : i32
        %dma_start3A_150 = arith.constant 0 : i32
        %dma_start3A_151 = tpu.memref_slice %arg3[%dma_start3A_149, %dma_start3A_150] : memref<100000x768xf32, #tpu.memory_space<hbm>> -> memref<100000x768xf32, #tpu.memory_space<hbm>>
        tpu.enqueue_indirect_dma source(%dma_start3A_151 : memref<100000x768xf32, #tpu.memory_space<hbm>>) target(%arg7 : memref<64x768xf32, #tpu.memory_space<vmem>>) offsets(%dma_start3A_148 : memref<64xi32, #tpu.memory_space<vmem>>) semaphore(%arg9 : memref<!tpu.dma_semaphore, #tpu.memory_space<semaphore_mem>>)
      } else {
      }
      %scan3A_143 = arith.constant 0 : i32
      scf.yield %scan3A_143 : i32
    }
    %scan3A_63 = arith.constant 12 : i32
    %dma_wait3A_64 = arith.constant 0 : i32
    %dma_wait3A_65 = arith.constant 0 : i32
    %dma_wait3A_66 = arith.constant 0 : i32
    %dma_wait3A_67 = tpu.memref_slice %arg4[%dma_wait3A_64, %dma_wait3A_65, %dma_wait3A_66] : memref<50x1024x768xf32, #tpu.memory_space<hbm>> -> memref<1x64x768xf32, #tpu.memory_space<hbm>>
    %dma_wait3A_68 = tpu.memref_squeeze %dma_wait3A_67 : memref<1x64x768xf32, #tpu.memory_space<hbm>> -> memref<64x768xf32, #tpu.memory_space<hbm>>
    %dma_wait3A_69 = arith.constant 0 : i32
    %dma_wait3A_70 = arith.constant 0 : i32
    %dma_wait3A_71 = tpu.memref_slice %arg4[%dma_wait3A_64, %dma_wait3A_69, %dma_wait3A_70] : memref<50x1024x768xf32, #tpu.memory_space<hbm>> -> memref<1x64x768xf32, #tpu.memory_space<hbm>>
    %dma_wait3A_72 = tpu.memref_squeeze %dma_wait3A_71 : memref<1x64x768xf32, #tpu.memory_space<hbm>> -> memref<64x768xf32, #tpu.memory_space<hbm>>
    tpu.wait_dma2 semaphore(%arg10 : memref<!tpu.dma_semaphore, #tpu.memory_space<semaphore_mem>>) src(%arg6 : memref<64x768xf32, #tpu.memory_space<vmem>>) dst(%dma_wait3A_72 : memref<64x768xf32, #tpu.memory_space<hbm>>)
    return
  }
}

#map = affine_map<(d0, d1) -> (0)>
#map1 = affine_map<(d0, d1) -> (0, 0)>
#map2 = affine_map<(d0, d1) -> (0, 0, 0)>
module attributes {stable_mosaic.version = 14 : i64} {
  func.func @gk(%arg0: i32, %arg1: i32, %arg2: memref<51200xi32, #tpu.memory_space<hbm>>, %arg3: memref<100000x768xf32, #tpu.memory_space<hbm>>, %arg4: memref<50x1024x768xf32, #tpu.memory_space<hbm>>, %arg5: memref<1600xi32, #tpu.memory_space<vmem>>, %arg6: memref<64x768xf32, #tpu.memory_space<vmem>>, %arg7: memref<64x768xf32, #tpu.memory_space<vmem>>, %arg8: memref<!tpu.dma_semaphore, #tpu.memory_space<semaphore_mem>>, %arg9: memref<!tpu.dma_semaphore, #tpu.memory_space<semaphore_mem>>, %arg10: memref<!tpu.dma_semaphore, #tpu.memory_space<semaphore_mem>>, %arg11: memref<!tpu.dma_semaphore, #tpu.memory_space<semaphore_mem>>) attributes {dimension_semantics = [#tpu.dimension_semantics<core_parallel>, #tpu.dimension_semantics<subcore_parallel>], iteration_bounds = array<i64: 2, 16>, scalar_prefetch = 0 : i64, scratch_operands = 7 : i64, tpu.core_type = #tpu.core_type<sc_vector_subcore>, window_params = [{transform_indices = #map}, {transform_indices = #map1}, {transform_indices = #map2}]} {
    %mul3A = arith.constant 2 : i32
    %mul3A_0 = arith.muli %arg1, %mul3A : i32
    %add3A = arith.addi %mul3A_0, %arg0 : i32
    %jit3A = arith.constant 16 : i32
    %div3A = arith.divsi %add3A, %jit3A : i32
    %sign3A = arith.constant 0 : i32
    %sign3A_1 = arith.cmpi sgt, %add3A, %sign3A : i32
    %sign3A_2 = arith.extui %sign3A_1 : i1 to i32
    %sign3A_3 = arith.constant 0 : i32
    %sign3A_4 = arith.cmpi slt, %add3A, %sign3A_3 : i32
    %sign3A_5 = arith.extui %sign3A_4 : i1 to i32
    %sign3A_6 = arith.subi %sign3A_2, %sign3A_5 : i32
    %sign3A_7 = arith.constant 0 : i32
    %sign3A_8 = arith.cmpi sgt, %jit3A, %sign3A_7 : i32
    %sign3A_9 = arith.extui %sign3A_8 : i1 to i32
    %sign3A_10 = arith.constant 0 : i32
    %sign3A_11 = arith.cmpi slt, %jit3A, %sign3A_10 : i32
    %sign3A_12 = arith.extui %sign3A_11 : i1 to i32
    %sign3A_13 = arith.subi %sign3A_9, %sign3A_12 : i32
    %ne3A = arith.cmpi ne, %sign3A_6, %sign3A_13 : i32
    %rem3A = arith.remsi %add3A, %jit3A : i32
    %ne3A_14 = arith.constant 0 : i32
    %ne3A_15 = arith.cmpi ne, %rem3A, %ne3A_14 : i32
    %and3A = arith.andi %ne3A, %ne3A_15 : i1
    %sub3A = arith.constant 1 : i32
    %sub3A_16 = arith.subi %div3A, %sub3A : i32
    %select_n3A = arith.select %and3A, %sub3A_16, %div3A : i32
    %jit3A_17 = arith.constant 16 : i32
    %eq3A = arith.constant 0 : i32
    %eq3A_18 = arith.cmpi eq, %jit3A_17, %eq3A : i32
    %jit3A_19 = arith.constant 1 : i32
    %select_n3A_20 = arith.select %eq3A_18, %jit3A_19, %jit3A_17 : i32
    %rem3A_21 = arith.remsi %add3A, %select_n3A_20 : i32
    %ne3A_22 = arith.constant 0 : i32
    %ne3A_23 = arith.cmpi ne, %rem3A_21, %ne3A_22 : i32
    %lt3A = arith.constant 0 : i32
    %lt3A_24 = arith.cmpi slt, %rem3A_21, %lt3A : i32
    %lt3A_25 = arith.constant 0 : i32
    %lt3A_26 = arith.cmpi slt, %select_n3A_20, %lt3A_25 : i32
    %ne3A_27 = arith.xori %lt3A_24, %lt3A_26 : i1
    %and3A_28 = arith.andi %ne3A_27, %ne3A_23 : i1
    %add3A_29 = arith.addi %rem3A_21, %select_n3A_20 : i32
    %select_n3A_30 = arith.select %and3A_28, %add3A_29, %rem3A_21 : i32
    %mul3A_31 = arith.constant 64 : i32
    %mul3A_32 = arith.muli %select_n3A_30, %mul3A_31 : i32
    %multiple_of3A = tpu.assume_multiple %mul3A_32, 64 : i32
    %mul3A_33 = arith.constant 25 : i32
    %mul3A_34 = arith.muli %select_n3A, %mul3A_33 : i32
    %mul3A_35 = arith.constant 1600 : i32
    %mul3A_36 = arith.muli %add3A, %mul3A_35 : i32
    "tpu.region"() ({
      %run_scoped3A = tpu.sem_alloc : memref<!tpu.dma_semaphore, #tpu.memory_space<semaphore_mem>>
      %dma_start3A_73 = tpu.memref_slice %arg2[%mul3A_36] : memref<51200xi32, #tpu.memory_space<hbm>> -> memref<1600xi32, #tpu.memory_space<hbm>>
      %dma_start3A_74 = tpu.memref_slice %arg2[%mul3A_36] : memref<51200xi32, #tpu.memory_space<hbm>> -> memref<1600xi32, #tpu.memory_space<hbm>>
      tpu.enqueue_dma source(%dma_start3A_74 : memref<1600xi32, #tpu.memory_space<hbm>>) target(%arg5 : memref<1600xi32, #tpu.memory_space<vmem>>) target_semaphore(%run_scoped3A : memref<!tpu.dma_semaphore, #tpu.memory_space<semaphore_mem>>)
      %dma_wait3A_75 = tpu.memref_slice %arg2[%mul3A_36] : memref<51200xi32, #tpu.memory_space<hbm>> -> memref<1600xi32, #tpu.memory_space<hbm>>
      %dma_wait3A_76 = tpu.memref_slice %arg2[%mul3A_36] : memref<51200xi32, #tpu.memory_space<hbm>> -> memref<1600xi32, #tpu.memory_space<hbm>>
      tpu.wait_dma2 semaphore(%run_scoped3A : memref<!tpu.dma_semaphore, #tpu.memory_space<semaphore_mem>>) src(%dma_wait3A_76 : memref<1600xi32, #tpu.memory_space<hbm>>) dst(%arg5 : memref<1600xi32, #tpu.memory_space<vmem>>)
      tpu.yield
    }) : () -> ()
    %dma_start3A = arith.constant 0 : i32
    %dma_start3A_37 = tpu.memref_slice %arg5[%dma_start3A] : memref<1600xi32, #tpu.memory_space<vmem>> -> memref<64xi32, #tpu.memory_space<vmem>>
    %dma_start3A_38 = arith.constant 0 : i32
    %dma_start3A_39 = arith.constant 0 : i32
    %dma_start3A_40 = tpu.memref_slice %arg3[%dma_start3A_38, %dma_start3A_39] : memref<100000x768xf32, #tpu.memory_space<hbm>> -> memref<100000x768xf32, #tpu.memory_space<hbm>>
    tpu.enqueue_indirect_dma source(%dma_start3A_40 : memref<100000x768xf32, #tpu.memory_space<hbm>>) target(%arg6 : memref<64x768xf32, #tpu.memory_space<vmem>>) offsets(%dma_start3A_37 : memref<64xi32, #tpu.memory_space<vmem>>) semaphore(%arg8 : memref<!tpu.dma_semaphore, #tpu.memory_space<semaphore_mem>>)
    %dma_wait3A = arith.constant 0 : i32
    %dma_wait3A_41 = tpu.memref_slice %arg5[%dma_wait3A] : memref<1600xi32, #tpu.memory_space<vmem>> -> memref<64xi32, #tpu.memory_space<vmem>>
    %dma_wait3A_42 = arith.constant 0 : i32
    %dma_wait3A_43 = arith.constant 0 : i32
    %dma_wait3A_44 = tpu.memref_slice %arg3[%dma_wait3A_42, %dma_wait3A_43] : memref<100000x768xf32, #tpu.memory_space<hbm>> -> memref<100000x768xf32, #tpu.memory_space<hbm>>
    tpu.wait_indirect_dma semaphore(%arg8 : memref<!tpu.dma_semaphore, #tpu.memory_space<semaphore_mem>>) src(%dma_wait3A_44 : memref<100000x768xf32, #tpu.memory_space<hbm>>) dst(%arg6 : memref<64x768xf32, #tpu.memory_space<vmem>>)
    %add3A_45 = arith.constant 0 : i32
    %add3A_46 = arith.addi %mul3A_34, %add3A_45 : i32
    %dma_start3A_47 = arith.constant 0 : i32
    %dma_start3A_48 = tpu.memref_slice %arg4[%add3A_46, %multiple_of3A, %dma_start3A_47] : memref<50x1024x768xf32, #tpu.memory_space<hbm>> -> memref<1x64x768xf32, #tpu.memory_space<hbm>>
    %dma_start3A_49 = tpu.memref_squeeze %dma_start3A_48 : memref<1x64x768xf32, #tpu.memory_space<hbm>> -> memref<64x768xf32, #tpu.memory_space<hbm>>
    %dma_start3A_50 = arith.constant 0 : i32
    %dma_start3A_51 = tpu.memref_slice %arg4[%add3A_46, %multiple_of3A, %dma_start3A_50] : memref<50x1024x768xf32, #tpu.memory_space<hbm>> -> memref<1x64x768xf32, #tpu.memory_space<hbm>>
    %dma_start3A_52 = tpu.memref_squeeze %dma_start3A_51 : memref<1x64x768xf32, #tpu.memory_space<hbm>> -> memref<64x768xf32, #tpu.memory_space<hbm>>
    tpu.enqueue_dma source(%arg6 : memref<64x768xf32, #tpu.memory_space<vmem>>) target(%dma_start3A_52 : memref<64x768xf32, #tpu.memory_space<hbm>>) target_semaphore(%arg10 : memref<!tpu.dma_semaphore, #tpu.memory_space<semaphore_mem>>)
    %dma_start3A_53 = arith.constant 64 : i32
    %dma_start3A_54 = tpu.memref_slice %arg5[%dma_start3A_53] : memref<1600xi32, #tpu.memory_space<vmem>> -> memref<64xi32, #tpu.memory_space<vmem>>
    %dma_start3A_55 = arith.constant 0 : i32
    %dma_start3A_56 = arith.constant 0 : i32
    %dma_start3A_57 = tpu.memref_slice %arg3[%dma_start3A_55, %dma_start3A_56] : memref<100000x768xf32, #tpu.memory_space<hbm>> -> memref<100000x768xf32, #tpu.memory_space<hbm>>
    tpu.enqueue_indirect_dma source(%dma_start3A_57 : memref<100000x768xf32, #tpu.memory_space<hbm>>) target(%arg7 : memref<64x768xf32, #tpu.memory_space<vmem>>) offsets(%dma_start3A_54 : memref<64xi32, #tpu.memory_space<vmem>>) semaphore(%arg9 : memref<!tpu.dma_semaphore, #tpu.memory_space<semaphore_mem>>)
    %scan3A = arith.constant 0 : i32
    %scan3A_58 = arith.constant 0 : i32
    %scan3A_59 = arith.constant 12 : i32
    %scan3A_60 = arith.addi %scan3A_58, %scan3A_59 : i32
    %scan3A_61 = arith.constant 1 : i32
    %scan3A_62 = scf.for %scan3A_73 = %scan3A_58 to %scan3A_60 step %scan3A_61 iter_args(%scan3A_74 = %scan3A) -> (i32)  : i32 {
      %mul3A_75 = arith.constant 2 : i32
      %mul3A_76 = arith.muli %scan3A_73, %mul3A_75 : i32
      %add3A_77 = arith.constant 1 : i32
      %add3A_78 = arith.addi %add3A_77, %mul3A_76 : i32
      %add3A_79 = arith.constant 0 : i32
      %add3A_80 = arith.addi %add3A_78, %add3A_79 : i32
      %mul3A_81 = arith.constant 64 : i32
      %mul3A_82 = arith.muli %add3A_80, %mul3A_81 : i32
      %dma_wait3A_83 = tpu.memref_slice %arg5[%mul3A_82] : memref<1600xi32, #tpu.memory_space<vmem>> -> memref<64xi32, #tpu.memory_space<vmem>>
      %dma_wait3A_84 = arith.constant 0 : i32
      %dma_wait3A_85 = arith.constant 0 : i32
      %dma_wait3A_86 = tpu.memref_slice %arg3[%dma_wait3A_84, %dma_wait3A_85] : memref<100000x768xf32, #tpu.memory_space<hbm>> -> memref<100000x768xf32, #tpu.memory_space<hbm>>
      tpu.wait_indirect_dma semaphore(%arg9 : memref<!tpu.dma_semaphore, #tpu.memory_space<semaphore_mem>>) src(%dma_wait3A_86 : memref<100000x768xf32, #tpu.memory_space<hbm>>) dst(%arg7 : memref<64x768xf32, #tpu.memory_space<vmem>>)
      %add3A_87 = arith.addi %mul3A_34, %add3A_80 : i32
      %dma_start3A_88 = arith.constant 0 : i32
      %dma_start3A_89 = tpu.memref_slice %arg4[%add3A_87, %multiple_of3A, %dma_start3A_88] : memref<50x1024x768xf32, #tpu.memory_space<hbm>> -> memref<1x64x768xf32, #tpu.memory_space<hbm>>
      %dma_start3A_90 = tpu.memref_squeeze %dma_start3A_89 : memref<1x64x768xf32, #tpu.memory_space<hbm>> -> memref<64x768xf32, #tpu.memory_space<hbm>>
      %dma_start3A_91 = arith.constant 0 : i32
      %dma_start3A_92 = tpu.memref_slice %arg4[%add3A_87, %multiple_of3A, %dma_start3A_91] : memref<50x1024x768xf32, #tpu.memory_space<hbm>> -> memref<1x64x768xf32, #tpu.memory_space<hbm>>
      %dma_start3A_93 = tpu.memref_squeeze %dma_start3A_92 : memref<1x64x768xf32, #tpu.memory_space<hbm>> -> memref<64x768xf32, #tpu.memory_space<hbm>>
      tpu.enqueue_dma source(%arg7 : memref<64x768xf32, #tpu.memory_space<vmem>>) target(%dma_start3A_93 : memref<64x768xf32, #tpu.memory_space<hbm>>) target_semaphore(%arg11 : memref<!tpu.dma_semaphore, #tpu.memory_space<semaphore_mem>>)
      %dma_wait3A_94 = arith.constant 0 : i32
      %dma_wait3A_95 = arith.constant 0 : i32
      %dma_wait3A_96 = arith.constant 0 : i32
      %dma_wait3A_97 = tpu.memref_slice %arg4[%dma_wait3A_94, %dma_wait3A_95, %dma_wait3A_96] : memref<50x1024x768xf32, #tpu.memory_space<hbm>> -> memref<1x64x768xf32, #tpu.memory_space<hbm>>
      %dma_wait3A_98 = tpu.memref_squeeze %dma_wait3A_97 : memref<1x64x768xf32, #tpu.memory_space<hbm>> -> memref<64x768xf32, #tpu.memory_space<hbm>>
      %dma_wait3A_99 = arith.constant 0 : i32
      %dma_wait3A_100 = arith.constant 0 : i32
      %dma_wait3A_101 = tpu.memref_slice %arg4[%dma_wait3A_94, %dma_wait3A_99, %dma_wait3A_100] : memref<50x1024x768xf32, #tpu.memory_space<hbm>> -> memref<1x64x768xf32, #tpu.memory_space<hbm>>
      %dma_wait3A_102 = tpu.memref_squeeze %dma_wait3A_101 : memref<1x64x768xf32, #tpu.memory_space<hbm>> -> memref<64x768xf32, #tpu.memory_space<hbm>>
      tpu.wait_dma2 semaphore(%arg10 : memref<!tpu.dma_semaphore, #tpu.memory_space<semaphore_mem>>) src(%arg6 : memref<64x768xf32, #tpu.memory_space<vmem>>) dst(%dma_wait3A_102 : memref<64x768xf32, #tpu.memory_space<hbm>>)
      %add3A_103 = arith.constant 1 : i32
      %add3A_104 = arith.addi %add3A_80, %add3A_103 : i32
      %lt3A_105 = arith.constant 25 : i32
      %lt3A_106 = arith.cmpi slt, %add3A_104, %lt3A_105 : i32
      %convert_element_type3A = arith.extui %lt3A_106 : i1 to i32
      %cond3A = arith.constant 0 : i32
      %cond3A_107 = arith.cmpi ne, %convert_element_type3A, %cond3A : i32
      scf.if %cond3A_107 {
        %add3A_144 = arith.constant 1 : i32
        %add3A_145 = arith.addi %add3A_80, %add3A_144 : i32
        %mul3A_146 = arith.constant 64 : i32
        %mul3A_147 = arith.muli %add3A_145, %mul3A_146 : i32
        %dma_start3A_148 = tpu.memref_slice %arg5[%mul3A_147] : memref<1600xi32, #tpu.memory_space<vmem>> -> memref<64xi32, #tpu.memory_space<vmem>>
        %dma_start3A_149 = arith.constant 0 : i32
        %dma_start3A_150 = arith.constant 0 : i32
        %dma_start3A_151 = tpu.memref_slice %arg3[%dma_start3A_149, %dma_start3A_150] : memref<100000x768xf32, #tpu.memory_space<hbm>> -> memref<100000x768xf32, #tpu.memory_space<hbm>>
        tpu.enqueue_indirect_dma source(%dma_start3A_151 : memref<100000x768xf32, #tpu.memory_space<hbm>>) target(%arg6 : memref<64x768xf32, #tpu.memory_space<vmem>>) offsets(%dma_start3A_148 : memref<64xi32, #tpu.memory_space<vmem>>) semaphore(%arg8 : memref<!tpu.dma_semaphore, #tpu.memory_space<semaphore_mem>>)
      } else {
      }
      %mul3A_108 = arith.constant 2 : i32
      %mul3A_109 = arith.muli %scan3A_73, %mul3A_108 : i32
      %add3A_110 = arith.constant 1 : i32
      %add3A_111 = arith.addi %add3A_110, %mul3A_109 : i32
      %add3A_112 = arith.constant 1 : i32
      %add3A_113 = arith.addi %add3A_111, %add3A_112 : i32
      %mul3A_114 = arith.constant 64 : i32
      %mul3A_115 = arith.muli %add3A_113, %mul3A_114 : i32
      %dma_wait3A_116 = tpu.memref_slice %arg5[%mul3A_115] : memref<1600xi32, #tpu.memory_space<vmem>> -> memref<64xi32, #tpu.memory_space<vmem>>
      %dma_wait3A_117 = arith.constant 0 : i32
      %dma_wait3A_118 = arith.constant 0 : i32
      %dma_wait3A_119 = tpu.memref_slice %arg3[%dma_wait3A_117, %dma_wait3A_118] : memref<100000x768xf32, #tpu.memory_space<hbm>> -> memref<100000x768xf32, #tpu.memory_space<hbm>>
      tpu.wait_indirect_dma semaphore(%arg8 : memref<!tpu.dma_semaphore, #tpu.memory_space<semaphore_mem>>) src(%dma_wait3A_119 : memref<100000x768xf32, #tpu.memory_space<hbm>>) dst(%arg6 : memref<64x768xf32, #tpu.memory_space<vmem>>)
      %add3A_120 = arith.addi %mul3A_34, %add3A_113 : i32
      %dma_start3A_121 = arith.constant 0 : i32
      %dma_start3A_122 = tpu.memref_slice %arg4[%add3A_120, %multiple_of3A, %dma_start3A_121] : memref<50x1024x768xf32, #tpu.memory_space<hbm>> -> memref<1x64x768xf32, #tpu.memory_space<hbm>>
      %dma_start3A_123 = tpu.memref_squeeze %dma_start3A_122 : memref<1x64x768xf32, #tpu.memory_space<hbm>> -> memref<64x768xf32, #tpu.memory_space<hbm>>
      %dma_start3A_124 = arith.constant 0 : i32
      %dma_start3A_125 = tpu.memref_slice %arg4[%add3A_120, %multiple_of3A, %dma_start3A_124] : memref<50x1024x768xf32, #tpu.memory_space<hbm>> -> memref<1x64x768xf32, #tpu.memory_space<hbm>>
      %dma_start3A_126 = tpu.memref_squeeze %dma_start3A_125 : memref<1x64x768xf32, #tpu.memory_space<hbm>> -> memref<64x768xf32, #tpu.memory_space<hbm>>
      tpu.enqueue_dma source(%arg6 : memref<64x768xf32, #tpu.memory_space<vmem>>) target(%dma_start3A_126 : memref<64x768xf32, #tpu.memory_space<hbm>>) target_semaphore(%arg10 : memref<!tpu.dma_semaphore, #tpu.memory_space<semaphore_mem>>)
      %dma_wait3A_127 = arith.constant 0 : i32
      %dma_wait3A_128 = arith.constant 0 : i32
      %dma_wait3A_129 = arith.constant 0 : i32
      %dma_wait3A_130 = tpu.memref_slice %arg4[%dma_wait3A_127, %dma_wait3A_128, %dma_wait3A_129] : memref<50x1024x768xf32, #tpu.memory_space<hbm>> -> memref<1x64x768xf32, #tpu.memory_space<hbm>>
      %dma_wait3A_131 = tpu.memref_squeeze %dma_wait3A_130 : memref<1x64x768xf32, #tpu.memory_space<hbm>> -> memref<64x768xf32, #tpu.memory_space<hbm>>
      %dma_wait3A_132 = arith.constant 0 : i32
      %dma_wait3A_133 = arith.constant 0 : i32
      %dma_wait3A_134 = tpu.memref_slice %arg4[%dma_wait3A_127, %dma_wait3A_132, %dma_wait3A_133] : memref<50x1024x768xf32, #tpu.memory_space<hbm>> -> memref<1x64x768xf32, #tpu.memory_space<hbm>>
      %dma_wait3A_135 = tpu.memref_squeeze %dma_wait3A_134 : memref<1x64x768xf32, #tpu.memory_space<hbm>> -> memref<64x768xf32, #tpu.memory_space<hbm>>
      tpu.wait_dma2 semaphore(%arg11 : memref<!tpu.dma_semaphore, #tpu.memory_space<semaphore_mem>>) src(%arg7 : memref<64x768xf32, #tpu.memory_space<vmem>>) dst(%dma_wait3A_135 : memref<64x768xf32, #tpu.memory_space<hbm>>)
      %add3A_136 = arith.constant 1 : i32
      %add3A_137 = arith.addi %add3A_113, %add3A_136 : i32
      %lt3A_138 = arith.constant 25 : i32
      %lt3A_139 = arith.cmpi slt, %add3A_137, %lt3A_138 : i32
      %convert_element_type3A_140 = arith.extui %lt3A_139 : i1 to i32
      %cond3A_141 = arith.constant 0 : i32
      %cond3A_142 = arith.cmpi ne, %convert_element_type3A_140, %cond3A_141 : i32
      scf.if %cond3A_142 {
        %add3A_144 = arith.constant 1 : i32
        %add3A_145 = arith.addi %add3A_113, %add3A_144 : i32
        %mul3A_146 = arith.constant 64 : i32
        %mul3A_147 = arith.muli %add3A_145, %mul3A_146 : i32
        %dma_start3A_148 = tpu.memref_slice %arg5[%mul3A_147] : memref<1600xi32, #tpu.memory_space<vmem>> -> memref<64xi32, #tpu.memory_space<vmem>>
        %dma_start3A_149 = arith.constant 0 : i32
        %dma_start3A_150 = arith.constant 0 : i32
        %dma_start3A_151 = tpu.memref_slice %arg3[%dma_start3A_149, %dma_start3A_150] : memref<100000x768xf32, #tpu.memory_space<hbm>> -> memref<100000x768xf32, #tpu.memory_space<hbm>>
        tpu.enqueue_indirect_dma source(%dma_start3A_151 : memref<100000x768xf32, #tpu.memory_space<hbm>>) target(%arg7 : memref<64x768xf32, #tpu.memory_space<vmem>>) offsets(%dma_start3A_148 : memref<64xi32, #tpu.memory_space<vmem>>) semaphore(%arg9 : memref<!tpu.dma_semaphore, #tpu.memory_space<semaphore_mem>>)
      } else {
      }
      %scan3A_143 = arith.constant 0 : i32
      scf.yield %scan3A_143 : i32
    }
    %scan3A_63 = arith.constant 12 : i32
    %dma_wait3A_64 = arith.constant 0 : i32
    %dma_wait3A_65 = arith.constant 0 : i32
    %dma_wait3A_66 = arith.constant 0 : i32
    %dma_wait3A_67 = tpu.memref_slice %arg4[%dma_wait3A_64, %dma_wait3A_65, %dma_wait3A_66] : memref<50x1024x768xf32, #tpu.memory_space<hbm>> -> memref<1x64x768xf32, #tpu.memory_space<hbm>>
    %dma_wait3A_68 = tpu.memref_squeeze %dma_wait3A_67 : memref<1x64x768xf32, #tpu.memory_space<hbm>> -> memref<64x768xf32, #tpu.memory_space<hbm>>
    %dma_wait3A_69 = arith.constant 0 : i32
    %dma_wait3A_70 = arith.constant 0 : i32
    %dma_wait3A_71 = tpu.memref_slice %arg4[%dma_wait3A_64, %dma_wait3A_69, %dma_wait3A_70] : memref<50x1024x768xf32, #tpu.memory_space<hbm>> -> memref<1x64x768xf32, #tpu.memory_space<hbm>>
    %dma_wait3A_72 = tpu.memref_squeeze %dma_wait3A_71 : memref<1x64x768xf32, #tpu.memory_space<hbm>> -> memref<64x768xf32, #tpu.memory_space<hbm>>
    tpu.wait_dma2 semaphore(%arg10 : memref<!tpu.dma_semaphore, #tpu.memory_space<semaphore_mem>>) src(%arg6 : memref<64x768xf32, #tpu.memory_space<vmem>>) dst(%dma_wait3A_72 : memref<64x768xf32, #tpu.memory_space<hbm>>)
    return
  }
}

#map = affine_map<(d0, d1) -> (0)>
#map1 = affine_map<(d0, d1) -> (0, 0)>
#map2 = affine_map<(d0, d1) -> (0, 0, 0)>
module attributes {stable_mosaic.version = 14 : i64} {
  func.func @gk(%arg0: i32, %arg1: i32, %arg2: memref<51200xi32, #tpu.memory_space<hbm>>, %arg3: memref<100000x768xf32, #tpu.memory_space<hbm>>, %arg4: memref<50x1024x768xf32, #tpu.memory_space<hbm>>, %arg5: memref<1600xi32, #tpu.memory_space<vmem>>, %arg6: memref<64x768xf32, #tpu.memory_space<vmem>>, %arg7: memref<64x768xf32, #tpu.memory_space<vmem>>, %arg8: memref<!tpu.dma_semaphore, #tpu.memory_space<semaphore_mem>>, %arg9: memref<!tpu.dma_semaphore, #tpu.memory_space<semaphore_mem>>, %arg10: memref<!tpu.dma_semaphore, #tpu.memory_space<semaphore_mem>>, %arg11: memref<!tpu.dma_semaphore, #tpu.memory_space<semaphore_mem>>) attributes {dimension_semantics = [#tpu.dimension_semantics<core_parallel>, #tpu.dimension_semantics<subcore_parallel>], iteration_bounds = array<i64: 2, 16>, scalar_prefetch = 0 : i64, scratch_operands = 7 : i64, tpu.core_type = #tpu.core_type<sc_vector_subcore>, window_params = [{transform_indices = #map}, {transform_indices = #map1}, {transform_indices = #map2}]} {
    %mul3A = arith.constant 2 : i32
    %mul3A_0 = arith.muli %arg1, %mul3A : i32
    %add3A = arith.addi %mul3A_0, %arg0 : i32
    %jit3A = arith.constant 16 : i32
    %div3A = arith.divsi %add3A, %jit3A : i32
    %sign3A = arith.constant 0 : i32
    %sign3A_1 = arith.cmpi sgt, %add3A, %sign3A : i32
    %sign3A_2 = arith.extui %sign3A_1 : i1 to i32
    %sign3A_3 = arith.constant 0 : i32
    %sign3A_4 = arith.cmpi slt, %add3A, %sign3A_3 : i32
    %sign3A_5 = arith.extui %sign3A_4 : i1 to i32
    %sign3A_6 = arith.subi %sign3A_2, %sign3A_5 : i32
    %sign3A_7 = arith.constant 0 : i32
    %sign3A_8 = arith.cmpi sgt, %jit3A, %sign3A_7 : i32
    %sign3A_9 = arith.extui %sign3A_8 : i1 to i32
    %sign3A_10 = arith.constant 0 : i32
    %sign3A_11 = arith.cmpi slt, %jit3A, %sign3A_10 : i32
    %sign3A_12 = arith.extui %sign3A_11 : i1 to i32
    %sign3A_13 = arith.subi %sign3A_9, %sign3A_12 : i32
    %ne3A = arith.cmpi ne, %sign3A_6, %sign3A_13 : i32
    %rem3A = arith.remsi %add3A, %jit3A : i32
    %ne3A_14 = arith.constant 0 : i32
    %ne3A_15 = arith.cmpi ne, %rem3A, %ne3A_14 : i32
    %and3A = arith.andi %ne3A, %ne3A_15 : i1
    %sub3A = arith.constant 1 : i32
    %sub3A_16 = arith.subi %div3A, %sub3A : i32
    %select_n3A = arith.select %and3A, %sub3A_16, %div3A : i32
    %jit3A_17 = arith.constant 16 : i32
    %eq3A = arith.constant 0 : i32
    %eq3A_18 = arith.cmpi eq, %jit3A_17, %eq3A : i32
    %jit3A_19 = arith.constant 1 : i32
    %select_n3A_20 = arith.select %eq3A_18, %jit3A_19, %jit3A_17 : i32
    %rem3A_21 = arith.remsi %add3A, %select_n3A_20 : i32
    %ne3A_22 = arith.constant 0 : i32
    %ne3A_23 = arith.cmpi ne, %rem3A_21, %ne3A_22 : i32
    %lt3A = arith.constant 0 : i32
    %lt3A_24 = arith.cmpi slt, %rem3A_21, %lt3A : i32
    %lt3A_25 = arith.constant 0 : i32
    %lt3A_26 = arith.cmpi slt, %select_n3A_20, %lt3A_25 : i32
    %ne3A_27 = arith.xori %lt3A_24, %lt3A_26 : i1
    %and3A_28 = arith.andi %ne3A_27, %ne3A_23 : i1
    %add3A_29 = arith.addi %rem3A_21, %select_n3A_20 : i32
    %select_n3A_30 = arith.select %and3A_28, %add3A_29, %rem3A_21 : i32
    %mul3A_31 = arith.constant 64 : i32
    %mul3A_32 = arith.muli %select_n3A_30, %mul3A_31 : i32
    %multiple_of3A = tpu.assume_multiple %mul3A_32, 64 : i32
    %mul3A_33 = arith.constant 25 : i32
    %mul3A_34 = arith.muli %select_n3A, %mul3A_33 : i32
    %mul3A_35 = arith.constant 1600 : i32
    %mul3A_36 = arith.muli %add3A, %mul3A_35 : i32
    "tpu.region"() ({
      %run_scoped3A = tpu.sem_alloc : memref<!tpu.dma_semaphore, #tpu.memory_space<semaphore_mem>>
      %dma_start3A_73 = tpu.memref_slice %arg2[%mul3A_36] : memref<51200xi32, #tpu.memory_space<hbm>> -> memref<1600xi32, #tpu.memory_space<hbm>>
      %dma_start3A_74 = tpu.memref_slice %arg2[%mul3A_36] : memref<51200xi32, #tpu.memory_space<hbm>> -> memref<1600xi32, #tpu.memory_space<hbm>>
      tpu.enqueue_dma source(%dma_start3A_74 : memref<1600xi32, #tpu.memory_space<hbm>>) target(%arg5 : memref<1600xi32, #tpu.memory_space<vmem>>) target_semaphore(%run_scoped3A : memref<!tpu.dma_semaphore, #tpu.memory_space<semaphore_mem>>)
      %dma_wait3A_75 = tpu.memref_slice %arg2[%mul3A_36] : memref<51200xi32, #tpu.memory_space<hbm>> -> memref<1600xi32, #tpu.memory_space<hbm>>
      %dma_wait3A_76 = tpu.memref_slice %arg2[%mul3A_36] : memref<51200xi32, #tpu.memory_space<hbm>> -> memref<1600xi32, #tpu.memory_space<hbm>>
      tpu.wait_dma2 semaphore(%run_scoped3A : memref<!tpu.dma_semaphore, #tpu.memory_space<semaphore_mem>>) src(%dma_wait3A_76 : memref<1600xi32, #tpu.memory_space<hbm>>) dst(%arg5 : memref<1600xi32, #tpu.memory_space<vmem>>)
      tpu.yield
    }) : () -> ()
    %dma_start3A = arith.constant 0 : i32
    %dma_start3A_37 = tpu.memref_slice %arg5[%dma_start3A] : memref<1600xi32, #tpu.memory_space<vmem>> -> memref<64xi32, #tpu.memory_space<vmem>>
    %dma_start3A_38 = arith.constant 0 : i32
    %dma_start3A_39 = arith.constant 0 : i32
    %dma_start3A_40 = tpu.memref_slice %arg3[%dma_start3A_38, %dma_start3A_39] : memref<100000x768xf32, #tpu.memory_space<hbm>> -> memref<100000x768xf32, #tpu.memory_space<hbm>>
    tpu.enqueue_indirect_dma source(%dma_start3A_40 : memref<100000x768xf32, #tpu.memory_space<hbm>>) target(%arg6 : memref<64x768xf32, #tpu.memory_space<vmem>>) offsets(%dma_start3A_37 : memref<64xi32, #tpu.memory_space<vmem>>) semaphore(%arg8 : memref<!tpu.dma_semaphore, #tpu.memory_space<semaphore_mem>>)
    %dma_wait3A = arith.constant 0 : i32
    %dma_wait3A_41 = tpu.memref_slice %arg5[%dma_wait3A] : memref<1600xi32, #tpu.memory_space<vmem>> -> memref<64xi32, #tpu.memory_space<vmem>>
    %dma_wait3A_42 = arith.constant 0 : i32
    %dma_wait3A_43 = arith.constant 0 : i32
    %dma_wait3A_44 = tpu.memref_slice %arg3[%dma_wait3A_42, %dma_wait3A_43] : memref<100000x768xf32, #tpu.memory_space<hbm>> -> memref<100000x768xf32, #tpu.memory_space<hbm>>
    tpu.wait_indirect_dma semaphore(%arg8 : memref<!tpu.dma_semaphore, #tpu.memory_space<semaphore_mem>>) src(%dma_wait3A_44 : memref<100000x768xf32, #tpu.memory_space<hbm>>) dst(%arg6 : memref<64x768xf32, #tpu.memory_space<vmem>>)
    %add3A_45 = arith.constant 0 : i32
    %add3A_46 = arith.addi %mul3A_34, %add3A_45 : i32
    %dma_start3A_47 = arith.constant 0 : i32
    %dma_start3A_48 = tpu.memref_slice %arg4[%add3A_46, %multiple_of3A, %dma_start3A_47] : memref<50x1024x768xf32, #tpu.memory_space<hbm>> -> memref<1x64x768xf32, #tpu.memory_space<hbm>>
    %dma_start3A_49 = tpu.memref_squeeze %dma_start3A_48 : memref<1x64x768xf32, #tpu.memory_space<hbm>> -> memref<64x768xf32, #tpu.memory_space<hbm>>
    %dma_start3A_50 = arith.constant 0 : i32
    %dma_start3A_51 = tpu.memref_slice %arg4[%add3A_46, %multiple_of3A, %dma_start3A_50] : memref<50x1024x768xf32, #tpu.memory_space<hbm>> -> memref<1x64x768xf32, #tpu.memory_space<hbm>>
    %dma_start3A_52 = tpu.memref_squeeze %dma_start3A_51 : memref<1x64x768xf32, #tpu.memory_space<hbm>> -> memref<64x768xf32, #tpu.memory_space<hbm>>
    tpu.enqueue_dma source(%arg6 : memref<64x768xf32, #tpu.memory_space<vmem>>) target(%dma_start3A_52 : memref<64x768xf32, #tpu.memory_space<hbm>>) target_semaphore(%arg10 : memref<!tpu.dma_semaphore, #tpu.memory_space<semaphore_mem>>)
    %dma_start3A_53 = arith.constant 64 : i32
    %dma_start3A_54 = tpu.memref_slice %arg5[%dma_start3A_53] : memref<1600xi32, #tpu.memory_space<vmem>> -> memref<64xi32, #tpu.memory_space<vmem>>
    %dma_start3A_55 = arith.constant 0 : i32
    %dma_start3A_56 = arith.constant 0 : i32
    %dma_start3A_57 = tpu.memref_slice %arg3[%dma_start3A_55, %dma_start3A_56] : memref<100000x768xf32, #tpu.memory_space<hbm>> -> memref<100000x768xf32, #tpu.memory_space<hbm>>
    tpu.enqueue_indirect_dma source(%dma_start3A_57 : memref<100000x768xf32, #tpu.memory_space<hbm>>) target(%arg7 : memref<64x768xf32, #tpu.memory_space<vmem>>) offsets(%dma_start3A_54 : memref<64xi32, #tpu.memory_space<vmem>>) semaphore(%arg9 : memref<!tpu.dma_semaphore, #tpu.memory_space<semaphore_mem>>)
    %scan3A = arith.constant 0 : i32
    %scan3A_58 = arith.constant 0 : i32
    %scan3A_59 = arith.constant 12 : i32
    %scan3A_60 = arith.addi %scan3A_58, %scan3A_59 : i32
    %scan3A_61 = arith.constant 1 : i32
    %scan3A_62 = scf.for %scan3A_73 = %scan3A_58 to %scan3A_60 step %scan3A_61 iter_args(%scan3A_74 = %scan3A) -> (i32)  : i32 {
      %mul3A_75 = arith.constant 2 : i32
      %mul3A_76 = arith.muli %scan3A_73, %mul3A_75 : i32
      %add3A_77 = arith.constant 1 : i32
      %add3A_78 = arith.addi %add3A_77, %mul3A_76 : i32
      %add3A_79 = arith.constant 0 : i32
      %add3A_80 = arith.addi %add3A_78, %add3A_79 : i32
      %mul3A_81 = arith.constant 64 : i32
      %mul3A_82 = arith.muli %add3A_80, %mul3A_81 : i32
      %dma_wait3A_83 = tpu.memref_slice %arg5[%mul3A_82] : memref<1600xi32, #tpu.memory_space<vmem>> -> memref<64xi32, #tpu.memory_space<vmem>>
      %dma_wait3A_84 = arith.constant 0 : i32
      %dma_wait3A_85 = arith.constant 0 : i32
      %dma_wait3A_86 = tpu.memref_slice %arg3[%dma_wait3A_84, %dma_wait3A_85] : memref<100000x768xf32, #tpu.memory_space<hbm>> -> memref<100000x768xf32, #tpu.memory_space<hbm>>
      tpu.wait_indirect_dma semaphore(%arg9 : memref<!tpu.dma_semaphore, #tpu.memory_space<semaphore_mem>>) src(%dma_wait3A_86 : memref<100000x768xf32, #tpu.memory_space<hbm>>) dst(%arg7 : memref<64x768xf32, #tpu.memory_space<vmem>>)
      %add3A_87 = arith.addi %mul3A_34, %add3A_80 : i32
      %dma_start3A_88 = arith.constant 0 : i32
      %dma_start3A_89 = tpu.memref_slice %arg4[%add3A_87, %multiple_of3A, %dma_start3A_88] : memref<50x1024x768xf32, #tpu.memory_space<hbm>> -> memref<1x64x768xf32, #tpu.memory_space<hbm>>
      %dma_start3A_90 = tpu.memref_squeeze %dma_start3A_89 : memref<1x64x768xf32, #tpu.memory_space<hbm>> -> memref<64x768xf32, #tpu.memory_space<hbm>>
      %dma_start3A_91 = arith.constant 0 : i32
      %dma_start3A_92 = tpu.memref_slice %arg4[%add3A_87, %multiple_of3A, %dma_start3A_91] : memref<50x1024x768xf32, #tpu.memory_space<hbm>> -> memref<1x64x768xf32, #tpu.memory_space<hbm>>
      %dma_start3A_93 = tpu.memref_squeeze %dma_start3A_92 : memref<1x64x768xf32, #tpu.memory_space<hbm>> -> memref<64x768xf32, #tpu.memory_space<hbm>>
      tpu.enqueue_dma source(%arg7 : memref<64x768xf32, #tpu.memory_space<vmem>>) target(%dma_start3A_93 : memref<64x768xf32, #tpu.memory_space<hbm>>) target_semaphore(%arg11 : memref<!tpu.dma_semaphore, #tpu.memory_space<semaphore_mem>>)
      %dma_wait3A_94 = arith.constant 0 : i32
      %dma_wait3A_95 = arith.constant 0 : i32
      %dma_wait3A_96 = arith.constant 0 : i32
      %dma_wait3A_97 = tpu.memref_slice %arg4[%dma_wait3A_94, %dma_wait3A_95, %dma_wait3A_96] : memref<50x1024x768xf32, #tpu.memory_space<hbm>> -> memref<1x64x768xf32, #tpu.memory_space<hbm>>
      %dma_wait3A_98 = tpu.memref_squeeze %dma_wait3A_97 : memref<1x64x768xf32, #tpu.memory_space<hbm>> -> memref<64x768xf32, #tpu.memory_space<hbm>>
      %dma_wait3A_99 = arith.constant 0 : i32
      %dma_wait3A_100 = arith.constant 0 : i32
      %dma_wait3A_101 = tpu.memref_slice %arg4[%dma_wait3A_94, %dma_wait3A_99, %dma_wait3A_100] : memref<50x1024x768xf32, #tpu.memory_space<hbm>> -> memref<1x64x768xf32, #tpu.memory_space<hbm>>
      %dma_wait3A_102 = tpu.memref_squeeze %dma_wait3A_101 : memref<1x64x768xf32, #tpu.memory_space<hbm>> -> memref<64x768xf32, #tpu.memory_space<hbm>>
      tpu.wait_dma2 semaphore(%arg10 : memref<!tpu.dma_semaphore, #tpu.memory_space<semaphore_mem>>) src(%arg6 : memref<64x768xf32, #tpu.memory_space<vmem>>) dst(%dma_wait3A_102 : memref<64x768xf32, #tpu.memory_space<hbm>>)
      %add3A_103 = arith.constant 1 : i32
      %add3A_104 = arith.addi %add3A_80, %add3A_103 : i32
      %lt3A_105 = arith.constant 25 : i32
      %lt3A_106 = arith.cmpi slt, %add3A_104, %lt3A_105 : i32
      %convert_element_type3A = arith.extui %lt3A_106 : i1 to i32
      %cond3A = arith.constant 0 : i32
      %cond3A_107 = arith.cmpi ne, %convert_element_type3A, %cond3A : i32
      scf.if %cond3A_107 {
        %add3A_144 = arith.constant 1 : i32
        %add3A_145 = arith.addi %add3A_80, %add3A_144 : i32
        %mul3A_146 = arith.constant 64 : i32
        %mul3A_147 = arith.muli %add3A_145, %mul3A_146 : i32
        %dma_start3A_148 = tpu.memref_slice %arg5[%mul3A_147] : memref<1600xi32, #tpu.memory_space<vmem>> -> memref<64xi32, #tpu.memory_space<vmem>>
        %dma_start3A_149 = arith.constant 0 : i32
        %dma_start3A_150 = arith.constant 0 : i32
        %dma_start3A_151 = tpu.memref_slice %arg3[%dma_start3A_149, %dma_start3A_150] : memref<100000x768xf32, #tpu.memory_space<hbm>> -> memref<100000x768xf32, #tpu.memory_space<hbm>>
        tpu.enqueue_indirect_dma source(%dma_start3A_151 : memref<100000x768xf32, #tpu.memory_space<hbm>>) target(%arg6 : memref<64x768xf32, #tpu.memory_space<vmem>>) offsets(%dma_start3A_148 : memref<64xi32, #tpu.memory_space<vmem>>) semaphore(%arg8 : memref<!tpu.dma_semaphore, #tpu.memory_space<semaphore_mem>>)
      } else {
      }
      %mul3A_108 = arith.constant 2 : i32
      %mul3A_109 = arith.muli %scan3A_73, %mul3A_108 : i32
      %add3A_110 = arith.constant 1 : i32
      %add3A_111 = arith.addi %add3A_110, %mul3A_109 : i32
      %add3A_112 = arith.constant 1 : i32
      %add3A_113 = arith.addi %add3A_111, %add3A_112 : i32
      %mul3A_114 = arith.constant 64 : i32
      %mul3A_115 = arith.muli %add3A_113, %mul3A_114 : i32
      %dma_wait3A_116 = tpu.memref_slice %arg5[%mul3A_115] : memref<1600xi32, #tpu.memory_space<vmem>> -> memref<64xi32, #tpu.memory_space<vmem>>
      %dma_wait3A_117 = arith.constant 0 : i32
      %dma_wait3A_118 = arith.constant 0 : i32
      %dma_wait3A_119 = tpu.memref_slice %arg3[%dma_wait3A_117, %dma_wait3A_118] : memref<100000x768xf32, #tpu.memory_space<hbm>> -> memref<100000x768xf32, #tpu.memory_space<hbm>>
      tpu.wait_indirect_dma semaphore(%arg8 : memref<!tpu.dma_semaphore, #tpu.memory_space<semaphore_mem>>) src(%dma_wait3A_119 : memref<100000x768xf32, #tpu.memory_space<hbm>>) dst(%arg6 : memref<64x768xf32, #tpu.memory_space<vmem>>)
      %add3A_120 = arith.addi %mul3A_34, %add3A_113 : i32
      %dma_start3A_121 = arith.constant 0 : i32
      %dma_start3A_122 = tpu.memref_slice %arg4[%add3A_120, %multiple_of3A, %dma_start3A_121] : memref<50x1024x768xf32, #tpu.memory_space<hbm>> -> memref<1x64x768xf32, #tpu.memory_space<hbm>>
      %dma_start3A_123 = tpu.memref_squeeze %dma_start3A_122 : memref<1x64x768xf32, #tpu.memory_space<hbm>> -> memref<64x768xf32, #tpu.memory_space<hbm>>
      %dma_start3A_124 = arith.constant 0 : i32
      %dma_start3A_125 = tpu.memref_slice %arg4[%add3A_120, %multiple_of3A, %dma_start3A_124] : memref<50x1024x768xf32, #tpu.memory_space<hbm>> -> memref<1x64x768xf32, #tpu.memory_space<hbm>>
      %dma_start3A_126 = tpu.memref_squeeze %dma_start3A_125 : memref<1x64x768xf32, #tpu.memory_space<hbm>> -> memref<64x768xf32, #tpu.memory_space<hbm>>
      tpu.enqueue_dma source(%arg6 : memref<64x768xf32, #tpu.memory_space<vmem>>) target(%dma_start3A_126 : memref<64x768xf32, #tpu.memory_space<hbm>>) target_semaphore(%arg10 : memref<!tpu.dma_semaphore, #tpu.memory_space<semaphore_mem>>)
      %dma_wait3A_127 = arith.constant 0 : i32
      %dma_wait3A_128 = arith.constant 0 : i32
      %dma_wait3A_129 = arith.constant 0 : i32
      %dma_wait3A_130 = tpu.memref_slice %arg4[%dma_wait3A_127, %dma_wait3A_128, %dma_wait3A_129] : memref<50x1024x768xf32, #tpu.memory_space<hbm>> -> memref<1x64x768xf32, #tpu.memory_space<hbm>>
      %dma_wait3A_131 = tpu.memref_squeeze %dma_wait3A_130 : memref<1x64x768xf32, #tpu.memory_space<hbm>> -> memref<64x768xf32, #tpu.memory_space<hbm>>
      %dma_wait3A_132 = arith.constant 0 : i32
      %dma_wait3A_133 = arith.constant 0 : i32
      %dma_wait3A_134 = tpu.memref_slice %arg4[%dma_wait3A_127, %dma_wait3A_132, %dma_wait3A_133] : memref<50x1024x768xf32, #tpu.memory_space<hbm>> -> memref<1x64x768xf32, #tpu.memory_space<hbm>>
      %dma_wait3A_135 = tpu.memref_squeeze %dma_wait3A_134 : memref<1x64x768xf32, #tpu.memory_space<hbm>> -> memref<64x768xf32, #tpu.memory_space<hbm>>
      tpu.wait_dma2 semaphore(%arg11 : memref<!tpu.dma_semaphore, #tpu.memory_space<semaphore_mem>>) src(%arg7 : memref<64x768xf32, #tpu.memory_space<vmem>>) dst(%dma_wait3A_135 : memref<64x768xf32, #tpu.memory_space<hbm>>)
      %add3A_136 = arith.constant 1 : i32
      %add3A_137 = arith.addi %add3A_113, %add3A_136 : i32
      %lt3A_138 = arith.constant 25 : i32
      %lt3A_139 = arith.cmpi slt, %add3A_137, %lt3A_138 : i32
      %convert_element_type3A_140 = arith.extui %lt3A_139 : i1 to i32
      %cond3A_141 = arith.constant 0 : i32
      %cond3A_142 = arith.cmpi ne, %convert_element_type3A_140, %cond3A_141 : i32
      scf.if %cond3A_142 {
        %add3A_144 = arith.constant 1 : i32
        %add3A_145 = arith.addi %add3A_113, %add3A_144 : i32
        %mul3A_146 = arith.constant 64 : i32
        %mul3A_147 = arith.muli %add3A_145, %mul3A_146 : i32
        %dma_start3A_148 = tpu.memref_slice %arg5[%mul3A_147] : memref<1600xi32, #tpu.memory_space<vmem>> -> memref<64xi32, #tpu.memory_space<vmem>>
        %dma_start3A_149 = arith.constant 0 : i32
        %dma_start3A_150 = arith.constant 0 : i32
        %dma_start3A_151 = tpu.memref_slice %arg3[%dma_start3A_149, %dma_start3A_150] : memref<100000x768xf32, #tpu.memory_space<hbm>> -> memref<100000x768xf32, #tpu.memory_space<hbm>>
        tpu.enqueue_indirect_dma source(%dma_start3A_151 : memref<100000x768xf32, #tpu.memory_space<hbm>>) target(%arg7 : memref<64x768xf32, #tpu.memory_space<vmem>>) offsets(%dma_start3A_148 : memref<64xi32, #tpu.memory_space<vmem>>) semaphore(%arg9 : memref<!tpu.dma_semaphore, #tpu.memory_space<semaphore_mem>>)
      } else {
      }
      %scan3A_143 = arith.constant 0 : i32
      scf.yield %scan3A_143 : i32
    }
    %scan3A_63 = arith.constant 12 : i32
    %dma_wait3A_64 = arith.constant 0 : i32
    %dma_wait3A_65 = arith.constant 0 : i32
    %dma_wait3A_66 = arith.constant 0 : i32
    %dma_wait3A_67 = tpu.memref_slice %arg4[%dma_wait3A_64, %dma_wait3A_65, %dma_wait3A_66] : memref<50x1024x768xf32, #tpu.memory_space<hbm>> -> memref<1x64x768xf32, #tpu.memory_space<hbm>>
    %dma_wait3A_68 = tpu.memref_squeeze %dma_wait3A_67 : memref<1x64x768xf32, #tpu.memory_space<hbm>> -> memref<64x768xf32, #tpu.memory_space<hbm>>
    %dma_wait3A_69 = arith.constant 0 : i32
    %dma_wait3A_70 = arith.constant 0 : i32
    %dma_wait3A_71 = tpu.memref_slice %arg4[%dma_wait3A_64, %dma_wait3A_69, %dma_wait3A_70] : memref<50x1024x768xf32, #tpu.memory_space<hbm>> -> memref<1x64x768xf32, #tpu.memory_space<hbm>>
    %dma_wait3A_72 = tpu.memref_squeeze %dma_wait3A_71 : memref<1x64x768xf32, #tpu.memory_space<hbm>> -> memref<64x768xf32, #tpu.memory_space<hbm>>
    tpu.wait_dma2 semaphore(%arg10 : memref<!tpu.dma_semaphore, #tpu.memory_space<semaphore_mem>>) src(%arg6 : memref<64x768xf32, #tpu.memory_space<vmem>>) dst(%dma_wait3A_72 : memref<64x768xf32, #tpu.memory_space<hbm>>)
    return
  }
}

#map = affine_map<(d0, d1) -> (0)>
#map1 = affine_map<(d0, d1) -> (0, 0)>
#map2 = affine_map<(d0, d1) -> (0, 0, 0)>
module attributes {stable_mosaic.version = 14 : i64} {
  func.func @gk(%arg0: i32, %arg1: i32, %arg2: memref<51200xi32, #tpu.memory_space<hbm>>, %arg3: memref<100000x768xf32, #tpu.memory_space<hbm>>, %arg4: memref<50x1024x768xf32, #tpu.memory_space<hbm>>, %arg5: memref<1600xi32, #tpu.memory_space<vmem>>, %arg6: memref<64x768xf32, #tpu.memory_space<vmem>>, %arg7: memref<64x768xf32, #tpu.memory_space<vmem>>, %arg8: memref<!tpu.dma_semaphore, #tpu.memory_space<semaphore_mem>>, %arg9: memref<!tpu.dma_semaphore, #tpu.memory_space<semaphore_mem>>, %arg10: memref<!tpu.dma_semaphore, #tpu.memory_space<semaphore_mem>>, %arg11: memref<!tpu.dma_semaphore, #tpu.memory_space<semaphore_mem>>) attributes {dimension_semantics = [#tpu.dimension_semantics<core_parallel>, #tpu.dimension_semantics<subcore_parallel>], iteration_bounds = array<i64: 2, 16>, scalar_prefetch = 0 : i64, scratch_operands = 7 : i64, tpu.core_type = #tpu.core_type<sc_vector_subcore>, window_params = [{transform_indices = #map}, {transform_indices = #map1}, {transform_indices = #map2}]} {
    %mul3A = arith.constant 2 : i32
    %mul3A_0 = arith.muli %arg1, %mul3A : i32
    %add3A = arith.addi %mul3A_0, %arg0 : i32
    %jit3A = arith.constant 16 : i32
    %div3A = arith.divsi %add3A, %jit3A : i32
    %sign3A = arith.constant 0 : i32
    %sign3A_1 = arith.cmpi sgt, %add3A, %sign3A : i32
    %sign3A_2 = arith.extui %sign3A_1 : i1 to i32
    %sign3A_3 = arith.constant 0 : i32
    %sign3A_4 = arith.cmpi slt, %add3A, %sign3A_3 : i32
    %sign3A_5 = arith.extui %sign3A_4 : i1 to i32
    %sign3A_6 = arith.subi %sign3A_2, %sign3A_5 : i32
    %sign3A_7 = arith.constant 0 : i32
    %sign3A_8 = arith.cmpi sgt, %jit3A, %sign3A_7 : i32
    %sign3A_9 = arith.extui %sign3A_8 : i1 to i32
    %sign3A_10 = arith.constant 0 : i32
    %sign3A_11 = arith.cmpi slt, %jit3A, %sign3A_10 : i32
    %sign3A_12 = arith.extui %sign3A_11 : i1 to i32
    %sign3A_13 = arith.subi %sign3A_9, %sign3A_12 : i32
    %ne3A = arith.cmpi ne, %sign3A_6, %sign3A_13 : i32
    %rem3A = arith.remsi %add3A, %jit3A : i32
    %ne3A_14 = arith.constant 0 : i32
    %ne3A_15 = arith.cmpi ne, %rem3A, %ne3A_14 : i32
    %and3A = arith.andi %ne3A, %ne3A_15 : i1
    %sub3A = arith.constant 1 : i32
    %sub3A_16 = arith.subi %div3A, %sub3A : i32
    %select_n3A = arith.select %and3A, %sub3A_16, %div3A : i32
    %jit3A_17 = arith.constant 16 : i32
    %eq3A = arith.constant 0 : i32
    %eq3A_18 = arith.cmpi eq, %jit3A_17, %eq3A : i32
    %jit3A_19 = arith.constant 1 : i32
    %select_n3A_20 = arith.select %eq3A_18, %jit3A_19, %jit3A_17 : i32
    %rem3A_21 = arith.remsi %add3A, %select_n3A_20 : i32
    %ne3A_22 = arith.constant 0 : i32
    %ne3A_23 = arith.cmpi ne, %rem3A_21, %ne3A_22 : i32
    %lt3A = arith.constant 0 : i32
    %lt3A_24 = arith.cmpi slt, %rem3A_21, %lt3A : i32
    %lt3A_25 = arith.constant 0 : i32
    %lt3A_26 = arith.cmpi slt, %select_n3A_20, %lt3A_25 : i32
    %ne3A_27 = arith.xori %lt3A_24, %lt3A_26 : i1
    %and3A_28 = arith.andi %ne3A_27, %ne3A_23 : i1
    %add3A_29 = arith.addi %rem3A_21, %select_n3A_20 : i32
    %select_n3A_30 = arith.select %and3A_28, %add3A_29, %rem3A_21 : i32
    %mul3A_31 = arith.constant 64 : i32
    %mul3A_32 = arith.muli %select_n3A_30, %mul3A_31 : i32
    %multiple_of3A = tpu.assume_multiple %mul3A_32, 64 : i32
    %mul3A_33 = arith.constant 25 : i32
    %mul3A_34 = arith.muli %select_n3A, %mul3A_33 : i32
    %mul3A_35 = arith.constant 1600 : i32
    %mul3A_36 = arith.muli %add3A, %mul3A_35 : i32
    "tpu.region"() ({
      %run_scoped3A = tpu.sem_alloc : memref<!tpu.dma_semaphore, #tpu.memory_space<semaphore_mem>>
      %dma_start3A_73 = tpu.memref_slice %arg2[%mul3A_36] : memref<51200xi32, #tpu.memory_space<hbm>> -> memref<1600xi32, #tpu.memory_space<hbm>>
      %dma_start3A_74 = tpu.memref_slice %arg2[%mul3A_36] : memref<51200xi32, #tpu.memory_space<hbm>> -> memref<1600xi32, #tpu.memory_space<hbm>>
      tpu.enqueue_dma source(%dma_start3A_74 : memref<1600xi32, #tpu.memory_space<hbm>>) target(%arg5 : memref<1600xi32, #tpu.memory_space<vmem>>) target_semaphore(%run_scoped3A : memref<!tpu.dma_semaphore, #tpu.memory_space<semaphore_mem>>)
      %dma_wait3A_75 = tpu.memref_slice %arg2[%mul3A_36] : memref<51200xi32, #tpu.memory_space<hbm>> -> memref<1600xi32, #tpu.memory_space<hbm>>
      %dma_wait3A_76 = tpu.memref_slice %arg2[%mul3A_36] : memref<51200xi32, #tpu.memory_space<hbm>> -> memref<1600xi32, #tpu.memory_space<hbm>>
      tpu.wait_dma2 semaphore(%run_scoped3A : memref<!tpu.dma_semaphore, #tpu.memory_space<semaphore_mem>>) src(%dma_wait3A_76 : memref<1600xi32, #tpu.memory_space<hbm>>) dst(%arg5 : memref<1600xi32, #tpu.memory_space<vmem>>)
      tpu.yield
    }) : () -> ()
    %dma_start3A = arith.constant 0 : i32
    %dma_start3A_37 = tpu.memref_slice %arg5[%dma_start3A] : memref<1600xi32, #tpu.memory_space<vmem>> -> memref<64xi32, #tpu.memory_space<vmem>>
    %dma_start3A_38 = arith.constant 0 : i32
    %dma_start3A_39 = arith.constant 0 : i32
    %dma_start3A_40 = tpu.memref_slice %arg3[%dma_start3A_38, %dma_start3A_39] : memref<100000x768xf32, #tpu.memory_space<hbm>> -> memref<100000x768xf32, #tpu.memory_space<hbm>>
    tpu.enqueue_indirect_dma source(%dma_start3A_40 : memref<100000x768xf32, #tpu.memory_space<hbm>>) target(%arg6 : memref<64x768xf32, #tpu.memory_space<vmem>>) offsets(%dma_start3A_37 : memref<64xi32, #tpu.memory_space<vmem>>) semaphore(%arg8 : memref<!tpu.dma_semaphore, #tpu.memory_space<semaphore_mem>>)
    %dma_wait3A = arith.constant 0 : i32
    %dma_wait3A_41 = tpu.memref_slice %arg5[%dma_wait3A] : memref<1600xi32, #tpu.memory_space<vmem>> -> memref<64xi32, #tpu.memory_space<vmem>>
    %dma_wait3A_42 = arith.constant 0 : i32
    %dma_wait3A_43 = arith.constant 0 : i32
    %dma_wait3A_44 = tpu.memref_slice %arg3[%dma_wait3A_42, %dma_wait3A_43] : memref<100000x768xf32, #tpu.memory_space<hbm>> -> memref<100000x768xf32, #tpu.memory_space<hbm>>
    tpu.wait_indirect_dma semaphore(%arg8 : memref<!tpu.dma_semaphore, #tpu.memory_space<semaphore_mem>>) src(%dma_wait3A_44 : memref<100000x768xf32, #tpu.memory_space<hbm>>) dst(%arg6 : memref<64x768xf32, #tpu.memory_space<vmem>>)
    %add3A_45 = arith.constant 0 : i32
    %add3A_46 = arith.addi %mul3A_34, %add3A_45 : i32
    %dma_start3A_47 = arith.constant 0 : i32
    %dma_start3A_48 = tpu.memref_slice %arg4[%add3A_46, %multiple_of3A, %dma_start3A_47] : memref<50x1024x768xf32, #tpu.memory_space<hbm>> -> memref<1x64x768xf32, #tpu.memory_space<hbm>>
    %dma_start3A_49 = tpu.memref_squeeze %dma_start3A_48 : memref<1x64x768xf32, #tpu.memory_space<hbm>> -> memref<64x768xf32, #tpu.memory_space<hbm>>
    %dma_start3A_50 = arith.constant 0 : i32
    %dma_start3A_51 = tpu.memref_slice %arg4[%add3A_46, %multiple_of3A, %dma_start3A_50] : memref<50x1024x768xf32, #tpu.memory_space<hbm>> -> memref<1x64x768xf32, #tpu.memory_space<hbm>>
    %dma_start3A_52 = tpu.memref_squeeze %dma_start3A_51 : memref<1x64x768xf32, #tpu.memory_space<hbm>> -> memref<64x768xf32, #tpu.memory_space<hbm>>
    tpu.enqueue_dma source(%arg6 : memref<64x768xf32, #tpu.memory_space<vmem>>) target(%dma_start3A_52 : memref<64x768xf32, #tpu.memory_space<hbm>>) target_semaphore(%arg10 : memref<!tpu.dma_semaphore, #tpu.memory_space<semaphore_mem>>)
    %dma_start3A_53 = arith.constant 64 : i32
    %dma_start3A_54 = tpu.memref_slice %arg5[%dma_start3A_53] : memref<1600xi32, #tpu.memory_space<vmem>> -> memref<64xi32, #tpu.memory_space<vmem>>
    %dma_start3A_55 = arith.constant 0 : i32
    %dma_start3A_56 = arith.constant 0 : i32
    %dma_start3A_57 = tpu.memref_slice %arg3[%dma_start3A_55, %dma_start3A_56] : memref<100000x768xf32, #tpu.memory_space<hbm>> -> memref<100000x768xf32, #tpu.memory_space<hbm>>
    tpu.enqueue_indirect_dma source(%dma_start3A_57 : memref<100000x768xf32, #tpu.memory_space<hbm>>) target(%arg7 : memref<64x768xf32, #tpu.memory_space<vmem>>) offsets(%dma_start3A_54 : memref<64xi32, #tpu.memory_space<vmem>>) semaphore(%arg9 : memref<!tpu.dma_semaphore, #tpu.memory_space<semaphore_mem>>)
    %scan3A = arith.constant 0 : i32
    %scan3A_58 = arith.constant 0 : i32
    %scan3A_59 = arith.constant 12 : i32
    %scan3A_60 = arith.addi %scan3A_58, %scan3A_59 : i32
    %scan3A_61 = arith.constant 1 : i32
    %scan3A_62 = scf.for %scan3A_73 = %scan3A_58 to %scan3A_60 step %scan3A_61 iter_args(%scan3A_74 = %scan3A) -> (i32)  : i32 {
      %mul3A_75 = arith.constant 2 : i32
      %mul3A_76 = arith.muli %scan3A_73, %mul3A_75 : i32
      %add3A_77 = arith.constant 1 : i32
      %add3A_78 = arith.addi %add3A_77, %mul3A_76 : i32
      %add3A_79 = arith.constant 0 : i32
      %add3A_80 = arith.addi %add3A_78, %add3A_79 : i32
      %mul3A_81 = arith.constant 64 : i32
      %mul3A_82 = arith.muli %add3A_80, %mul3A_81 : i32
      %dma_wait3A_83 = tpu.memref_slice %arg5[%mul3A_82] : memref<1600xi32, #tpu.memory_space<vmem>> -> memref<64xi32, #tpu.memory_space<vmem>>
      %dma_wait3A_84 = arith.constant 0 : i32
      %dma_wait3A_85 = arith.constant 0 : i32
      %dma_wait3A_86 = tpu.memref_slice %arg3[%dma_wait3A_84, %dma_wait3A_85] : memref<100000x768xf32, #tpu.memory_space<hbm>> -> memref<100000x768xf32, #tpu.memory_space<hbm>>
      tpu.wait_indirect_dma semaphore(%arg9 : memref<!tpu.dma_semaphore, #tpu.memory_space<semaphore_mem>>) src(%dma_wait3A_86 : memref<100000x768xf32, #tpu.memory_space<hbm>>) dst(%arg7 : memref<64x768xf32, #tpu.memory_space<vmem>>)
      %add3A_87 = arith.addi %mul3A_34, %add3A_80 : i32
      %dma_start3A_88 = arith.constant 0 : i32
      %dma_start3A_89 = tpu.memref_slice %arg4[%add3A_87, %multiple_of3A, %dma_start3A_88] : memref<50x1024x768xf32, #tpu.memory_space<hbm>> -> memref<1x64x768xf32, #tpu.memory_space<hbm>>
      %dma_start3A_90 = tpu.memref_squeeze %dma_start3A_89 : memref<1x64x768xf32, #tpu.memory_space<hbm>> -> memref<64x768xf32, #tpu.memory_space<hbm>>
      %dma_start3A_91 = arith.constant 0 : i32
      %dma_start3A_92 = tpu.memref_slice %arg4[%add3A_87, %multiple_of3A, %dma_start3A_91] : memref<50x1024x768xf32, #tpu.memory_space<hbm>> -> memref<1x64x768xf32, #tpu.memory_space<hbm>>
      %dma_start3A_93 = tpu.memref_squeeze %dma_start3A_92 : memref<1x64x768xf32, #tpu.memory_space<hbm>> -> memref<64x768xf32, #tpu.memory_space<hbm>>
      tpu.enqueue_dma source(%arg7 : memref<64x768xf32, #tpu.memory_space<vmem>>) target(%dma_start3A_93 : memref<64x768xf32, #tpu.memory_space<hbm>>) target_semaphore(%arg11 : memref<!tpu.dma_semaphore, #tpu.memory_space<semaphore_mem>>)
      %dma_wait3A_94 = arith.constant 0 : i32
      %dma_wait3A_95 = arith.constant 0 : i32
      %dma_wait3A_96 = arith.constant 0 : i32
      %dma_wait3A_97 = tpu.memref_slice %arg4[%dma_wait3A_94, %dma_wait3A_95, %dma_wait3A_96] : memref<50x1024x768xf32, #tpu.memory_space<hbm>> -> memref<1x64x768xf32, #tpu.memory_space<hbm>>
      %dma_wait3A_98 = tpu.memref_squeeze %dma_wait3A_97 : memref<1x64x768xf32, #tpu.memory_space<hbm>> -> memref<64x768xf32, #tpu.memory_space<hbm>>
      %dma_wait3A_99 = arith.constant 0 : i32
      %dma_wait3A_100 = arith.constant 0 : i32
      %dma_wait3A_101 = tpu.memref_slice %arg4[%dma_wait3A_94, %dma_wait3A_99, %dma_wait3A_100] : memref<50x1024x768xf32, #tpu.memory_space<hbm>> -> memref<1x64x768xf32, #tpu.memory_space<hbm>>
      %dma_wait3A_102 = tpu.memref_squeeze %dma_wait3A_101 : memref<1x64x768xf32, #tpu.memory_space<hbm>> -> memref<64x768xf32, #tpu.memory_space<hbm>>
      tpu.wait_dma2 semaphore(%arg10 : memref<!tpu.dma_semaphore, #tpu.memory_space<semaphore_mem>>) src(%arg6 : memref<64x768xf32, #tpu.memory_space<vmem>>) dst(%dma_wait3A_102 : memref<64x768xf32, #tpu.memory_space<hbm>>)
      %add3A_103 = arith.constant 1 : i32
      %add3A_104 = arith.addi %add3A_80, %add3A_103 : i32
      %lt3A_105 = arith.constant 25 : i32
      %lt3A_106 = arith.cmpi slt, %add3A_104, %lt3A_105 : i32
      %convert_element_type3A = arith.extui %lt3A_106 : i1 to i32
      %cond3A = arith.constant 0 : i32
      %cond3A_107 = arith.cmpi ne, %convert_element_type3A, %cond3A : i32
      scf.if %cond3A_107 {
        %add3A_144 = arith.constant 1 : i32
        %add3A_145 = arith.addi %add3A_80, %add3A_144 : i32
        %mul3A_146 = arith.constant 64 : i32
        %mul3A_147 = arith.muli %add3A_145, %mul3A_146 : i32
        %dma_start3A_148 = tpu.memref_slice %arg5[%mul3A_147] : memref<1600xi32, #tpu.memory_space<vmem>> -> memref<64xi32, #tpu.memory_space<vmem>>
        %dma_start3A_149 = arith.constant 0 : i32
        %dma_start3A_150 = arith.constant 0 : i32
        %dma_start3A_151 = tpu.memref_slice %arg3[%dma_start3A_149, %dma_start3A_150] : memref<100000x768xf32, #tpu.memory_space<hbm>> -> memref<100000x768xf32, #tpu.memory_space<hbm>>
        tpu.enqueue_indirect_dma source(%dma_start3A_151 : memref<100000x768xf32, #tpu.memory_space<hbm>>) target(%arg6 : memref<64x768xf32, #tpu.memory_space<vmem>>) offsets(%dma_start3A_148 : memref<64xi32, #tpu.memory_space<vmem>>) semaphore(%arg8 : memref<!tpu.dma_semaphore, #tpu.memory_space<semaphore_mem>>)
      } else {
      }
      %mul3A_108 = arith.constant 2 : i32
      %mul3A_109 = arith.muli %scan3A_73, %mul3A_108 : i32
      %add3A_110 = arith.constant 1 : i32
      %add3A_111 = arith.addi %add3A_110, %mul3A_109 : i32
      %add3A_112 = arith.constant 1 : i32
      %add3A_113 = arith.addi %add3A_111, %add3A_112 : i32
      %mul3A_114 = arith.constant 64 : i32
      %mul3A_115 = arith.muli %add3A_113, %mul3A_114 : i32
      %dma_wait3A_116 = tpu.memref_slice %arg5[%mul3A_115] : memref<1600xi32, #tpu.memory_space<vmem>> -> memref<64xi32, #tpu.memory_space<vmem>>
      %dma_wait3A_117 = arith.constant 0 : i32
      %dma_wait3A_118 = arith.constant 0 : i32
      %dma_wait3A_119 = tpu.memref_slice %arg3[%dma_wait3A_117, %dma_wait3A_118] : memref<100000x768xf32, #tpu.memory_space<hbm>> -> memref<100000x768xf32, #tpu.memory_space<hbm>>
      tpu.wait_indirect_dma semaphore(%arg8 : memref<!tpu.dma_semaphore, #tpu.memory_space<semaphore_mem>>) src(%dma_wait3A_119 : memref<100000x768xf32, #tpu.memory_space<hbm>>) dst(%arg6 : memref<64x768xf32, #tpu.memory_space<vmem>>)
      %add3A_120 = arith.addi %mul3A_34, %add3A_113 : i32
      %dma_start3A_121 = arith.constant 0 : i32
      %dma_start3A_122 = tpu.memref_slice %arg4[%add3A_120, %multiple_of3A, %dma_start3A_121] : memref<50x1024x768xf32, #tpu.memory_space<hbm>> -> memref<1x64x768xf32, #tpu.memory_space<hbm>>
      %dma_start3A_123 = tpu.memref_squeeze %dma_start3A_122 : memref<1x64x768xf32, #tpu.memory_space<hbm>> -> memref<64x768xf32, #tpu.memory_space<hbm>>
      %dma_start3A_124 = arith.constant 0 : i32
      %dma_start3A_125 = tpu.memref_slice %arg4[%add3A_120, %multiple_of3A, %dma_start3A_124] : memref<50x1024x768xf32, #tpu.memory_space<hbm>> -> memref<1x64x768xf32, #tpu.memory_space<hbm>>
      %dma_start3A_126 = tpu.memref_squeeze %dma_start3A_125 : memref<1x64x768xf32, #tpu.memory_space<hbm>> -> memref<64x768xf32, #tpu.memory_space<hbm>>
      tpu.enqueue_dma source(%arg6 : memref<64x768xf32, #tpu.memory_space<vmem>>) target(%dma_start3A_126 : memref<64x768xf32, #tpu.memory_space<hbm>>) target_semaphore(%arg10 : memref<!tpu.dma_semaphore, #tpu.memory_space<semaphore_mem>>)
      %dma_wait3A_127 = arith.constant 0 : i32
      %dma_wait3A_128 = arith.constant 0 : i32
      %dma_wait3A_129 = arith.constant 0 : i32
      %dma_wait3A_130 = tpu.memref_slice %arg4[%dma_wait3A_127, %dma_wait3A_128, %dma_wait3A_129] : memref<50x1024x768xf32, #tpu.memory_space<hbm>> -> memref<1x64x768xf32, #tpu.memory_space<hbm>>
      %dma_wait3A_131 = tpu.memref_squeeze %dma_wait3A_130 : memref<1x64x768xf32, #tpu.memory_space<hbm>> -> memref<64x768xf32, #tpu.memory_space<hbm>>
      %dma_wait3A_132 = arith.constant 0 : i32
      %dma_wait3A_133 = arith.constant 0 : i32
      %dma_wait3A_134 = tpu.memref_slice %arg4[%dma_wait3A_127, %dma_wait3A_132, %dma_wait3A_133] : memref<50x1024x768xf32, #tpu.memory_space<hbm>> -> memref<1x64x768xf32, #tpu.memory_space<hbm>>
      %dma_wait3A_135 = tpu.memref_squeeze %dma_wait3A_134 : memref<1x64x768xf32, #tpu.memory_space<hbm>> -> memref<64x768xf32, #tpu.memory_space<hbm>>
      tpu.wait_dma2 semaphore(%arg11 : memref<!tpu.dma_semaphore, #tpu.memory_space<semaphore_mem>>) src(%arg7 : memref<64x768xf32, #tpu.memory_space<vmem>>) dst(%dma_wait3A_135 : memref<64x768xf32, #tpu.memory_space<hbm>>)
      %add3A_136 = arith.constant 1 : i32
      %add3A_137 = arith.addi %add3A_113, %add3A_136 : i32
      %lt3A_138 = arith.constant 25 : i32
      %lt3A_139 = arith.cmpi slt, %add3A_137, %lt3A_138 : i32
      %convert_element_type3A_140 = arith.extui %lt3A_139 : i1 to i32
      %cond3A_141 = arith.constant 0 : i32
      %cond3A_142 = arith.cmpi ne, %convert_element_type3A_140, %cond3A_141 : i32
      scf.if %cond3A_142 {
        %add3A_144 = arith.constant 1 : i32
        %add3A_145 = arith.addi %add3A_113, %add3A_144 : i32
        %mul3A_146 = arith.constant 64 : i32
        %mul3A_147 = arith.muli %add3A_145, %mul3A_146 : i32
        %dma_start3A_148 = tpu.memref_slice %arg5[%mul3A_147] : memref<1600xi32, #tpu.memory_space<vmem>> -> memref<64xi32, #tpu.memory_space<vmem>>
        %dma_start3A_149 = arith.constant 0 : i32
        %dma_start3A_150 = arith.constant 0 : i32
        %dma_start3A_151 = tpu.memref_slice %arg3[%dma_start3A_149, %dma_start3A_150] : memref<100000x768xf32, #tpu.memory_space<hbm>> -> memref<100000x768xf32, #tpu.memory_space<hbm>>
        tpu.enqueue_indirect_dma source(%dma_start3A_151 : memref<100000x768xf32, #tpu.memory_space<hbm>>) target(%arg7 : memref<64x768xf32, #tpu.memory_space<vmem>>) offsets(%dma_start3A_148 : memref<64xi32, #tpu.memory_space<vmem>>) semaphore(%arg9 : memref<!tpu.dma_semaphore, #tpu.memory_space<semaphore_mem>>)
      } else {
      }
      %scan3A_143 = arith.constant 0 : i32
      scf.yield %scan3A_143 : i32
    }
    %scan3A_63 = arith.constant 12 : i32
    %dma_wait3A_64 = arith.constant 0 : i32
    %dma_wait3A_65 = arith.constant 0 : i32
    %dma_wait3A_66 = arith.constant 0 : i32
    %dma_wait3A_67 = tpu.memref_slice %arg4[%dma_wait3A_64, %dma_wait3A_65, %dma_wait3A_66] : memref<50x1024x768xf32, #tpu.memory_space<hbm>> -> memref<1x64x768xf32, #tpu.memory_space<hbm>>
    %dma_wait3A_68 = tpu.memref_squeeze %dma_wait3A_67 : memref<1x64x768xf32, #tpu.memory_space<hbm>> -> memref<64x768xf32, #tpu.memory_space<hbm>>
    %dma_wait3A_69 = arith.constant 0 : i32
    %dma_wait3A_70 = arith.constant 0 : i32
    %dma_wait3A_71 = tpu.memref_slice %arg4[%dma_wait3A_64, %dma_wait3A_69, %dma_wait3A_70] : memref<50x1024x768xf32, #tpu.memory_space<hbm>> -> memref<1x64x768xf32, #tpu.memory_space<hbm>>
    %dma_wait3A_72 = tpu.memref_squeeze %dma_wait3A_71 : memref<1x64x768xf32, #tpu.memory_space<hbm>> -> memref<64x768xf32, #tpu.memory_space<hbm>>
    tpu.wait_dma2 semaphore(%arg10 : memref<!tpu.dma_semaphore, #tpu.memory_space<semaphore_mem>>) src(%arg6 : memref<64x768xf32, #tpu.memory_space<vmem>>) dst(%dma_wait3A_72 : memref<64x768xf32, #tpu.memory_space<hbm>>)
    return
  }
}

module attributes {stable_mosaic.version = 14 : i64} {
  func.func @_ln_body(%arg0: i32, %arg1: memref<1x1024x768xf32, #tpu.memory_space<vmem>>, %arg2: memref<1x1x768xf32, #tpu.memory_space<vmem>>, %arg3: memref<1x768xf32, #tpu.memory_space<vmem>>, %arg4: memref<1x768xf32, #tpu.memory_space<vmem>>, %arg5: memref<1x1024x768xf32, #tpu.memory_space<vmem>>) attributes {dimension_semantics = [#tpu.dimension_semantics<arbitrary>], iteration_bounds = array<i64: 50>, scalar_prefetch = 0 : i64, scratch_operands = 0 : i64, tpu.core_type = #tpu.core_type<tc>, window_params = [{transform_indices = @transform_0, window_bounds = array<i64: 1, 1024, 768>}, {transform_indices = @transform_1, window_bounds = array<i64: 1, 1, 768>}, {pipeline_mode = #tpu.pipeline_mode<synchronous>, transform_indices = @transform_2, window_bounds = array<i64: 1, 768>}, {pipeline_mode = #tpu.pipeline_mode<synchronous>, transform_indices = @transform_3, window_bounds = array<i64: 1, 768>}, {transform_indices = @transform_4, window_bounds = array<i64: 1, 1024, 768>}]} {
    %get3A = arith.constant 0 : index
    %get3A_0 = arith.constant 0 : index
    %get3A_1 = arith.constant 0 : index
    %get3A_2 = vector.load %arg1[%get3A, %get3A_0, %get3A_1] : memref<1x1024x768xf32, #tpu.memory_space<vmem>>, vector<1x1024x768xf32>
    %get3A_3 = arith.constant 0 : index
    %get3A_4 = arith.constant 0 : index
    %get3A_5 = arith.constant 0 : index
    %get3A_6 = vector.load %arg2[%get3A_3, %get3A_4, %get3A_5] : memref<1x1x768xf32, #tpu.memory_space<vmem>>, vector<1x1x768xf32>
    %add3A = vector.broadcast %get3A_6 : vector<1x1x768xf32> to vector<1x1024x768xf32>
    %add3A_7 = arith.addf %get3A_2, %add3A : vector<1x1024x768xf32>
    %reduce_sum3A = arith.constant dense<0.000000e+00> : vector<1x1024xf32>
    %reduce_sum3A_8 = vector.multi_reduction <add>, %add3A_7, %reduce_sum3A [2] : vector<1x1024x768xf32> to vector<1x1024xf32>
    %broadcast_in_dim3A = vector.shape_cast %reduce_sum3A_8 : vector<1x1024xf32> to vector<1x1024x1xf32>
    %div3A = arith.constant 7.680000e+02 : f32
    %div3A_9 = vector.broadcast %div3A : f32 to vector<1x1024x1xf32>
    %div3A_10 = arith.divf %broadcast_in_dim3A, %div3A_9 : vector<1x1024x1xf32>
    %sub3A = vector.broadcast %div3A_10 : vector<1x1024x1xf32> to vector<1x1024x768xf32>
    %sub3A_11 = arith.subf %add3A_7, %sub3A : vector<1x1024x768xf32>
    %mul3A = arith.mulf %sub3A_11, %sub3A_11 : vector<1x1024x768xf32>
    %reduce_sum3A_12 = arith.constant dense<0.000000e+00> : vector<1x1024xf32>
    %reduce_sum3A_13 = vector.multi_reduction <add>, %mul3A, %reduce_sum3A_12 [2] : vector<1x1024x768xf32> to vector<1x1024xf32>
    %broadcast_in_dim3A_14 = vector.shape_cast %reduce_sum3A_13 : vector<1x1024xf32> to vector<1x1024x1xf32>
    %div3A_15 = arith.constant 7.680000e+02 : f32
    %div3A_16 = vector.broadcast %div3A_15 : f32 to vector<1x1024x1xf32>
    %div3A_17 = arith.divf %broadcast_in_dim3A_14, %div3A_16 : vector<1x1024x1xf32>
    %add3A_18 = arith.constant 9.99999974E-6 : f32
    %add3A_19 = vector.broadcast %add3A_18 : f32 to vector<1x1024x1xf32>
    %add3A_20 = arith.addf %div3A_17, %add3A_19 : vector<1x1024x1xf32>
    %rsqrt3A = math.rsqrt %add3A_20 : vector<1x1024x1xf32>
    %mul3A_21 = vector.broadcast %rsqrt3A : vector<1x1024x1xf32> to vector<1x1024x768xf32>
    %mul3A_22 = arith.mulf %sub3A_11, %mul3A_21 : vector<1x1024x768xf32>
    %get3A_23 = arith.constant 0 : index
    %get3A_24 = arith.constant 0 : index
    %get3A_25 = vector.load %arg3[%get3A_23, %get3A_24] : memref<1x768xf32, #tpu.memory_space<vmem>>, vector<1x768xf32>
    %get3A_26 = vector.shape_cast %get3A_25 : vector<1x768xf32> to vector<768xf32>
    %broadcast_in_dim3A_27 = vector.shape_cast %get3A_26 : vector<768xf32> to vector<1x1x768xf32>
    %mul3A_28 = vector.broadcast %broadcast_in_dim3A_27 : vector<1x1x768xf32> to vector<1x1024x768xf32>
    %mul3A_29 = arith.mulf %mul3A_22, %mul3A_28 : vector<1x1024x768xf32>
    %get3A_30 = arith.constant 0 : index
    %get3A_31 = arith.constant 0 : index
    %get3A_32 = vector.load %arg4[%get3A_30, %get3A_31] : memref<1x768xf32, #tpu.memory_space<vmem>>, vector<1x768xf32>
    %get3A_33 = vector.shape_cast %get3A_32 : vector<1x768xf32> to vector<768xf32>
    %broadcast_in_dim3A_34 = vector.shape_cast %get3A_33 : vector<768xf32> to vector<1x1x768xf32>
    %add3A_35 = vector.broadcast %broadcast_in_dim3A_34 : vector<1x1x768xf32> to vector<1x1024x768xf32>
    %add3A_36 = arith.addf %mul3A_29, %add3A_35 : vector<1x1024x768xf32>
    %swap3A = arith.constant 0 : index
    %swap3A_37 = arith.constant 0 : index
    %swap3A_38 = arith.constant 0 : index
    %swap3A_39 = vector.load %arg5[%swap3A, %swap3A_37, %swap3A_38] : memref<1x1024x768xf32, #tpu.memory_space<vmem>>, vector<1x1024x768xf32>
    tpu.vector_store %arg5[%swap3A, %swap3A_37, %swap3A_38], %add3A_36 {strides = array<i32>} : memref<1x1024x768xf32, #tpu.memory_space<vmem>>, vector<1x1024x768xf32>,
    return
  }
  func.func @transform_0(%arg0: i32) -> (i32, i32, i32) {
    %c0_i32 = arith.constant 0 : i32
    %c0_i32_0 = arith.constant 0 : i32
    %c0_i32_1 = arith.constant 0 : i32
    return %arg0, %c0_i32, %c0_i32_0 : i32, i32, i32
  }
  func.func @transform_1(%arg0: i32) -> (i32, i32, i32) {
    %c0_i32 = arith.constant 0 : i32
    %c0_i32_0 = arith.constant 0 : i32
    %c0_i32_1 = arith.constant 0 : i32
    return %arg0, %c0_i32, %c0_i32_0 : i32, i32, i32
  }
  func.func @transform_2(%arg0: i32) -> (i32, i32) {
    %c0_i32 = arith.constant 0 : i32
    %c0_i32_0 = arith.constant 0 : i32
    %c0_i32_1 = arith.constant 0 : i32
    return %c0_i32, %c0_i32_0 : i32, i32
  }
  func.func @transform_3(%arg0: i32) -> (i32, i32) {
    %c0_i32 = arith.constant 0 : i32
    %c0_i32_0 = arith.constant 0 : i32
    %c0_i32_1 = arith.constant 0 : i32
    return %c0_i32, %c0_i32_0 : i32, i32
  }
  func.func @transform_4(%arg0: i32) -> (i32, i32, i32) {
    %c0_i32 = arith.constant 0 : i32
    %c0_i32_0 = arith.constant 0 : i32
    %c0_i32_1 = arith.constant 0 : i32
    return %arg0, %c0_i32, %c0_i32_0 : i32, i32, i32
  }
}

module attributes {stable_mosaic.version = 14 : i64} {
  func.func @_ln_body(%arg0: i32, %arg1: memref<1x1024x768xf32, #tpu.memory_space<vmem>>, %arg2: memref<1x1x768xf32, #tpu.memory_space<vmem>>, %arg3: memref<1x768xf32, #tpu.memory_space<vmem>>, %arg4: memref<1x768xf32, #tpu.memory_space<vmem>>, %arg5: memref<50x4096x768xf32, #tpu.memory_space<any>>, %arg6: memref<1x1024x768xf32, #tpu.memory_space<vmem>>) attributes {dimension_semantics = [#tpu.dimension_semantics<arbitrary>], iteration_bounds = array<i64: 50>, scalar_prefetch = 0 : i64, scratch_operands = 0 : i64, tpu.core_type = #tpu.core_type<tc>, window_params = [{transform_indices = @transform_0, window_bounds = array<i64: 1, 1024, 768>}, {transform_indices = @transform_1, window_bounds = array<i64: 1, 1, 768>}, {pipeline_mode = #tpu.pipeline_mode<synchronous>, transform_indices = @transform_2, window_bounds = array<i64: 1, 768>}, {pipeline_mode = #tpu.pipeline_mode<synchronous>, transform_indices = @transform_3, window_bounds = array<i64: 1, 768>}, {}, {transform_indices = @transform_5, window_bounds = array<i64: 1, 1024, 768>}]} {
    %get3A = arith.constant 0 : index
    %get3A_0 = arith.constant 0 : index
    %get3A_1 = arith.constant 0 : index
    %get3A_2 = vector.load %arg1[%get3A, %get3A_0, %get3A_1] : memref<1x1024x768xf32, #tpu.memory_space<vmem>>, vector<1x1024x768xf32>
    %get3A_3 = arith.constant 0 : index
    %get3A_4 = arith.constant 0 : index
    %get3A_5 = arith.constant 0 : index
    %get3A_6 = vector.load %arg2[%get3A_3, %get3A_4, %get3A_5] : memref<1x1x768xf32, #tpu.memory_space<vmem>>, vector<1x1x768xf32>
    %add3A = vector.broadcast %get3A_6 : vector<1x1x768xf32> to vector<1x1024x768xf32>
    %add3A_7 = arith.addf %get3A_2, %add3A : vector<1x1024x768xf32>
    %reduce_sum3A = arith.constant dense<0.000000e+00> : vector<1x1024xf32>
    %reduce_sum3A_8 = vector.multi_reduction <add>, %add3A_7, %reduce_sum3A [2] : vector<1x1024x768xf32> to vector<1x1024xf32>
    %broadcast_in_dim3A = vector.shape_cast %reduce_sum3A_8 : vector<1x1024xf32> to vector<1x1024x1xf32>
    %div3A = arith.constant 7.680000e+02 : f32
    %div3A_9 = vector.broadcast %div3A : f32 to vector<1x1024x1xf32>
    %div3A_10 = arith.divf %broadcast_in_dim3A, %div3A_9 : vector<1x1024x1xf32>
    %sub3A = vector.broadcast %div3A_10 : vector<1x1024x1xf32> to vector<1x1024x768xf32>
    %sub3A_11 = arith.subf %add3A_7, %sub3A : vector<1x1024x768xf32>
    %mul3A = arith.mulf %sub3A_11, %sub3A_11 : vector<1x1024x768xf32>
    %reduce_sum3A_12 = arith.constant dense<0.000000e+00> : vector<1x1024xf32>
    %reduce_sum3A_13 = vector.multi_reduction <add>, %mul3A, %reduce_sum3A_12 [2] : vector<1x1024x768xf32> to vector<1x1024xf32>
    %broadcast_in_dim3A_14 = vector.shape_cast %reduce_sum3A_13 : vector<1x1024xf32> to vector<1x1024x1xf32>
    %div3A_15 = arith.constant 7.680000e+02 : f32
    %div3A_16 = vector.broadcast %div3A_15 : f32 to vector<1x1024x1xf32>
    %div3A_17 = arith.divf %broadcast_in_dim3A_14, %div3A_16 : vector<1x1024x1xf32>
    %add3A_18 = arith.constant 9.99999974E-6 : f32
    %add3A_19 = vector.broadcast %add3A_18 : f32 to vector<1x1024x1xf32>
    %add3A_20 = arith.addf %div3A_17, %add3A_19 : vector<1x1024x1xf32>
    %rsqrt3A = math.rsqrt %add3A_20 : vector<1x1024x1xf32>
    %mul3A_21 = vector.broadcast %rsqrt3A : vector<1x1024x1xf32> to vector<1x1024x768xf32>
    %mul3A_22 = arith.mulf %sub3A_11, %mul3A_21 : vector<1x1024x768xf32>
    %get3A_23 = arith.constant 0 : index
    %get3A_24 = arith.constant 0 : index
    %get3A_25 = vector.load %arg3[%get3A_23, %get3A_24] : memref<1x768xf32, #tpu.memory_space<vmem>>, vector<1x768xf32>
    %get3A_26 = vector.shape_cast %get3A_25 : vector<1x768xf32> to vector<768xf32>
    %broadcast_in_dim3A_27 = vector.shape_cast %get3A_26 : vector<768xf32> to vector<1x1x768xf32>
    %mul3A_28 = vector.broadcast %broadcast_in_dim3A_27 : vector<1x1x768xf32> to vector<1x1024x768xf32>
    %mul3A_29 = arith.mulf %mul3A_22, %mul3A_28 : vector<1x1024x768xf32>
    %get3A_30 = arith.constant 0 : index
    %get3A_31 = arith.constant 0 : index
    %get3A_32 = vector.load %arg4[%get3A_30, %get3A_31] : memref<1x768xf32, #tpu.memory_space<vmem>>, vector<1x768xf32>
    %get3A_33 = vector.shape_cast %get3A_32 : vector<1x768xf32> to vector<768xf32>
    %broadcast_in_dim3A_34 = vector.shape_cast %get3A_33 : vector<768xf32> to vector<1x1x768xf32>
    %add3A_35 = vector.broadcast %broadcast_in_dim3A_34 : vector<1x1x768xf32> to vector<1x1024x768xf32>
    %add3A_36 = arith.addf %mul3A_29, %add3A_35 : vector<1x1024x768xf32>
    %swap3A = arith.constant 0 : index
    %swap3A_37 = arith.constant 0 : index
    %swap3A_38 = arith.constant 0 : index
    %swap3A_39 = vector.load %arg6[%swap3A, %swap3A_37, %swap3A_38] : memref<1x1024x768xf32, #tpu.memory_space<vmem>>, vector<1x1024x768xf32>
    tpu.vector_store %arg6[%swap3A, %swap3A_37, %swap3A_38], %add3A_36 {strides = array<i32>} : memref<1x1024x768xf32, #tpu.memory_space<vmem>>, vector<1x1024x768xf32>,
    return
  }
  func.func @transform_0(%arg0: i32) -> (i32, i32, i32) {
    %c0_i32 = arith.constant 0 : i32
    %c0_i32_0 = arith.constant 0 : i32
    %c0_i32_1 = arith.constant 0 : i32
    return %arg0, %c0_i32, %c0_i32_0 : i32, i32, i32
  }
  func.func @transform_1(%arg0: i32) -> (i32, i32, i32) {
    %c0_i32 = arith.constant 0 : i32
    %c0_i32_0 = arith.constant 0 : i32
    %c0_i32_1 = arith.constant 0 : i32
    return %arg0, %c0_i32, %c0_i32_0 : i32, i32, i32
  }
  func.func @transform_2(%arg0: i32) -> (i32, i32) {
    %c0_i32 = arith.constant 0 : i32
    %c0_i32_0 = arith.constant 0 : i32
    %c0_i32_1 = arith.constant 0 : i32
    return %c0_i32, %c0_i32_0 : i32, i32
  }
  func.func @transform_3(%arg0: i32) -> (i32, i32) {
    %c0_i32 = arith.constant 0 : i32
    %c0_i32_0 = arith.constant 0 : i32
    %c0_i32_1 = arith.constant 0 : i32
    return %c0_i32, %c0_i32_0 : i32, i32
  }
  func.func @transform_5(%arg0: i32) -> (i32, i32, i32) {
    %c1_i32 = arith.constant 1 : i32
    %c0_i32 = arith.constant 0 : i32
    %c0_i32_0 = arith.constant 0 : i32
    return %arg0, %c1_i32, %c0_i32 : i32, i32, i32
  }
}

module attributes {stable_mosaic.version = 14 : i64} {
  func.func @_ln_body(%arg0: i32, %arg1: memref<1x1024x768xf32, #tpu.memory_space<vmem>>, %arg2: memref<1x1x768xf32, #tpu.memory_space<vmem>>, %arg3: memref<1x768xf32, #tpu.memory_space<vmem>>, %arg4: memref<1x768xf32, #tpu.memory_space<vmem>>, %arg5: memref<50x4096x768xf32, #tpu.memory_space<any>>, %arg6: memref<1x1024x768xf32, #tpu.memory_space<vmem>>) attributes {dimension_semantics = [#tpu.dimension_semantics<arbitrary>], iteration_bounds = array<i64: 50>, scalar_prefetch = 0 : i64, scratch_operands = 0 : i64, tpu.core_type = #tpu.core_type<tc>, window_params = [{transform_indices = @transform_0, window_bounds = array<i64: 1, 1024, 768>}, {transform_indices = @transform_1, window_bounds = array<i64: 1, 1, 768>}, {pipeline_mode = #tpu.pipeline_mode<synchronous>, transform_indices = @transform_2, window_bounds = array<i64: 1, 768>}, {pipeline_mode = #tpu.pipeline_mode<synchronous>, transform_indices = @transform_3, window_bounds = array<i64: 1, 768>}, {}, {transform_indices = @transform_5, window_bounds = array<i64: 1, 1024, 768>}]} {
    %get3A = arith.constant 0 : index
    %get3A_0 = arith.constant 0 : index
    %get3A_1 = arith.constant 0 : index
    %get3A_2 = vector.load %arg1[%get3A, %get3A_0, %get3A_1] : memref<1x1024x768xf32, #tpu.memory_space<vmem>>, vector<1x1024x768xf32>
    %get3A_3 = arith.constant 0 : index
    %get3A_4 = arith.constant 0 : index
    %get3A_5 = arith.constant 0 : index
    %get3A_6 = vector.load %arg2[%get3A_3, %get3A_4, %get3A_5] : memref<1x1x768xf32, #tpu.memory_space<vmem>>, vector<1x1x768xf32>
    %add3A = vector.broadcast %get3A_6 : vector<1x1x768xf32> to vector<1x1024x768xf32>
    %add3A_7 = arith.addf %get3A_2, %add3A : vector<1x1024x768xf32>
    %reduce_sum3A = arith.constant dense<0.000000e+00> : vector<1x1024xf32>
    %reduce_sum3A_8 = vector.multi_reduction <add>, %add3A_7, %reduce_sum3A [2] : vector<1x1024x768xf32> to vector<1x1024xf32>
    %broadcast_in_dim3A = vector.shape_cast %reduce_sum3A_8 : vector<1x1024xf32> to vector<1x1024x1xf32>
    %div3A = arith.constant 7.680000e+02 : f32
    %div3A_9 = vector.broadcast %div3A : f32 to vector<1x1024x1xf32>
    %div3A_10 = arith.divf %broadcast_in_dim3A, %div3A_9 : vector<1x1024x1xf32>
    %sub3A = vector.broadcast %div3A_10 : vector<1x1024x1xf32> to vector<1x1024x768xf32>
    %sub3A_11 = arith.subf %add3A_7, %sub3A : vector<1x1024x768xf32>
    %mul3A = arith.mulf %sub3A_11, %sub3A_11 : vector<1x1024x768xf32>
    %reduce_sum3A_12 = arith.constant dense<0.000000e+00> : vector<1x1024xf32>
    %reduce_sum3A_13 = vector.multi_reduction <add>, %mul3A, %reduce_sum3A_12 [2] : vector<1x1024x768xf32> to vector<1x1024xf32>
    %broadcast_in_dim3A_14 = vector.shape_cast %reduce_sum3A_13 : vector<1x1024xf32> to vector<1x1024x1xf32>
    %div3A_15 = arith.constant 7.680000e+02 : f32
    %div3A_16 = vector.broadcast %div3A_15 : f32 to vector<1x1024x1xf32>
    %div3A_17 = arith.divf %broadcast_in_dim3A_14, %div3A_16 : vector<1x1024x1xf32>
    %add3A_18 = arith.constant 9.99999974E-6 : f32
    %add3A_19 = vector.broadcast %add3A_18 : f32 to vector<1x1024x1xf32>
    %add3A_20 = arith.addf %div3A_17, %add3A_19 : vector<1x1024x1xf32>
    %rsqrt3A = math.rsqrt %add3A_20 : vector<1x1024x1xf32>
    %mul3A_21 = vector.broadcast %rsqrt3A : vector<1x1024x1xf32> to vector<1x1024x768xf32>
    %mul3A_22 = arith.mulf %sub3A_11, %mul3A_21 : vector<1x1024x768xf32>
    %get3A_23 = arith.constant 0 : index
    %get3A_24 = arith.constant 0 : index
    %get3A_25 = vector.load %arg3[%get3A_23, %get3A_24] : memref<1x768xf32, #tpu.memory_space<vmem>>, vector<1x768xf32>
    %get3A_26 = vector.shape_cast %get3A_25 : vector<1x768xf32> to vector<768xf32>
    %broadcast_in_dim3A_27 = vector.shape_cast %get3A_26 : vector<768xf32> to vector<1x1x768xf32>
    %mul3A_28 = vector.broadcast %broadcast_in_dim3A_27 : vector<1x1x768xf32> to vector<1x1024x768xf32>
    %mul3A_29 = arith.mulf %mul3A_22, %mul3A_28 : vector<1x1024x768xf32>
    %get3A_30 = arith.constant 0 : index
    %get3A_31 = arith.constant 0 : index
    %get3A_32 = vector.load %arg4[%get3A_30, %get3A_31] : memref<1x768xf32, #tpu.memory_space<vmem>>, vector<1x768xf32>
    %get3A_33 = vector.shape_cast %get3A_32 : vector<1x768xf32> to vector<768xf32>
    %broadcast_in_dim3A_34 = vector.shape_cast %get3A_33 : vector<768xf32> to vector<1x1x768xf32>
    %add3A_35 = vector.broadcast %broadcast_in_dim3A_34 : vector<1x1x768xf32> to vector<1x1024x768xf32>
    %add3A_36 = arith.addf %mul3A_29, %add3A_35 : vector<1x1024x768xf32>
    %swap3A = arith.constant 0 : index
    %swap3A_37 = arith.constant 0 : index
    %swap3A_38 = arith.constant 0 : index
    %swap3A_39 = vector.load %arg6[%swap3A, %swap3A_37, %swap3A_38] : memref<1x1024x768xf32, #tpu.memory_space<vmem>>, vector<1x1024x768xf32>
    tpu.vector_store %arg6[%swap3A, %swap3A_37, %swap3A_38], %add3A_36 {strides = array<i32>} : memref<1x1024x768xf32, #tpu.memory_space<vmem>>, vector<1x1024x768xf32>,
    return
  }
  func.func @transform_0(%arg0: i32) -> (i32, i32, i32) {
    %c0_i32 = arith.constant 0 : i32
    %c0_i32_0 = arith.constant 0 : i32
    %c0_i32_1 = arith.constant 0 : i32
    return %arg0, %c0_i32, %c0_i32_0 : i32, i32, i32
  }
  func.func @transform_1(%arg0: i32) -> (i32, i32, i32) {
    %c0_i32 = arith.constant 0 : i32
    %c0_i32_0 = arith.constant 0 : i32
    %c0_i32_1 = arith.constant 0 : i32
    return %arg0, %c0_i32, %c0_i32_0 : i32, i32, i32
  }
  func.func @transform_2(%arg0: i32) -> (i32, i32) {
    %c0_i32 = arith.constant 0 : i32
    %c0_i32_0 = arith.constant 0 : i32
    %c0_i32_1 = arith.constant 0 : i32
    return %c0_i32, %c0_i32_0 : i32, i32
  }
  func.func @transform_3(%arg0: i32) -> (i32, i32) {
    %c0_i32 = arith.constant 0 : i32
    %c0_i32_0 = arith.constant 0 : i32
    %c0_i32_1 = arith.constant 0 : i32
    return %c0_i32, %c0_i32_0 : i32, i32
  }
  func.func @transform_5(%arg0: i32) -> (i32, i32, i32) {
    %c3_i32 = arith.constant 3 : i32
    %c0_i32 = arith.constant 0 : i32
    %c0_i32_0 = arith.constant 0 : i32
    return %arg0, %c3_i32, %c0_i32 : i32, i32, i32
  }
}

module attributes {stable_mosaic.version = 14 : i64} {
  func.func @_ln_body(%arg0: i32, %arg1: memref<1x1024x768xf32, #tpu.memory_space<vmem>>, %arg2: memref<1x1x768xf32, #tpu.memory_space<vmem>>, %arg3: memref<1x768xf32, #tpu.memory_space<vmem>>, %arg4: memref<1x768xf32, #tpu.memory_space<vmem>>, %arg5: memref<50x4096x768xf32, #tpu.memory_space<any>>, %arg6: memref<1x1024x768xf32, #tpu.memory_space<vmem>>) attributes {dimension_semantics = [#tpu.dimension_semantics<arbitrary>], iteration_bounds = array<i64: 50>, scalar_prefetch = 0 : i64, scratch_operands = 0 : i64, tpu.core_type = #tpu.core_type<tc>, window_params = [{transform_indices = @transform_0, window_bounds = array<i64: 1, 1024, 768>}, {transform_indices = @transform_1, window_bounds = array<i64: 1, 1, 768>}, {pipeline_mode = #tpu.pipeline_mode<synchronous>, transform_indices = @transform_2, window_bounds = array<i64: 1, 768>}, {pipeline_mode = #tpu.pipeline_mode<synchronous>, transform_indices = @transform_3, window_bounds = array<i64: 1, 768>}, {}, {transform_indices = @transform_5, window_bounds = array<i64: 1, 1024, 768>}]} {
    %get3A = arith.constant 0 : index
    %get3A_0 = arith.constant 0 : index
    %get3A_1 = arith.constant 0 : index
    %get3A_2 = vector.load %arg1[%get3A, %get3A_0, %get3A_1] : memref<1x1024x768xf32, #tpu.memory_space<vmem>>, vector<1x1024x768xf32>
    %get3A_3 = arith.constant 0 : index
    %get3A_4 = arith.constant 0 : index
    %get3A_5 = arith.constant 0 : index
    %get3A_6 = vector.load %arg2[%get3A_3, %get3A_4, %get3A_5] : memref<1x1x768xf32, #tpu.memory_space<vmem>>, vector<1x1x768xf32>
    %add3A = vector.broadcast %get3A_6 : vector<1x1x768xf32> to vector<1x1024x768xf32>
    %add3A_7 = arith.addf %get3A_2, %add3A : vector<1x1024x768xf32>
    %reduce_sum3A = arith.constant dense<0.000000e+00> : vector<1x1024xf32>
    %reduce_sum3A_8 = vector.multi_reduction <add>, %add3A_7, %reduce_sum3A [2] : vector<1x1024x768xf32> to vector<1x1024xf32>
    %broadcast_in_dim3A = vector.shape_cast %reduce_sum3A_8 : vector<1x1024xf32> to vector<1x1024x1xf32>
    %div3A = arith.constant 7.680000e+02 : f32
    %div3A_9 = vector.broadcast %div3A : f32 to vector<1x1024x1xf32>
    %div3A_10 = arith.divf %broadcast_in_dim3A, %div3A_9 : vector<1x1024x1xf32>
    %sub3A = vector.broadcast %div3A_10 : vector<1x1024x1xf32> to vector<1x1024x768xf32>
    %sub3A_11 = arith.subf %add3A_7, %sub3A : vector<1x1024x768xf32>
    %mul3A = arith.mulf %sub3A_11, %sub3A_11 : vector<1x1024x768xf32>
    %reduce_sum3A_12 = arith.constant dense<0.000000e+00> : vector<1x1024xf32>
    %reduce_sum3A_13 = vector.multi_reduction <add>, %mul3A, %reduce_sum3A_12 [2] : vector<1x1024x768xf32> to vector<1x1024xf32>
    %broadcast_in_dim3A_14 = vector.shape_cast %reduce_sum3A_13 : vector<1x1024xf32> to vector<1x1024x1xf32>
    %div3A_15 = arith.constant 7.680000e+02 : f32
    %div3A_16 = vector.broadcast %div3A_15 : f32 to vector<1x1024x1xf32>
    %div3A_17 = arith.divf %broadcast_in_dim3A_14, %div3A_16 : vector<1x1024x1xf32>
    %add3A_18 = arith.constant 9.99999974E-6 : f32
    %add3A_19 = vector.broadcast %add3A_18 : f32 to vector<1x1024x1xf32>
    %add3A_20 = arith.addf %div3A_17, %add3A_19 : vector<1x1024x1xf32>
    %rsqrt3A = math.rsqrt %add3A_20 : vector<1x1024x1xf32>
    %mul3A_21 = vector.broadcast %rsqrt3A : vector<1x1024x1xf32> to vector<1x1024x768xf32>
    %mul3A_22 = arith.mulf %sub3A_11, %mul3A_21 : vector<1x1024x768xf32>
    %get3A_23 = arith.constant 0 : index
    %get3A_24 = arith.constant 0 : index
    %get3A_25 = vector.load %arg3[%get3A_23, %get3A_24] : memref<1x768xf32, #tpu.memory_space<vmem>>, vector<1x768xf32>
    %get3A_26 = vector.shape_cast %get3A_25 : vector<1x768xf32> to vector<768xf32>
    %broadcast_in_dim3A_27 = vector.shape_cast %get3A_26 : vector<768xf32> to vector<1x1x768xf32>
    %mul3A_28 = vector.broadcast %broadcast_in_dim3A_27 : vector<1x1x768xf32> to vector<1x1024x768xf32>
    %mul3A_29 = arith.mulf %mul3A_22, %mul3A_28 : vector<1x1024x768xf32>
    %get3A_30 = arith.constant 0 : index
    %get3A_31 = arith.constant 0 : index
    %get3A_32 = vector.load %arg4[%get3A_30, %get3A_31] : memref<1x768xf32, #tpu.memory_space<vmem>>, vector<1x768xf32>
    %get3A_33 = vector.shape_cast %get3A_32 : vector<1x768xf32> to vector<768xf32>
    %broadcast_in_dim3A_34 = vector.shape_cast %get3A_33 : vector<768xf32> to vector<1x1x768xf32>
    %add3A_35 = vector.broadcast %broadcast_in_dim3A_34 : vector<1x1x768xf32> to vector<1x1024x768xf32>
    %add3A_36 = arith.addf %mul3A_29, %add3A_35 : vector<1x1024x768xf32>
    %swap3A = arith.constant 0 : index
    %swap3A_37 = arith.constant 0 : index
    %swap3A_38 = arith.constant 0 : index
    %swap3A_39 = vector.load %arg6[%swap3A, %swap3A_37, %swap3A_38] : memref<1x1024x768xf32, #tpu.memory_space<vmem>>, vector<1x1024x768xf32>
    tpu.vector_store %arg6[%swap3A, %swap3A_37, %swap3A_38], %add3A_36 {strides = array<i32>} : memref<1x1024x768xf32, #tpu.memory_space<vmem>>, vector<1x1024x768xf32>,
    return
  }
  func.func @transform_0(%arg0: i32) -> (i32, i32, i32) {
    %c0_i32 = arith.constant 0 : i32
    %c0_i32_0 = arith.constant 0 : i32
    %c0_i32_1 = arith.constant 0 : i32
    return %arg0, %c0_i32, %c0_i32_0 : i32, i32, i32
  }
  func.func @transform_1(%arg0: i32) -> (i32, i32, i32) {
    %c0_i32 = arith.constant 0 : i32
    %c0_i32_0 = arith.constant 0 : i32
    %c0_i32_1 = arith.constant 0 : i32
    return %arg0, %c0_i32, %c0_i32_0 : i32, i32, i32
  }
  func.func @transform_2(%arg0: i32) -> (i32, i32) {
    %c0_i32 = arith.constant 0 : i32
    %c0_i32_0 = arith.constant 0 : i32
    %c0_i32_1 = arith.constant 0 : i32
    return %c0_i32, %c0_i32_0 : i32, i32
  }
  func.func @transform_3(%arg0: i32) -> (i32, i32) {
    %c0_i32 = arith.constant 0 : i32
    %c0_i32_0 = arith.constant 0 : i32
    %c0_i32_1 = arith.constant 0 : i32
    return %c0_i32, %c0_i32_0 : i32, i32
  }
  func.func @transform_5(%arg0: i32) -> (i32, i32, i32) {
    %c2_i32 = arith.constant 2 : i32
    %c0_i32 = arith.constant 0 : i32
    %c0_i32_0 = arith.constant 0 : i32
    return %arg0, %c2_i32, %c0_i32 : i32, i32, i32
  }
}

</mosaic_0001>

<sc_bundles>
// kernel: kernel.10.cloned.1.call-start
scs
__scs_entry_jumppad:
0x0: {  	(pc) =	sbr.rel $0x88, $3  }
0x1: {  	(tag) =	ssettag $0x0;
	lr =	simm.s32 $0x1  }
0x2: {  	[smem:$0x3F9C] =	sst lr;
	_ =	strace $0xD0000000  }
0x3: {  	_ = 	snop  }
0x4: {  	_ = 	snop  }
0x5: {  	_ = 	snop  }
0x6: {  	_ = 	snop  }
0x7: {  	_ = 	snop  }
__scs_overlays_trampoline_lowered:
0x8: {  	[smem:$0x3FAB] =	sst s0  }
0x9: {  	[smem:$0x3FAC] =	sst s1  }
0xa: {  	[smem:$0x3FAD] =	sst s2  }
0xb: {  	[smem:$0x3FAE] =	sst s3  }
0xc: {  	[smem:$0x3FAF] =	sst s4  }
0xd: {  	[smem:$0x3FB0] =	sst s5  }
0xe: {  	[smem:$0x3FB1] =	sst s6  }
0xf: {  	[smem:$0x3FB2] =	sst s7  }
0x10: {  	[smem:$0x3FB3] =	sst s8  }
0x11: {  	[smem:$0x3FB4] =	sst s9;
	s0 =	simm.s32 @!p0 $0x0  }
0x12: {  	s1 =	sld [smem:$0x3F9A];
	s0 =	simm.s32 @p0 $0x1  }
0x13: {  	[smem:$0x3FB5] =	sst s0;
	s0 =	simm.s32 @!p1 $0x0  }
0x14: {  	s2 =	sld [smem:$0x3F99];
	s0 =	simm.s32 @p1 $0x1  }
0x15: {  	[smem:$0x3FB6] =	sst s0;
	s0 =	simm.s32 @!p2 $0x0  }
0x16: {  	s3 =	sld [smem:$0x3FDB];
	s0 =	simm.s32 @p2 $0x1  }
0x17: {  	s4 =	simm.s32 $0x1BF5;
	[smem:$0x3FB8] =	sst s0  }
0x18: {  	s0 =	sld [smem:$0x3F9B];
	_ =	swait.ge [sflag:s4], $0x0  }
0x19: {  	s7 =	sld [smem:$0x3F9C]  }
0x1a: {  	s8 =	sadd.s32 $0xFFFFE003, lr  }
0x1b: {  	s9 =	sadd.s32 $0xFFFFFEF7, lr;
	s5 =	simm.s32 $0xFFFFFFFF;
	p2 =	slt.u32 s8, $0xFFFFF086  }
0x1c: {  	p1 =	slt.u32 s9, $0xF7A;
	s5 =	simm.s32 @!p2 $0x0  }
0x1d: {  	s5 =	simm.s32 @p1 $0x1;
	p0 =	seq.s32 s7, s2  }
0x1e: {  	s7 =	smul.u32 @!p0 $0xF7A, s2;
	p2 =	seq.s32 @!p0 s5, $0x0  }
0x1f: {  	s9 =	smul.u32 $0xF7A, s1;
	s8 =	simm.s32 @!p0 $0x1BF5;
	p2 =	por !p2, p0  }
0x20: {  	[sflag:s8] =	ssyncset.s32 @!p0 $0xFFFFF086;
	s6 =	sadd.s32 @!p0 s3, s7;
	s7 =	simm.s32 @!p0 $0x108  }
0x21: {  	s3 =	sadd.s32 s3, s9;
	s6 =	sadd.s32 @!p0 $0x88, s6;
	s7 =	simm.s32 @p2 $0x1082  }
0x22: {  	[simem:s7], [sflag:s8] =	dma.local @!p0 [hbm:s6], $0xF7A  }
0x23: {  	s9 =	sor.u32 $0xD0000000, s2;
	s6 =	simm.s32 $0x108;
	_ =	swait.ge @!p0 [sflag:s8], $0x0  }
0x24: {  	s3 =	sadd.s32 $0x88, s3;
	s6 =	simm.s32 @!p1 $0x1082;
	[sflag:s4] =	ssyncset.s32 $0xFFFFF086  }
0x25: {  	[simem:s6], [sflag:s4] =	dma.local [hbm:s3], $0xF7A  }
0x26: {  	[smem:$0x3F9C] =	sst s1;
	(tag) =	ssettag s2;
	_ =	strace s9  }
0x27: {  	s1 =	sld [smem:$0x3FAC]  }
0x28: {  	s2 =	sld [smem:$0x3FAD]  }
0x29: {  	s4 =	sld [smem:$0x3FAF]  }
0x2a: {  	p0 =	seq.s32 s5, $0x0;
	s5 =	sld [smem:$0x3FB0]  }
0x2b: {  	s6 =	sld [smem:$0x3FB1]  }
0x2c: {  	s7 =	sld [smem:$0x3FB2]  }
0x2d: {  	s3 =	simm.s32 $0x108;
	s8 =	sld [smem:$0x3FB3]  }
0x2e: {  	s3 =	simm.s32 @!p0 $0x1082;
	s9 =	sld [smem:$0x3FB4]  }
0x2f: {  	lr =	sadd.s32 s0, s3;
	s0 =	sld [smem:$0x3FAB]  }
0x30: {  	s3 =	sld [smem:$0x3FAE]  }
0x31: {  	[smem:$0x3FB7] =	sst s10  }
0x32: {  	s10 =	sld [smem:$0x3FB5];
	_ =	sdelay $0x3  }
0x33: {  	p0 =	seq.s32 s10, $0x1;
	s10 =	sld [smem:$0x3FB7];
	_ =	sdelay $0x3  }
0x34: {  	[smem:$0x3FB7] =	sst s10  }
0x35: {  	s10 =	sld [smem:$0x3FB6];
	_ =	sdelay $0x3  }
0x36: {  	p1 =	seq.s32 s10, $0x1;
	s10 =	sld [smem:$0x3FB7];
	_ =	sdelay $0x3  }
0x37: {  	[smem:$0x3FB7] =	sst s10  }
0x38: {  	s10 =	sld [smem:$0x3FB8]  }
0x39: {  	_ = 	snop;
	(pc) =	sbr.ind lr, $3  }
0x3a: {  	_ = 	snop  }
0x3b: {  	_ = 	snop  }
0x3c: {  	p2 =	seq.s32 s10, $0x1;
	s10 =	sld [smem:$0x3FB7]  }
0x3d: {  	_ =	shalt  }
0x3e: {  	_ =	shalt  }
0x3f: {  	_ =	shalt  }
0x40: {  	_ =	shalt  }
0x41: {  	_ =	shalt  }
0x42: {  	_ =	shalt  }
0x43: {  	_ =	shalt  }
0x44: {  	_ =	shalt  }
0x45: {  	_ =	shalt  }
0x46: {  	_ =	shalt  }
0x47: {  	_ =	shalt  }
0x48: {  	_ =	shalt  }
0x49: {  	_ =	shalt  }
0x4a: {  	_ =	shalt  }
0x4b: {  	_ =	shalt  }
0x4c: {  	_ =	shalt  }
0x4d: {  	_ =	shalt  }
0x4e: {  	_ =	shalt  }
0x4f: {  	_ =	shalt  }
0x50: {  	_ =	shalt  }
0x51: {  	_ =	shalt  }
0x52: {  	_ =	shalt  }
0x53: {  	_ =	shalt  }
0x54: {  	_ =	shalt  }
0x55: {  	_ =	shalt  }
0x56: {  	_ =	shalt  }
0x57: {  	_ =	shalt  }
0x58: {  	_ =	shalt  }
0x59: {  	_ =	shalt  }
0x5a: {  	_ =	shalt  }
0x5b: {  	_ =	shalt  }
0x5c: {  	_ =	shalt  }
0x5d: {  	_ =	shalt  }
0x5e: {  	_ =	shalt  }
0x5f: {  	_ =	shalt  }
0x60: {  	_ =	shalt  }
0x61: {  	_ =	shalt  }
0x62: {  	_ =	shalt  }
0x63: {  	_ =	shalt  }
0x64: {  	_ =	shalt  }
0x65: {  	_ =	shalt  }
0x66: {  	_ =	shalt  }
0x67: {  	_ =	shalt  }
0x68: {  	_ =	shalt  }
0x69: {  	_ =	shalt  }
0x6a: {  	_ =	shalt  }
0x6b: {  	_ =	shalt  }
0x6c: {  	_ =	shalt  }
0x6d: {  	_ =	shalt  }
0x6e: {  	_ =	shalt  }
0x6f: {  	_ =	shalt  }
0x70: {  	_ =	shalt  }
0x71: {  	_ =	shalt  }
0x72: {  	_ =	shalt  }
0x73: {  	_ =	shalt  }
0x74: {  	_ =	shalt  }
0x75: {  	_ =	shalt  }
0x76: {  	_ =	shalt  }
0x77: {  	_ =	shalt  }
0x78: {  	_ =	shalt  }
0x79: {  	_ =	shalt  }
0x7a: {  	_ =	shalt  }
0x7b: {  	_ =	shalt  }
0x7c: {  	_ =	shalt  }
0x7d: {  	_ =	shalt  }
0x7e: {  	_ =	shalt  }
0x7f: {  	_ =	shalt  }
0x80: {  	_ =	shalt  }
0x81: {  	_ =	shalt  }
0x82: {  	_ =	shalt  }
0x83: {  	_ =	shalt  }
0x84: {  	_ =	shalt  }
0x85: {  	_ =	shalt  }
0x86: {  	_ =	shalt  }
0x87: {  	_ =	shalt  }
.Lfunc_end0:
.L_simem_size_0:
called_computation_lowered:
.L_overlay_start_0:
0x88: {  	s2 =	sld [smem:$0x3FD9]  }
0x89: {  	s3 =	sld [smem:$0x3FFE];
	_ =	sdelay $0x1  }
0x8a: {  	s1 =	srdreg.scid  }
0x8b: {  	s0 =	sand.u32 $0x1, s1  }
0x8c: {  	s17 =	sshll.u32 s0, $0xA;
	s2 =	sadd.s32 s3, s2  }
0x8d: {  	s2 =	sadd.s32 s2, s17  }
0x8e: {  	[smem:$0x3FC3] =	sst s2  }
0x8f: {  	_ = 	snop  }
0x90: {  	s2 =	sld [smem:$0x3FC8];
	(tm) =	ssettm $0x1  }
0x91: {  	s18 =	sld [smem:$0x3FFB];
	_ =	sdelay $0x3  }
0x92: {  	_ =	strace s18  }
0x93: {  	s3 =	sld [smem:$0x3FFC];
	_ =	sdelay $0x3  }
0x94: {  	_ =	strace s3  }
0x95: {  	s3 =	sld [smem:$0x3FFD];
	_ =	sdelay $0x3  }
0x96: {  	_ =	strace s3  }
0x97: {  	_ =	strace $0x8FFFFFFF  }
0x98: {  	s19 =	sld [smem:$0x3FDB];
	_ =	sdelay $0x1  }
0x99: {  	s4 =	simm.s32 $_scs_section_size  }
0x9a: {  	s5 =	simm.s32 $_size__tile_overlayer_lowered;
	s6 =	simm.s32 $_tile_overlayer_lowered  }
0x9b: {  	s22 =	simm.s32 $0x1BFF;
	s21 =	sshll.u32 s6, $0x1;
	s3 =	sadd.s32 s4, s19  }
0x9c: {  	s7 =	simm.s32 $0x0;
	s20 =	sshll.u32 s5, $0x1;
	s5 =	sadd.s32 s21, s3  }
0x9d: {  	[timem:s7], [sflag:s22] =	dma.local [hbm:s5], s20  }
0x9e: {  	_ =	swait.ge [sflag:s22], s20  }
0x9f: {  	s4 =	ssub.s32 $0x0, s20;
	[sflag:s22] =	ssyncset.done $0x0  }
0xa0: {  	[sflag:s22] =	ssyncadd.s32 s4;
	_ =	sdelay $0x1  }
0xa1: {  	s23 =	simm.s32 $0x1B8B  }
0xa2: {  	_ =	swait.ge [sflag:s23], $0x1  }
0xa3: {  	[sflag:s23] =	ssyncset.done $0x0  }
0xa4: {  	s25 =	simm.s32 $0x1B8E;
	s24 =	sld [smem:$0x3FFE];
	[sflag:s23] =	ssyncadd.s32 $0xFFFFFFFF  }
0xa5: {  	s26 =	simm.s32 $execute0_lowered;
	[smem:$0x3FD2] =	sst s25  }
0xa6: {  	s5 =	sshll.u32 s26, $0x1;
	_ =	strace $0x80000046;
	[dreg:$0x1] =	wrdreg $0xFFFFFFFF  }
0xa7: {  	s28 =	simm.s32 $_size_execute0_lowered;
	s3 =	sadd.s32 s3, s5;
	[dreg:$0x0] =	wrdreg $0x0  }
0xa8: {  	s5 =	sshll.u32 s28, $0x1;
	[dreg:$0x2] =	wrdreg s3  }
0xa9: {  	[dreg:$0x3] =	wrdreg s5  }
0xaa: {  	[dreg:$0x4] =	wrdreg $0xC0  }
0xab: {  	_ =	task [dreg:s7], $0x5FFFF  }
0xac: {  	[dreg:$0x1] =	wrdreg $0xFFFFFFFF  }
0xad: {  	[dreg:$0x0] =	wrdreg $0x60  }
0xae: {  	[dreg:$0x2] =	wrdreg s24  }
0xaf: {  	[dreg:$0x3] =	wrdreg s2  }
0xb0: {  	[dreg:$0x4] =	wrdreg $0x9  }
0xb1: {  	_ =	task.clear_ibuf [dreg:s7], $0x5FFFF;
	_ =	strace $0x90000046  }
0xb2: {  	s29 =	simm.s32 $0x9;
	_ =	strace $0x80000048  }
0xb3: {  	_ =	swait.ge [sflag:s29], $0x1  }
0xb4: {  	[sflag:s29] =	ssyncadd.s32 $0xFFFFFFFF  }
0xb5: {  	_ =	strace $0x90000048  }
0xb6: {  	_ =	sfence  }
0xb7: {  	s30 =	sld [smem:$0x0];
	_ =	sdelay $0x2  }
0xb8: {  	s31 =	sshll.u32 s1, $0xD;
	s1 =	sshrl.u32 s1, $0x2  }
0xb9: {  	s3 =	sand.u32 $0x4000, s31;
	s1 =	sadd.s32 s1, s30  }
0xba: {  	s0 =	sor.u32 s3, s0;
	s1 =	sshll.u32 s1, $0x11  }
0xbb: {  	s0 =	sor.u32 s1, s0  }
0xbc: {  	s0 =	sadd.s32 $0x8F2B, s0  }
0xbd: {  	[sflag:s0] =	ssyncadd.remote.s32 $0x1  }
0xbe: {  	_ =	sfence.sel $0xFFFF  }
0xbf: {  	[dreg:$0x0] =	wrdreg $0xFFFFFFFF;
	(pc) =	sbr.abs _section_cstart, $3  }
0xc0: {  	[dreg:$0x1] =	wrdreg $0xFFFFFFFF  }
0xc1: {  	_ =	task.clear_ibuf [dreg:s7], $0x2FFFF;
	_ =	strace $0x9FFFFFFF  }
0xc2: {  	(tm) =	ssettm $0x7FFFFFFF  }
0xc3: {  	_ =	shalt  }
tec
execute0_lowered:
.L_overlay_start_1:
0x0: {  	(tag) =	ssettag $0x1  }
0x1: {  	s0 =	rddreg [dreg:$0x0];
	s1 =	srdreg.scid  }
0x2: {  	s6 =	stileid.u32;
	s2 =	rddreg [dreg:$0x1]  }
0x3: {  	s13 =	simm.s32 $0x680;
	s12 =	simm.s32 $0x1;
	s14 =	simm.s32 $0xC680  }
0x4: {  	s28 =	simm.s32 $0x12E80;
	s29 =	simm.s32 $0x13680;
	s15 =	simm.s32 $0x13E80  }
0x5: {  	s30 =	simm.s32 $0x14680;
	s16 =	simm.s32 $0x14E80;
	s31 =	simm.s32 $0x15680  }
0x6: {  	s17 =	simm.s32 $0x15E80;
	s18 =	simm.s32 $0x16E80;
	s19 =	simm.s32 $0x17E80  }
0x7: {  	s20 =	simm.s32 $0x3;
	s1 =	sand.u32 $0x1, s1;
	s3 =	sshll.u32 s6, $0x1  }
0x8: {  	s10 =	simm.s32 $0x0;
	s6 =	sshrl.u32 s6, $0x3;
	s4 =	sor.u32 s1, s3  }
0x9: {  	s3 =	simm.s32 $0x0;
	s1 =	ssub.s32 $0x2, s1;
	s6 =	smul.u32 $0x12C0000, s6  }
0xa: {  	s5 =	smul.u32 $0xC8, s4;
	s4 =	sand.u32 $0xF, s4;
	[smem:$0x7FF] =	sst s3  }
0xb: {  	s21 =	sshrl.u32 s1, $0x1;
	s7 =	smul.u32 $0xC000, s4;
	_ =	strace $0x80000047  }
0xc: {  	s4 =	sadd.s32 $0x7200, s0;
	s5 =	sadd.s32 s5, s0;
	s0 =	ssub.s32 s1, s21  }
0xd: {  	s1 =	simm.s32 $0x16680;
	s22 =	sadd.s32 $0x5800, s5;
	s23 =	sadd.s32 s6, s7  }
0xe: {  	s6 =	sadd.s32 $0x100, s2;
	s7 =	sadd.s32 $0x200, s2;
	s0 =	smax.u32 s0, $0x1  }
0xf: {  	[dreg:$0x3] =	wrdreg s22;
	s24 =	sshrl.u32 s23, $0x3;
	s8 =	sadd.s32 $0xC0000, s23  }
.Ltmp0:
0x10: {  	[dreg:$0x5] =	wrdreg s0;
	s26 =	sadd.s32 $0x180000, s23;
	(pc) =	sbr.rel .LBB2_1-.Ltmp0, $4  }
0x11: {  	s23 =	simm.s32 $0x10E80;
	s0 =	simm.s32 $0x17680;
	s5 =	sadd.s32 s4, s24  }
0x12: {  	v2 =	vlaneseq.u32;
	s25 =	sshrl.u32 s8, $0x3;
	[dreg:$0x6] =	wrdreg s26;
	s24 =	simm.s32 $0x11680  }
0x13: {  	vm0 =	vmmov $0xffff;
	v1 =	vshrl.u32 v2, $0x3;
	s26 =	simm.s32 $0x12680;
	s8 =	simm.s32 $0x4;
	[dreg:$0x4] =	wrdreg s5  }
0x14: {  	v0 =	vand.u32 $0x7, v2;
	v2 =	vor.u32 $0x8, v2;
	v1 =	vmul.u32 $0x8, v1;
	s11 =	sadd.s32 s25, s4;
	s25 =	simm.s32 $0x11E80;
	s5 =	simm.s32 $0x2  }
.LBB2_4:
0x15: {  	_ =	swait.ge [sflag:s20], $0xC000  }
0x16: {  	s10 =	rddreg [dreg:$0x7]  }
0x17: {  	s9 =	rddreg [dreg:$0x5];
	s10 =	sadd.s32 $0x1, s10  }
0x18: {  	p0 =	sne.s32 s10, s9  }
.Ltmp1:
0x19: {  	_ = 	snop;
	(pc) =	sbr.rel @!p0 .LBB2_5-.Ltmp1, $3  }
0x1a: {  	_ =	sdelay $0x1  }
0x1b: {  	[sflag:s20] =	ssyncset.done $0x0  }
0x1c: {  	[sflag:s20] =	ssyncadd.s32 $0xFFFF4000  }
.LBB2_1:
0x1d: {  	[dreg:$0x7] =	wrdreg s10  }
0x1e: {  	s9 =	rddreg [dreg:$0x3];
	s10 =	simm.s32 $0x5  }
0x1f: {  	[tilespmem:s3], [sflag:$0x5] =	stream.linear.gather [hbm4b:s9+s3], $0x640, $0x38;
	[tilespmem:$0x18680] =	vst v63  }
0x20: {  	_ =	swait.ge [sflag:s10], $0x640  }
0x21: {  	[sflag:s10] =	ssyncset.done $0x0  }
0x22: {  	[sflag:s10] =	ssyncadd.s32 $0xFFFFF9C0  }
0x23: {  	v3 =	vld [tilespmem:$0x0];
	_ =	sdelay $0x4  }
0x24: {  	v4 =	vshrl.u32 v3, $0x3  }
0x25: {  	v4 =	vmul.u32 $0x30, v4  }
0x26: {  	v3 =	vand.u32 $0x7, v3  }
0x27: {  	v3 =	vor.u32 v3, v4  }
0x28: {  	v4 =	vperm.xlane v3, v0;
	_ =	sdelay $0x1  }
0x29: {  	v4 =	vadd.s32 v1, v4;
	_ =	sdelay $0x3  }
0x2a: {  	v3 =	vperm.xlane v3, v2  }
0x2b: {  	[tilespmem:s13], [sflag:$0x1] =	stream.indirect_vreg.gather [hbm4b:s2+s3], $0x80, v4, vm0, $0xb8;
	[tilespmem:$0x18680] =	vst v63  }
0x2c: {  	s21 =	simm.s32 $0xE80;
	v3 =	vadd.s32 v1, v3  }
0x2d: {  	[tilespmem:s21], [sflag:$0x1] =	stream.indirect_vreg.gather [hbm4b:s6+s3], $0x80, v4, vm0, $0xb8;
	[tilespmem:$0x18680] =	vst v63  }
0x2e: {  	s22 =	simm.s32 $0x1680  }
0x2f: {  	[tilespmem:s22], [sflag:$0x1] =	stream.indirect_vreg.gather [hbm4b:s7+s3], $0x80, v4, vm0, $0xb8;
	[tilespmem:$0x18680] =	vst v63  }
0x30: {  	s10 =	simm.s32 $0x1E80  }
0x31: {  	[tilespmem:s10], [sflag:$0x1] =	stream.indirect_vreg.gather [hbm4b:s2+s3], $0x80, v3, vm0, $0xb8;
	[tilespmem:$0x18680] =	vst v63  }
0x32: {  	s21 =	simm.s32 $0x2680  }
0x33: {  	[tilespmem:s21], [sflag:$0x1] =	stream.indirect_vreg.gather [hbm4b:s6+s3], $0x80, v3, vm0, $0xb8;
	[tilespmem:$0x18680] =	vst v63  }
0x34: {  	s22 =	simm.s32 $0x2E80  }
0x35: {  	[tilespmem:s22], [sflag:$0x1] =	stream.indirect_vreg.gather [hbm4b:s7+s3], $0x80, v3, vm0, $0xb8;
	[tilespmem:$0x18680] =	vst v63  }
0x36: {  	v3 =	vld [tilespmem:$0x10];
	_ =	sdelay $0x4  }
0x37: {  	v57 =	vshrl.u32 v3, $0x3  }
0x38: {  	v4 =	vmul.u32 $0x30, v57  }
0x39: {  	v3 =	vand.u32 $0x7, v3  }
0x3a: {  	v3 =	vor.u32 v3, v4  }
0x3b: {  	v4 =	vperm.xlane v3, v0;
	_ =	sdelay $0x1  }
0x3c: {  	v4 =	vadd.s32 v1, v4;
	_ =	sdelay $0x3  }
0x3d: {  	s10 =	simm.s32 $0x3680;
	v3 =	vperm.xlane v3, v2  }
0x3e: {  	[tilespmem:s10], [sflag:$0x1] =	stream.indirect_vreg.gather [hbm4b:s2+s3], $0x80, v4, vm0, $0xb8;
	[tilespmem:$0x18680] =	vst v63  }
0x3f: {  	s21 =	simm.s32 $0x3E80;
	v3 =	vadd.s32 v1, v3  }
0x40: {  	[tilespmem:s21], [sflag:$0x1] =	stream.indirect_vreg.gather [hbm4b:s6+s3], $0x80, v4, vm0, $0xb8;
	[tilespmem:$0x18680] =	vst v63  }
0x41: {  	s22 =	simm.s32 $0x4680  }
0x42: {  	[tilespmem:s22], [sflag:$0x1] =	stream.indirect_vreg.gather [hbm4b:s7+s3], $0x80, v4, vm0, $0xb8;
	[tilespmem:$0x18680] =	vst v63  }
0x43: {  	s10 =	simm.s32 $0x4E80  }
0x44: {  	[tilespmem:s10], [sflag:$0x1] =	stream.indirect_vreg.gather [hbm4b:s2+s3], $0x80, v3, vm0, $0xb8;
	[tilespmem:$0x18680] =	vst v63  }
0x45: {  	s21 =	simm.s32 $0x5680  }
0x46: {  	[tilespmem:s21], [sflag:$0x1] =	stream.indirect_vreg.gather [hbm4b:s6+s3], $0x80, v3, vm0, $0xb8;
	[tilespmem:$0x18680] =	vst v63  }
0x47: {  	s22 =	simm.s32 $0x5E80  }
0x48: {  	[tilespmem:s22], [sflag:$0x1] =	stream.indirect_vreg.gather [hbm4b:s7+s3], $0x80, v3, vm0, $0xb8;
	[tilespmem:$0x18680] =	vst v63  }
0x49: {  	v3 =	vld [tilespmem:$0x20];
	_ =	sdelay $0x4  }
0x4a: {  	v58 =	vshrl.u32 v3, $0x3  }
0x4b: {  	v4 =	vmul.u32 $0x30, v58  }
0x4c: {  	v3 =	vand.u32 $0x7, v3  }
0x4d: {  	v3 =	vor.u32 v3, v4  }
0x4e: {  	v4 =	vperm.xlane v3, v0;
	_ =	sdelay $0x1  }
0x4f: {  	v4 =	vadd.s32 v1, v4;
	_ =	sdelay $0x3  }
0x50: {  	s10 =	simm.s32 $0x6680;
	v3 =	vperm.xlane v3, v2  }
0x51: {  	[tilespmem:s10], [sflag:$0x1] =	stream.indirect_vreg.gather [hbm4b:s2+s3], $0x80, v4, vm0, $0xb8;
	[tilespmem:$0x18680] =	vst v63  }
0x52: {  	s21 =	simm.s32 $0x6E80;
	v3 =	vadd.s32 v1, v3  }
0x53: {  	[tilespmem:s21], [sflag:$0x1] =	stream.indirect_vreg.gather [hbm4b:s6+s3], $0x80, v4, vm0, $0xb8;
	[tilespmem:$0x18680] =	vst v63  }
0x54: {  	s22 =	simm.s32 $0x7680  }
0x55: {  	[tilespmem:s22], [sflag:$0x1] =	stream.indirect_vreg.gather [hbm4b:s7+s3], $0x80, v4, vm0, $0xb8;
	[tilespmem:$0x18680] =	vst v63  }
0x56: {  	s10 =	simm.s32 $0x7E80  }
0x57: {  	[tilespmem:s10], [sflag:$0x1] =	stream.indirect_vreg.gather [hbm4b:s2+s3], $0x80, v3, vm0, $0xb8;
	[tilespmem:$0x18680] =	vst v63  }
0x58: {  	s21 =	simm.s32 $0x8680  }
0x59: {  	[tilespmem:s21], [sflag:$0x1] =	stream.indirect_vreg.gather [hbm4b:s6+s3], $0x80, v3, vm0, $0xb8;
	[tilespmem:$0x18680] =	vst v63  }
0x5a: {  	s22 =	simm.s32 $0x8E80  }
0x5b: {  	[tilespmem:s22], [sflag:$0x1] =	stream.indirect_vreg.gather [hbm4b:s7+s3], $0x80, v3, vm0, $0xb8;
	[tilespmem:$0x18680] =	vst v63  }
0x5c: {  	v3 =	vld [tilespmem:$0x30];
	_ =	sdelay $0x4  }
0x5d: {  	v59 =	vshrl.u32 v3, $0x3  }
0x5e: {  	v4 =	vmul.u32 $0x30, v59  }
0x5f: {  	v3 =	vand.u32 $0x7, v3  }
0x60: {  	v3 =	vor.u32 v3, v4  }
0x61: {  	v4 =	vperm.xlane v3, v0;
	_ =	sdelay $0x1  }
0x62: {  	v4 =	vadd.s32 v1, v4;
	_ =	sdelay $0x3  }
0x63: {  	s10 =	simm.s32 $0x9680;
	v3 =	vperm.xlane v3, v2  }
0x64: {  	[tilespmem:s10], [sflag:$0x1] =	stream.indirect_vreg.gather [hbm4b:s2+s3], $0x80, v4, vm0, $0xb8;
	[tilespmem:$0x18680] =	vst v63  }
0x65: {  	s21 =	simm.s32 $0x9E80;
	v3 =	vadd.s32 v1, v3  }
0x66: {  	[tilespmem:s21], [sflag:$0x1] =	stream.indirect_vreg.gather [hbm4b:s6+s3], $0x80, v4, vm0, $0xb8;
	[tilespmem:$0x18680] =	vst v63  }
0x67: {  	s22 =	simm.s32 $0xA680  }
0x68: {  	[tilespmem:s22], [sflag:$0x1] =	stream.indirect_vreg.gather [hbm4b:s7+s3], $0x80, v4, vm0, $0xb8;
	[tilespmem:$0x18680] =	vst v63  }
0x69: {  	s10 =	simm.s32 $0xAE80  }
0x6a: {  	[tilespmem:s10], [sflag:$0x1] =	stream.indirect_vreg.gather [hbm4b:s2+s3], $0x80, v3, vm0, $0xb8;
	[tilespmem:$0x18680] =	vst v63  }
0x6b: {  	s21 =	simm.s32 $0xB680  }
0x6c: {  	[tilespmem:s21], [sflag:$0x1] =	stream.indirect_vreg.gather [hbm4b:s6+s3], $0x80, v3, vm0, $0xb8;
	[tilespmem:$0x18680] =	vst v63  }
0x6d: {  	s22 =	simm.s32 $0xBE80  }
0x6e: {  	[tilespmem:s22], [sflag:$0x1] =	stream.indirect_vreg.gather [hbm4b:s7+s3], $0x80, v3, vm0, $0xb8;
	[tilespmem:$0x18680] =	vst v63  }
0x6f: {  	_ =	swait.ge [sflag:s12], $0xC000  }
0x70: {  	[sflag:s12] =	ssyncset.done $0x0  }
0x71: {  	s10 =	rddreg [dreg:$0x4];
	[sflag:s12] =	ssyncadd.s32 $0xFFFF4000  }
0x72: {  	[hbm4b:s10+s3] =	stream.linear.scatter [tilespmem:s13], [sflag:$0x3], $0xC000, $0x38;
	[tilespmem:$0x18680] =	vst v63  }
0x73: {  	v3 =	vld [tilespmem:$0x40];
	_ =	sdelay $0x4  }
0x74: {  	v60 =	vshrl.u32 v3, $0x3  }
0x75: {  	v4 =	vmul.u32 $0x30, v60  }
0x76: {  	v3 =	vand.u32 $0x7, v3  }
0x77: {  	v3 =	vor.u32 v3, v4  }
0x78: {  	v4 =	vperm.xlane v3, v0;
	_ =	sdelay $0x1  }
0x79: {  	v4 =	vadd.s32 v1, v4;
	_ =	sdelay $0x3  }
0x7a: {  	v3 =	vperm.xlane v3, v2  }
0x7b: {  	[tilespmem:s14], [sflag:$0x2] =	stream.indirect_vreg.gather [hbm4b:s2+s3], $0x80, v4, vm0, $0xb8;
	[tilespmem:$0x18680] =	vst v63  }
0x7c: {  	s21 =	simm.s32 $0xCE80;
	v3 =	vadd.s32 v1, v3  }
0x7d: {  	[tilespmem:s21], [sflag:$0x2] =	stream.indirect_vreg.gather [hbm4b:s6+s3], $0x80, v4, vm0, $0xb8;
	[tilespmem:$0x18680] =	vst v63  }
0x7e: {  	s22 =	simm.s32 $0xD680  }
0x7f: {  	[tilespmem:s22], [sflag:$0x2] =	stream.indirect_vreg.gather [hbm4b:s7+s3], $0x80, v4, vm0, $0xb8;
	[tilespmem:$0x18680] =	vst v63  }
0x80: {  	s10 =	simm.s32 $0xDE80  }
0x81: {  	[tilespmem:s10], [sflag:$0x2] =	stream.indirect_vreg.gather [hbm4b:s2+s3], $0x80, v3, vm0, $0xb8;
	[tilespmem:$0x18680] =	vst v63  }
0x82: {  	s21 =	simm.s32 $0xE680  }
0x83: {  	[tilespmem:s21], [sflag:$0x2] =	stream.indirect_vreg.gather [hbm4b:s6+s3], $0x80, v3, vm0, $0xb8;
	[tilespmem:$0x18680] =	vst v63  }
0x84: {  	s22 =	simm.s32 $0xEE80  }
0x85: {  	[tilespmem:s22], [sflag:$0x2] =	stream.indirect_vreg.gather [hbm4b:s7+s3], $0x80, v3, vm0, $0xb8;
	[tilespmem:$0x18680] =	vst v63  }
0x86: {  	v3 =	vld [tilespmem:$0x50];
	_ =	sdelay $0x4  }
0x87: {  	v61 =	vshrl.u32 v3, $0x3  }
0x88: {  	v4 =	vmul.u32 $0x30, v61  }
0x89: {  	v3 =	vand.u32 $0x7, v3  }
0x8a: {  	v3 =	vor.u32 v3, v4  }
0x8b: {  	v4 =	vperm.xlane v3, v0;
	_ =	sdelay $0x1  }
0x8c: {  	v4 =	vadd.s32 v1, v4;
	_ =	sdelay $0x3  }
0x8d: {  	s10 =	simm.s32 $0xF680;
	v3 =	vperm.xlane v3, v2  }
0x8e: {  	[tilespmem:s10], [sflag:$0x2] =	stream.indirect_vreg.gather [hbm4b:s2+s3], $0x80, v4, vm0, $0xb8;
	[tilespmem:$0x18680] =	vst v63  }
0x8f: {  	s21 =	simm.s32 $0xFE80;
	v3 =	vadd.s32 v1, v3  }
0x90: {  	[tilespmem:s21], [sflag:$0x2] =	stream.indirect_vreg.gather [hbm4b:s6+s3], $0x80, v4, vm0, $0xb8;
	[tilespmem:$0x18680] =	vst v63  }
0x91: {  	s22 =	simm.s32 $0x10680  }
0x92: {  	[tilespmem:s22], [sflag:$0x2] =	stream.indirect_vreg.gather [hbm4b:s7+s3], $0x80, v4, vm0, $0xb8;
	[tilespmem:$0x18680] =	vst v63  }
0x93: {  	_ = 	snop  }
0x94: {  	[tilespmem:s23], [sflag:$0x2] =	stream.indirect_vreg.gather [hbm4b:s2+s3], $0x80, v3, vm0, $0xb8;
	[tilespmem:$0x18680] =	vst v63  }
0x95: {  	_ = 	snop  }
0x96: {  	[tilespmem:s24], [sflag:$0x2] =	stream.indirect_vreg.gather [hbm4b:s6+s3], $0x80, v3, vm0, $0xb8;
	[tilespmem:$0x18680] =	vst v63  }
0x97: {  	_ = 	snop  }
0x98: {  	[tilespmem:s25], [sflag:$0x2] =	stream.indirect_vreg.gather [hbm4b:s7+s3], $0x80, v3, vm0, $0xb8;
	[tilespmem:$0x18680] =	vst v63  }
0x99: {  	v3 =	vld [tilespmem:$0x60];
	_ =	sdelay $0x4  }
0x9a: {  	v62 =	vshrl.u32 v3, $0x3  }
0x9b: {  	v4 =	vmul.u32 $0x30, v62  }
0x9c: {  	v3 =	vand.u32 $0x7, v3  }
0x9d: {  	v3 =	vor.u32 v3, v4  }
0x9e: {  	v4 =	vperm.xlane v3, v0;
	_ =	sdelay $0x1  }
0x9f: {  	v4 =	vadd.s32 v1, v4;
	_ =	sdelay $0x3  }
0xa0: {  	v3 =	vperm.xlane v3, v2  }
0xa1: {  	[tilespmem:s26], [sflag:$0x2] =	stream.indirect_vreg.gather [hbm4b:s2+s3], $0x80, v4, vm0, $0xb8;
	[tilespmem:$0x18680] =	vst v63  }
0xa2: {  	v3 =	vadd.s32 v1, v3  }
0xa3: {  	[tilespmem:s28], [sflag:$0x2] =	stream.indirect_vreg.gather [hbm4b:s6+s3], $0x80, v4, vm0, $0xb8;
	[tilespmem:$0x18680] =	vst v63  }
0xa4: {  	_ = 	snop  }
0xa5: {  	[tilespmem:s29], [sflag:$0x2] =	stream.indirect_vreg.gather [hbm4b:s7+s3], $0x80, v4, vm0, $0xb8;
	[tilespmem:$0x18680] =	vst v63  }
0xa6: {  	_ = 	snop  }
0xa7: {  	[tilespmem:s15], [sflag:$0x2] =	stream.indirect_vreg.gather [hbm4b:s2+s3], $0x80, v3, vm0, $0xb8;
	[tilespmem:$0x18680] =	vst v63  }
0xa8: {  	_ = 	snop  }
0xa9: {  	[tilespmem:s30], [sflag:$0x2] =	stream.indirect_vreg.gather [hbm4b:s6+s3], $0x80, v3, vm0, $0xb8;
	[tilespmem:$0x18680] =	vst v63  }
0xaa: {  	_ = 	snop  }
0xab: {  	[tilespmem:s16], [sflag:$0x2] =	stream.indirect_vreg.gather [hbm4b:s7+s3], $0x80, v3, vm0, $0xb8;
	[tilespmem:$0x18680] =	vst v63  }
0xac: {  	v3 =	vld [tilespmem:$0x70];
	_ =	sdelay $0x4  }
0xad: {  	v63 =	vshrl.u32 v3, $0x3  }
0xae: {  	v4 =	vmul.u32 $0x30, v63  }
0xaf: {  	v3 =	vand.u32 $0x7, v3  }
0xb0: {  	v3 =	vor.u32 v3, v4  }
0xb1: {  	v4 =	vperm.xlane v3, v0;
	_ =	sdelay $0x1  }
0xb2: {  	v4 =	vadd.s32 v1, v4;
	_ =	sdelay $0x3  }
0xb3: {  	v3 =	vperm.xlane v3, v2  }
0xb4: {  	[tilespmem:s31], [sflag:$0x2] =	stream.indirect_vreg.gather [hbm4b:s2+s3], $0x80, v4, vm0, $0xb8;
	[tilespmem:$0x18680] =	vst v63  }
0xb5: {  	v3 =	vadd.s32 v1, v3  }
0xb6: {  	[tilespmem:s17], [sflag:$0x2] =	stream.indirect_vreg.gather [hbm4b:s6+s3], $0x80, v4, vm0, $0xb8;
	[tilespmem:$0x18680] =	vst v63  }
0xb7: {  	_ = 	snop  }
0xb8: {  	[tilespmem:s1], [sflag:$0x2] =	stream.indirect_vreg.gather [hbm4b:s7+s3], $0x80, v4, vm0, $0xb8;
	[tilespmem:$0x18680] =	vst v63  }
0xb9: {  	_ = 	snop  }
0xba: {  	[tilespmem:s18], [sflag:$0x2] =	stream.indirect_vreg.gather [hbm4b:s2+s3], $0x80, v3, vm0, $0xb8;
	[tilespmem:$0x18680] =	vst v63  }
0xbb: {  	_ = 	snop  }
0xbc: {  	[tilespmem:s0], [sflag:$0x2] =	stream.indirect_vreg.gather [hbm4b:s6+s3], $0x80, v3, vm0, $0xb8;
	[tilespmem:$0x18680] =	vst v63  }
0xbd: {  	s9 =	rddreg [dreg:$0x6];
	s21 =	simm.s32 $0xF0;
	s22 =	simm.s32 $0x0  }
0xbe: {  	[tilespmem:s19], [sflag:$0x2] =	stream.indirect_vreg.gather [hbm4b:s7+s3], $0x80, v3, vm0, $0xb8;
	[tilespmem:$0x18680] =	vst v63  }
.LBB2_2:
0xbf: {  	_ =	swait.ge [sflag:s5], $0xC000  }
0xc0: {  	[sflag:s5] =	ssyncset.done $0x0  }
0xc1: {  	s10 =	sadd.s32 s22, s11;
	[sflag:s5] =	ssyncadd.s32 $0xFFFF4000  }
0xc2: {  	[hbm4b:s10+s3] =	stream.linear.scatter [tilespmem:s14], [sflag:$0x4], $0xC000, $0x38;
	[tilespmem:$0x18680] =	vst v63  }
0xc3: {  	_ =	swait.ge [sflag:s20], $0xC000  }
0xc4: {  	[sflag:s20] =	ssyncset.done $0x0  }
0xc5: {  	[sflag:s20] =	ssyncadd.s32 $0xFFFF4000  }
0xc6: {  	v3 =	vld [tilespmem:s21+$0xFFFFFF90];
	_ =	sdelay $0x4  }
0xc7: {  	v4 =	vshrl.u32 v3, $0x3  }
0xc8: {  	v4 =	vmul.u32 $0x30, v4  }
0xc9: {  	v3 =	vand.u32 $0x7, v3  }
0xca: {  	v3 =	vor.u32 v3, v4  }
0xcb: {  	v4 =	vperm.xlane v3, v0;
	_ =	sdelay $0x1  }
0xcc: {  	v4 =	vadd.s32 v1, v4;
	_ =	sdelay $0x3  }
0xcd: {  	v3 =	vperm.xlane v3, v2  }
0xce: {  	[tilespmem:s13], [sflag:$0x1] =	stream.indirect_vreg.gather [hbm4b:s2+s3], $0x80, v4, vm0, $0xb8;
	[tilespmem:$0x18680] =	vst v63  }
0xcf: {  	s10 =	simm.s32 $0xE80;
	v3 =	vadd.s32 v1, v3  }
0xd0: {  	[tilespmem:s10], [sflag:$0x1] =	stream.indirect_vreg.gather [hbm4b:s6+s3], $0x80, v4, vm0, $0xb8;
	[tilespmem:$0x18680] =	vst v63  }
0xd1: {  	s10 =	simm.s32 $0x1680  }
0xd2: {  	[tilespmem:s10], [sflag:$0x1] =	stream.indirect_vreg.gather [hbm4b:s7+s3], $0x80, v4, vm0, $0xb8;
	[tilespmem:$0x18680] =	vst v63  }
0xd3: {  	s10 =	simm.s32 $0x1E80  }
0xd4: {  	[tilespmem:s10], [sflag:$0x1] =	stream.indirect_vreg.gather [hbm4b:s2+s3], $0x80, v3, vm0, $0xb8;
	[tilespmem:$0x18680] =	vst v63  }
0xd5: {  	s10 =	simm.s32 $0x2680  }
0xd6: {  	[tilespmem:s10], [sflag:$0x1] =	stream.indirect_vreg.gather [hbm4b:s6+s3], $0x80, v3, vm0, $0xb8;
	[tilespmem:$0x18680] =	vst v63  }
0xd7: {  	s10 =	simm.s32 $0x2E80  }
0xd8: {  	[tilespmem:s10], [sflag:$0x1] =	stream.indirect_vreg.gather [hbm4b:s7+s3], $0x80, v3, vm0, $0xb8;
	[tilespmem:$0x18680] =	vst v63  }
0xd9: {  	v3 =	vld [tilespmem:s21+$0xFFFFFFA0];
	_ =	sdelay $0x4  }
0xda: {  	v61 =	vshrl.u32 v3, $0x3  }
0xdb: {  	v4 =	vmul.u32 $0x30, v61  }
0xdc: {  	v3 =	vand.u32 $0x7, v3  }
0xdd: {  	v3 =	vor.u32 v3, v4  }
0xde: {  	v4 =	vperm.xlane v3, v0;
	_ =	sdelay $0x1  }
0xdf: {  	v4 =	vadd.s32 v1, v4;
	_ =	sdelay $0x3  }
0xe0: {  	s10 =	simm.s32 $0x3680;
	v3 =	vperm.xlane v3, v2  }
0xe1: {  	[tilespmem:s10], [sflag:$0x1] =	stream.indirect_vreg.gather [hbm4b:s2+s3], $0x80, v4, vm0, $0xb8;
	[tilespmem:$0x18680] =	vst v63  }
0xe2: {  	v3 =	vadd.s32 v1, v3;
	s10 =	simm.s32 $0x3E80  }
0xe3: {  	[tilespmem:s10], [sflag:$0x1] =	stream.indirect_vreg.gather [hbm4b:s6+s3], $0x80, v4, vm0, $0xb8;
	[tilespmem:$0x18680] =	vst v63  }
0xe4: {  	s10 =	simm.s32 $0x4680  }
0xe5: {  	[tilespmem:s10], [sflag:$0x1] =	stream.indirect_vreg.gather [hbm4b:s7+s3], $0x80, v4, vm0, $0xb8;
	[tilespmem:$0x18680] =	vst v63  }
0xe6: {  	s10 =	simm.s32 $0x4E80  }
0xe7: {  	[tilespmem:s10], [sflag:$0x1] =	stream.indirect_vreg.gather [hbm4b:s2+s3], $0x80, v3, vm0, $0xb8;
	[tilespmem:$0x18680] =	vst v63  }
0xe8: {  	s10 =	simm.s32 $0x5680  }
0xe9: {  	[tilespmem:s10], [sflag:$0x1] =	stream.indirect_vreg.gather [hbm4b:s6+s3], $0x80, v3, vm0, $0xb8;
	[tilespmem:$0x18680] =	vst v63  }
0xea: {  	s10 =	simm.s32 $0x5E80  }
0xeb: {  	[tilespmem:s10], [sflag:$0x1] =	stream.indirect_vreg.gather [hbm4b:s7+s3], $0x80, v3, vm0, $0xb8;
	[tilespmem:$0x18680] =	vst v63  }
0xec: {  	v3 =	vld [tilespmem:s21+$0xFFFFFFB0];
	_ =	sdelay $0x4  }
0xed: {  	v62 =	vshrl.u32 v3, $0x3  }
0xee: {  	v4 =	vmul.u32 $0x30, v62  }
0xef: {  	v3 =	vand.u32 $0x7, v3  }
0xf0: {  	v3 =	vor.u32 v3, v4  }
0xf1: {  	v4 =	vperm.xlane v3, v0;
	_ =	sdelay $0x1  }
0xf2: {  	v4 =	vadd.s32 v1, v4;
	_ =	sdelay $0x3  }
0xf3: {  	s10 =	simm.s32 $0x6680;
	v3 =	vperm.xlane v3, v2  }
0xf4: {  	[tilespmem:s10], [sflag:$0x1] =	stream.indirect_vreg.gather [hbm4b:s2+s3], $0x80, v4, vm0, $0xb8;
	[tilespmem:$0x18680] =	vst v63  }
0xf5: {  	v3 =	vadd.s32 v1, v3;
	s10 =	simm.s32 $0x6E80  }
0xf6: {  	[tilespmem:s10], [sflag:$0x1] =	stream.indirect_vreg.gather [hbm4b:s6+s3], $0x80, v4, vm0, $0xb8;
	[tilespmem:$0x18680] =	vst v63  }
0xf7: {  	s10 =	simm.s32 $0x7680  }
0xf8: {  	[tilespmem:s10], [sflag:$0x1] =	stream.indirect_vreg.gather [hbm4b:s7+s3], $0x80, v4, vm0, $0xb8;
	[tilespmem:$0x18680] =	vst v63  }
0xf9: {  	s10 =	simm.s32 $0x7E80  }
0xfa: {  	[tilespmem:s10], [sflag:$0x1] =	stream.indirect_vreg.gather [hbm4b:s2+s3], $0x80, v3, vm0, $0xb8;
	[tilespmem:$0x18680] =	vst v63  }
0xfb: {  	s10 =	simm.s32 $0x8680  }
0xfc: {  	[tilespmem:s10], [sflag:$0x1] =	stream.indirect_vreg.gather [hbm4b:s6+s3], $0x80, v3, vm0, $0xb8;
	[tilespmem:$0x18680] =	vst v63  }
0xfd: {  	s10 =	simm.s32 $0x8E80  }
0xfe: {  	[tilespmem:s10], [sflag:$0x1] =	stream.indirect_vreg.gather [hbm4b:s7+s3], $0x80, v3, vm0, $0xb8;
	[tilespmem:$0x18680] =	vst v63  }
0xff: {  	v3 =	vld [tilespmem:s21+$0xFFFFFFC0];
	_ =	sdelay $0x4  }
0x100: {  	v63 =	vshrl.u32 v3, $0x3  }
0x101: {  	v4 =	vmul.u32 $0x30, v63  }
0x102: {  	v3 =	vand.u32 $0x7, v3  }
0x103: {  	v3 =	vor.u32 v3, v4  }
0x104: {  	v4 =	vperm.xlane v3, v0;
	_ =	sdelay $0x1  }
0x105: {  	v4 =	vadd.s32 v1, v4;
	_ =	sdelay $0x3  }
0x106: {  	s10 =	simm.s32 $0x9680;
	v3 =	vperm.xlane v3, v2  }
0x107: {  	[tilespmem:s10], [sflag:$0x1] =	stream.indirect_vreg.gather [hbm4b:s2+s3], $0x80, v4, vm0, $0xb8;
	[tilespmem:$0x18680] =	vst v63  }
0x108: {  	v3 =	vadd.s32 v1, v3;
	s10 =	simm.s32 $0x9E80  }
0x109: {  	[tilespmem:s10], [sflag:$0x1] =	stream.indirect_vreg.gather [hbm4b:s6+s3], $0x80, v4, vm0, $0xb8;
	[tilespmem:$0x18680] =	vst v63  }
0x10a: {  	s10 =	simm.s32 $0xA680  }
0x10b: {  	[tilespmem:s10], [sflag:$0x1] =	stream.indirect_vreg.gather [hbm4b:s7+s3], $0x80, v4, vm0, $0xb8;
	[tilespmem:$0x18680] =	vst v63  }
0x10c: {  	s10 =	simm.s32 $0xAE80  }
0x10d: {  	[tilespmem:s10], [sflag:$0x1] =	stream.indirect_vreg.gather [hbm4b:s2+s3], $0x80, v3, vm0, $0xb8;
	[tilespmem:$0x18680] =	vst v63  }
0x10e: {  	s10 =	simm.s32 $0xB680  }
0x10f: {  	[tilespmem:s10], [sflag:$0x1] =	stream.indirect_vreg.gather [hbm4b:s6+s3], $0x80, v3, vm0, $0xb8;
	[tilespmem:$0x18680] =	vst v63  }
0x110: {  	s10 =	simm.s32 $0xBE80  }
0x111: {  	[tilespmem:s10], [sflag:$0x1] =	stream.indirect_vreg.gather [hbm4b:s7+s3], $0x80, v3, vm0, $0xb8;
	[tilespmem:$0x18680] =	vst v63  }
0x112: {  	_ =	swait.ge [sflag:s12], $0xC000  }
0x113: {  	p0 =	seq.s32 s22, $0x210000;
	s10 =	sshrl.u32 s9, $0x3;
	[sflag:s12] =	ssyncset.done $0x0  }
.Ltmp2:
0x114: {  	s10 =	sadd.s32 s4, s10;
	[sflag:s12] =	ssyncadd.s32 $0xFFFF4000;
	(pc) =	sbr.rel @p0 .LBB2_4-.Ltmp2, $4  }
0x115: {  	[hbm4b:s10+s3] =	stream.linear.scatter [tilespmem:s13], [sflag:$0x3], $0xC000, $0x38;
	[tilespmem:$0x18680] =	vst v63  }
0x116: {  	_ =	swait.ge [sflag:s8], $0xC000  }
0x117: {  	[sflag:s8] =	ssyncset.done $0x0  }
0x118: {  	[sflag:s8] =	ssyncadd.s32 $0xFFFF4000  }
0x119: {  	v3 =	vld [tilespmem:s21+$0xFFFFFFD0];
	_ =	sdelay $0x4  }
0x11a: {  	v4 =	vshrl.u32 v3, $0x3  }
0x11b: {  	v4 =	vmul.u32 $0x30, v4  }
0x11c: {  	v3 =	vand.u32 $0x7, v3  }
0x11d: {  	v3 =	vor.u32 v3, v4  }
0x11e: {  	v4 =	vperm.xlane v3, v0;
	_ =	sdelay $0x1  }
0x11f: {  	v4 =	vadd.s32 v1, v4;
	_ =	sdelay $0x3  }
0x120: {  	v3 =	vperm.xlane v3, v2  }
0x121: {  	[tilespmem:s14], [sflag:$0x2] =	stream.indirect_vreg.gather [hbm4b:s2+s3], $0x80, v4, vm0, $0xb8;
	[tilespmem:$0x18680] =	vst v63  }
0x122: {  	s10 =	simm.s32 $0xCE80;
	v3 =	vadd.s32 v1, v3  }
0x123: {  	[tilespmem:s10], [sflag:$0x2] =	stream.indirect_vreg.gather [hbm4b:s6+s3], $0x80, v4, vm0, $0xb8;
	[tilespmem:$0x18680] =	vst v63  }
0x124: {  	s10 =	simm.s32 $0xD680  }
0x125: {  	[tilespmem:s10], [sflag:$0x2] =	stream.indirect_vreg.gather [hbm4b:s7+s3], $0x80, v4, vm0, $0xb8;
	[tilespmem:$0x18680] =	vst v63  }
0x126: {  	s10 =	simm.s32 $0xDE80  }
0x127: {  	[tilespmem:s10], [sflag:$0x2] =	stream.indirect_vreg.gather [hbm4b:s2+s3], $0x80, v3, vm0, $0xb8;
	[tilespmem:$0x18680] =	vst v63  }
0x128: {  	s10 =	simm.s32 $0xE680  }
0x129: {  	[tilespmem:s10], [sflag:$0x2] =	stream.indirect_vreg.gather [hbm4b:s6+s3], $0x80, v3, vm0, $0xb8;
	[tilespmem:$0x18680] =	vst v63  }
0x12a: {  	s10 =	simm.s32 $0xEE80  }
0x12b: {  	[tilespmem:s10], [sflag:$0x2] =	stream.indirect_vreg.gather [hbm4b:s7+s3], $0x80, v3, vm0, $0xb8;
	[tilespmem:$0x18680] =	vst v63  }
0x12c: {  	v3 =	vld [tilespmem:s21+$0xFFFFFFE0];
	_ =	sdelay $0x4  }
0x12d: {  	v61 =	vshrl.u32 v3, $0x3  }
0x12e: {  	v4 =	vmul.u32 $0x30, v61  }
0x12f: {  	v3 =	vand.u32 $0x7, v3  }
0x130: {  	v3 =	vor.u32 v3, v4  }
0x131: {  	v4 =	vperm.xlane v3, v0;
	_ =	sdelay $0x1  }
0x132: {  	v4 =	vadd.s32 v1, v4;
	_ =	sdelay $0x3  }
0x133: {  	s10 =	simm.s32 $0xF680;
	v3 =	vperm.xlane v3, v2  }
0x134: {  	[tilespmem:s10], [sflag:$0x2] =	stream.indirect_vreg.gather [hbm4b:s2+s3], $0x80, v4, vm0, $0xb8;
	[tilespmem:$0x18680] =	vst v63  }
0x135: {  	v3 =	vadd.s32 v1, v3;
	s10 =	simm.s32 $0xFE80  }
0x136: {  	[tilespmem:s10], [sflag:$0x2] =	stream.indirect_vreg.gather [hbm4b:s6+s3], $0x80, v4, vm0, $0xb8;
	[tilespmem:$0x18680] =	vst v63  }
0x137: {  	s10 =	simm.s32 $0x10680  }
0x138: {  	[tilespmem:s10], [sflag:$0x2] =	stream.indirect_vreg.gather [hbm4b:s7+s3], $0x80, v4, vm0, $0xb8;
	[tilespmem:$0x18680] =	vst v63  }
0x139: {  	_ = 	snop  }
0x13a: {  	[tilespmem:s23], [sflag:$0x2] =	stream.indirect_vreg.gather [hbm4b:s2+s3], $0x80, v3, vm0, $0xb8;
	[tilespmem:$0x18680] =	vst v63  }
0x13b: {  	_ = 	snop  }
0x13c: {  	[tilespmem:s24], [sflag:$0x2] =	stream.indirect_vreg.gather [hbm4b:s6+s3], $0x80, v3, vm0, $0xb8;
	[tilespmem:$0x18680] =	vst v63  }
0x13d: {  	_ = 	snop  }
0x13e: {  	[tilespmem:s25], [sflag:$0x2] =	stream.indirect_vreg.gather [hbm4b:s7+s3], $0x80, v3, vm0, $0xb8;
	[tilespmem:$0x18680] =	vst v63  }
0x13f: {  	v3 =	vld [tilespmem:s21+$0xFFFFFFF0];
	_ =	sdelay $0x4  }
0x140: {  	v62 =	vshrl.u32 v3, $0x3  }
0x141: {  	v4 =	vmul.u32 $0x30, v62  }
0x142: {  	v3 =	vand.u32 $0x7, v3  }
0x143: {  	v3 =	vor.u32 v3, v4  }
0x144: {  	v4 =	vperm.xlane v3, v0;
	_ =	sdelay $0x1  }
0x145: {  	v4 =	vadd.s32 v1, v4;
	_ =	sdelay $0x3  }
0x146: {  	v3 =	vperm.xlane v3, v2  }
0x147: {  	[tilespmem:s26], [sflag:$0x2] =	stream.indirect_vreg.gather [hbm4b:s2+s3], $0x80, v4, vm0, $0xb8;
	[tilespmem:$0x18680] =	vst v63  }
0x148: {  	v3 =	vadd.s32 v1, v3  }
0x149: {  	[tilespmem:s28], [sflag:$0x2] =	stream.indirect_vreg.gather [hbm4b:s6+s3], $0x80, v4, vm0, $0xb8;
	[tilespmem:$0x18680] =	vst v63  }
0x14a: {  	_ = 	snop  }
0x14b: {  	[tilespmem:s29], [sflag:$0x2] =	stream.indirect_vreg.gather [hbm4b:s7+s3], $0x80, v4, vm0, $0xb8;
	[tilespmem:$0x18680] =	vst v63  }
0x14c: {  	_ = 	snop  }
0x14d: {  	[tilespmem:s15], [sflag:$0x2] =	stream.indirect_vreg.gather [hbm4b:s2+s3], $0x80, v3, vm0, $0xb8;
	[tilespmem:$0x18680] =	vst v63  }
0x14e: {  	_ = 	snop  }
0x14f: {  	[tilespmem:s30], [sflag:$0x2] =	stream.indirect_vreg.gather [hbm4b:s6+s3], $0x80, v3, vm0, $0xb8;
	[tilespmem:$0x18680] =	vst v63  }
0x150: {  	_ = 	snop  }
0x151: {  	[tilespmem:s16], [sflag:$0x2] =	stream.indirect_vreg.gather [hbm4b:s7+s3], $0x80, v3, vm0, $0xb8;
	[tilespmem:$0x18680] =	vst v63  }
0x152: {  	v3 =	vld [tilespmem:s21+$0x0];
	_ =	sdelay $0x4  }
0x153: {  	v63 =	vshrl.u32 v3, $0x3  }
0x154: {  	v4 =	vmul.u32 $0x30, v63  }
0x155: {  	v3 =	vand.u32 $0x7, v3  }
0x156: {  	v3 =	vor.u32 v3, v4  }
0x157: {  	v4 =	vperm.xlane v3, v0;
	_ =	sdelay $0x1  }
0x158: {  	v4 =	vadd.s32 v1, v4;
	_ =	sdelay $0x3  }
0x159: {  	v3 =	vperm.xlane v3, v2  }
0x15a: {  	[tilespmem:s31], [sflag:$0x2] =	stream.indirect_vreg.gather [hbm4b:s2+s3], $0x80, v4, vm0, $0xb8;
	[tilespmem:$0x18680] =	vst v63  }
0x15b: {  	v3 =	vadd.s32 v1, v3  }
0x15c: {  	[tilespmem:s17], [sflag:$0x2] =	stream.indirect_vreg.gather [hbm4b:s6+s3], $0x80, v4, vm0, $0xb8;
	[tilespmem:$0x18680] =	vst v63  }
0x15d: {  	_ = 	snop  }
0x15e: {  	[tilespmem:s1], [sflag:$0x2] =	stream.indirect_vreg.gather [hbm4b:s7+s3], $0x80, v4, vm0, $0xb8;
	[tilespmem:$0x18680] =	vst v63  }
0x15f: {  	_ = 	snop  }
0x160: {  	[tilespmem:s18], [sflag:$0x2] =	stream.indirect_vreg.gather [hbm4b:s2+s3], $0x80, v3, vm0, $0xb8;
	[tilespmem:$0x18680] =	vst v63  }
.Ltmp3:
0x161: {  	_ = 	snop;
	(pc) =	sbr.rel .LBB2_2-.Ltmp3, $4  }
0x162: {  	_ = 	snop  }
0x163: {  	[tilespmem:s0], [sflag:$0x2] =	stream.indirect_vreg.gather [hbm4b:s6+s3], $0x80, v3, vm0, $0xb8;
	[tilespmem:$0x18680] =	vst v63  }
0x164: {  	s22 =	sadd.s32 $0x30000, s22;
	s9 =	sadd.s32 $0x180000, s9;
	s21 =	sadd.s32 $0x80, s21  }
0x165: {  	[tilespmem:s19], [sflag:$0x2] =	stream.indirect_vreg.gather [hbm4b:s7+s3], $0x80, v3, vm0, $0xb8;
	[tilespmem:$0x18680] =	vst v63  }
.LBB2_5:
0x166: {  	_ =	sfence.sel $0x180000  }
0x167: {  	[bflag:$0x0] =	sbarrier.arrive $0xFFFF  }
0x168: {  	_ =	strace $0x90000047  }
0x169: {  	s0 =	stileid.u32;
	[bflag:$0x2] =	sbarrier.arrive $0xFFFF  }
0x16a: {  	p0 =	sne.s32 s0, $0x0;
	s0 =	rddreg [dreg:$0x2]  }
0x16b: {  	s0 =	sadd.s32 @!p0 $0x100000, s0  }
0x16c: {  	[sflag:s0] =	ssyncadd.tile.s32 @!p0 $0x1;
	_ =	shalt  }
.Lfunc_end2:
_tile_overlayer_lowered:
.L_overlay_start_2:
0x16d: {  	(tag) =	ssettag $0x2  }
0x16e: {  	s0 =	rddreg [dreg:$0x0];
	s2 =	stileid.u32  }
0x16f: {  	s1 =	rddreg [dreg:$0x1];
	p0 =	sne.s32 s2, $0x0  }
0x170: {  	s3 =	rddreg [dreg:$0x2];
	[bflag:$0x3] =	sbarrier.arrive $0xFFFF;
	s2 =	simm.s32 @!p0 $0x1C05  }
0x171: {  	[timem:s3], [sflag:s2] =	dma.local @!p0 [hbm:s0], s1  }
0x172: {  	s0 =	simm.s32 @!p0 $0x5  }
0x173: {  	_ =	swait.ge @!p0 [sflag:s0], s1  }
0x174: {  	s1 =	ssub.s32 @!p0 $0x0, s1;
	[sflag:s0] =	ssyncset.done @!p0 $0x0  }
0x175: {  	[sflag:s0] =	ssyncadd.s32 @!p0 s1  }
0x176: {  	[bflag:$0x3] =	sbarrier.arrive $0xFFFF  }
0x177: {  	_ =	shalt  }

// kernel: kernel.13.cloned.1.call-start
scs
__scs_entry_jumppad:
0x0: {  	(pc) =	sbr.rel $0x88, $3  }
0x1: {  	(tag) =	ssettag $0x0;
	lr =	simm.s32 $0x1  }
0x2: {  	[smem:$0x3F9C] =	sst lr;
	_ =	strace $0xD0000000  }
0x3: {  	_ = 	snop  }
0x4: {  	_ = 	snop  }
0x5: {  	_ = 	snop  }
0x6: {  	_ = 	snop  }
0x7: {  	_ = 	snop  }
__scs_overlays_trampoline_lowered:
0x8: {  	[smem:$0x3FAB] =	sst s0  }
0x9: {  	[smem:$0x3FAC] =	sst s1  }
0xa: {  	[smem:$0x3FAD] =	sst s2  }
0xb: {  	[smem:$0x3FAE] =	sst s3  }
0xc: {  	[smem:$0x3FAF] =	sst s4  }
0xd: {  	[smem:$0x3FB0] =	sst s5  }
0xe: {  	[smem:$0x3FB1] =	sst s6  }
0xf: {  	[smem:$0x3FB2] =	sst s7  }
0x10: {  	[smem:$0x3FB3] =	sst s8  }
0x11: {  	[smem:$0x3FB4] =	sst s9;
	s0 =	simm.s32 @!p0 $0x0  }
0x12: {  	s1 =	sld [smem:$0x3F9A];
	s0 =	simm.s32 @p0 $0x1  }
0x13: {  	[smem:$0x3FB5] =	sst s0;
	s0 =	simm.s32 @!p1 $0x0  }
0x14: {  	s2 =	sld [smem:$0x3F99];
	s0 =	simm.s32 @p1 $0x1  }
0x15: {  	[smem:$0x3FB6] =	sst s0;
	s0 =	simm.s32 @!p2 $0x0  }
0x16: {  	s3 =	sld [smem:$0x3FDB];
	s0 =	simm.s32 @p2 $0x1  }
0x17: {  	s4 =	simm.s32 $0x1BF5;
	[smem:$0x3FB8] =	sst s0  }
0x18: {  	s0 =	sld [smem:$0x3F9B];
	_ =	swait.ge [sflag:s4], $0x0  }
0x19: {  	s7 =	sld [smem:$0x3F9C]  }
0x1a: {  	s8 =	sadd.s32 $0xFFFFE003, lr  }
0x1b: {  	s9 =	sadd.s32 $0xFFFFFEF7, lr;
	s5 =	simm.s32 $0xFFFFFFFF;
	p2 =	slt.u32 s8, $0xFFFFF086  }
0x1c: {  	p1 =	slt.u32 s9, $0xF7A;
	s5 =	simm.s32 @!p2 $0x0  }
0x1d: {  	s5 =	simm.s32 @p1 $0x1;
	p0 =	seq.s32 s7, s2  }
0x1e: {  	s7 =	smul.u32 @!p0 $0xF7A, s2;
	p2 =	seq.s32 @!p0 s5, $0x0  }
0x1f: {  	s9 =	smul.u32 $0xF7A, s1;
	s8 =	simm.s32 @!p0 $0x1BF5;
	p2 =	por !p2, p0  }
0x20: {  	[sflag:s8] =	ssyncset.s32 @!p0 $0xFFFFF086;
	s6 =	sadd.s32 @!p0 s3, s7;
	s7 =	simm.s32 @!p0 $0x108  }
0x21: {  	s3 =	sadd.s32 s3, s9;
	s6 =	sadd.s32 @!p0 $0x88, s6;
	s7 =	simm.s32 @p2 $0x1082  }
0x22: {  	[simem:s7], [sflag:s8] =	dma.local @!p0 [hbm:s6], $0xF7A  }
0x23: {  	s9 =	sor.u32 $0xD0000000, s2;
	s6 =	simm.s32 $0x108;
	_ =	swait.ge @!p0 [sflag:s8], $0x0  }
0x24: {  	s3 =	sadd.s32 $0x88, s3;
	s6 =	simm.s32 @!p1 $0x1082;
	[sflag:s4] =	ssyncset.s32 $0xFFFFF086  }
0x25: {  	[simem:s6], [sflag:s4] =	dma.local [hbm:s3], $0xF7A  }
0x26: {  	[smem:$0x3F9C] =	sst s1;
	(tag) =	ssettag s2;
	_ =	strace s9  }
0x27: {  	s1 =	sld [smem:$0x3FAC]  }
0x28: {  	s2 =	sld [smem:$0x3FAD]  }
0x29: {  	s4 =	sld [smem:$0x3FAF]  }
0x2a: {  	p0 =	seq.s32 s5, $0x0;
	s5 =	sld [smem:$0x3FB0]  }
0x2b: {  	s6 =	sld [smem:$0x3FB1]  }
0x2c: {  	s7 =	sld [smem:$0x3FB2]  }
0x2d: {  	s3 =	simm.s32 $0x108;
	s8 =	sld [smem:$0x3FB3]  }
0x2e: {  	s3 =	simm.s32 @!p0 $0x1082;
	s9 =	sld [smem:$0x3FB4]  }
0x2f: {  	lr =	sadd.s32 s0, s3;
	s0 =	sld [smem:$0x3FAB]  }
0x30: {  	s3 =	sld [smem:$0x3FAE]  }
0x31: {  	[smem:$0x3FB7] =	sst s10  }
0x32: {  	s10 =	sld [smem:$0x3FB5];
	_ =	sdelay $0x3  }
0x33: {  	p0 =	seq.s32 s10, $0x1;
	s10 =	sld [smem:$0x3FB7];
	_ =	sdelay $0x3  }
0x34: {  	[smem:$0x3FB7] =	sst s10  }
0x35: {  	s10 =	sld [smem:$0x3FB6];
	_ =	sdelay $0x3  }
0x36: {  	p1 =	seq.s32 s10, $0x1;
	s10 =	sld [smem:$0x3FB7];
	_ =	sdelay $0x3  }
0x37: {  	[smem:$0x3FB7] =	sst s10  }
0x38: {  	s10 =	sld [smem:$0x3FB8]  }
0x39: {  	_ = 	snop;
	(pc) =	sbr.ind lr, $3  }
0x3a: {  	_ = 	snop  }
0x3b: {  	_ = 	snop  }
0x3c: {  	p2 =	seq.s32 s10, $0x1;
	s10 =	sld [smem:$0x3FB7]  }
0x3d: {  	_ =	shalt  }
0x3e: {  	_ =	shalt  }
0x3f: {  	_ =	shalt  }
0x40: {  	_ =	shalt  }
0x41: {  	_ =	shalt  }
0x42: {  	_ =	shalt  }
0x43: {  	_ =	shalt  }
0x44: {  	_ =	shalt  }
0x45: {  	_ =	shalt  }
0x46: {  	_ =	shalt  }
0x47: {  	_ =	shalt  }
0x48: {  	_ =	shalt  }
0x49: {  	_ =	shalt  }
0x4a: {  	_ =	shalt  }
0x4b: {  	_ =	shalt  }
0x4c: {  	_ =	shalt  }
0x4d: {  	_ =	shalt  }
0x4e: {  	_ =	shalt  }
0x4f: {  	_ =	shalt  }
0x50: {  	_ =	shalt  }
0x51: {  	_ =	shalt  }
0x52: {  	_ =	shalt  }
0x53: {  	_ =	shalt  }
0x54: {  	_ =	shalt  }
0x55: {  	_ =	shalt  }
0x56: {  	_ =	shalt  }
0x57: {  	_ =	shalt  }
0x58: {  	_ =	shalt  }
0x59: {  	_ =	shalt  }
0x5a: {  	_ =	shalt  }
0x5b: {  	_ =	shalt  }
0x5c: {  	_ =	shalt  }
0x5d: {  	_ =	shalt  }
0x5e: {  	_ =	shalt  }
0x5f: {  	_ =	shalt  }
0x60: {  	_ =	shalt  }
0x61: {  	_ =	shalt  }
0x62: {  	_ =	shalt  }
0x63: {  	_ =	shalt  }
0x64: {  	_ =	shalt  }
0x65: {  	_ =	shalt  }
0x66: {  	_ =	shalt  }
0x67: {  	_ =	shalt  }
0x68: {  	_ =	shalt  }
0x69: {  	_ =	shalt  }
0x6a: {  	_ =	shalt  }
0x6b: {  	_ =	shalt  }
0x6c: {  	_ =	shalt  }
0x6d: {  	_ =	shalt  }
0x6e: {  	_ =	shalt  }
0x6f: {  	_ =	shalt  }
0x70: {  	_ =	shalt  }
0x71: {  	_ =	shalt  }
0x72: {  	_ =	shalt  }
0x73: {  	_ =	shalt  }
0x74: {  	_ =	shalt  }
0x75: {  	_ =	shalt  }
0x76: {  	_ =	shalt  }
0x77: {  	_ =	shalt  }
0x78: {  	_ =	shalt  }
0x79: {  	_ =	shalt  }
0x7a: {  	_ =	shalt  }
0x7b: {  	_ =	shalt  }
0x7c: {  	_ =	shalt  }
0x7d: {  	_ =	shalt  }
0x7e: {  	_ =	shalt  }
0x7f: {  	_ =	shalt  }
0x80: {  	_ =	shalt  }
0x81: {  	_ =	shalt  }
0x82: {  	_ =	shalt  }
0x83: {  	_ =	shalt  }
0x84: {  	_ =	shalt  }
0x85: {  	_ =	shalt  }
0x86: {  	_ =	shalt  }
0x87: {  	_ =	shalt  }
.Lfunc_end0:
.L_simem_size_0:
called_computation.1_lowered:
.L_overlay_start_0:
0x88: {  	s2 =	sld [smem:$0x3FD9]  }
0x89: {  	s3 =	sld [smem:$0x3FFE];
	_ =	sdelay $0x1  }
0x8a: {  	s1 =	srdreg.scid  }
0x8b: {  	s0 =	sand.u32 $0x1, s1  }
0x8c: {  	s17 =	sshll.u32 s0, $0xA;
	s2 =	sadd.s32 s3, s2  }
0x8d: {  	s2 =	sadd.s32 s2, s17  }
0x8e: {  	[smem:$0x3FC3] =	sst s2  }
0x8f: {  	_ = 	snop  }
0x90: {  	s18 =	sld [smem:$0x3FC8];
	(tm) =	ssettm $0x1  }
0x91: {  	s19 =	sld [smem:$0x3FFB];
	_ =	sdelay $0x3  }
0x92: {  	_ =	strace s19  }
0x93: {  	s2 =	sld [smem:$0x3FFC];
	_ =	sdelay $0x3  }
0x94: {  	_ =	strace s2  }
0x95: {  	s2 =	sld [smem:$0x3FFD];
	_ =	sdelay $0x3  }
0x96: {  	_ =	strace s2  }
0x97: {  	_ =	strace $0x8FFFFFFF  }
0x98: {  	s20 =	sld [smem:$0x3FDB];
	_ =	sdelay $0x1  }
0x99: {  	s4 =	simm.s32 $_scs_section_size  }
0x9a: {  	s5 =	simm.s32 $_size__tile_overlayer_lowered;
	s6 =	simm.s32 $_tile_overlayer_lowered  }
0x9b: {  	s7 =	simm.s32 $0x1BFF;
	s21 =	sshll.u32 s6, $0x1;
	s4 =	sadd.s32 s4, s20  }
0x9c: {  	s22 =	simm.s32 $0x0;
	s5 =	sshll.u32 s5, $0x1;
	s6 =	sadd.s32 s21, s4  }
0x9d: {  	[timem:s22], [sflag:s7] =	dma.local [hbm:s6], s5  }
0x9e: {  	_ =	swait.ge [sflag:s7], s5  }
0x9f: {  	s5 =	ssub.s32 $0x0, s5;
	[sflag:s7] =	ssyncset.done $0x0  }
0xa0: {  	[sflag:s7] =	ssyncadd.s32 s5;
	_ =	sdelay $0x1  }
0xa1: {  	s23 =	simm.s32 $0x1B8B  }
0xa2: {  	_ =	swait.ge [sflag:s23], $0x1  }
0xa3: {  	[sflag:s23] =	ssyncset.done $0x0  }
0xa4: {  	[sflag:s23] =	ssyncadd.s32 $0xFFFFFFFF  }
0xa5: {  	s5 =	sld [smem:$0x0]  }
0xa6: {  	s6 =	sand.u32 $0xFFFFFFFE, s1  }
0xa7: {  	p0 =	sne.s32 s1, s6  }
0xa8: {  	s6 =	sshll.u32 @p0 s6, $0xE  }
0xa9: {  	s6 =	sadd.s32 @p0 $0x11B8D, s6;
	s7 =	sshll.u32 @p0 s5, $0x11  }
0xaa: {  	s6 =	sor.u32 @p0 s7, s6  }
0xab: {  	[sflag:s6] =	ssyncadd.remote.s32 @p0 $0x1;
	_ =	sdelay $0x1  }
0xac: {  	s6 =	simm.s32 @p0 $0x1B8D  }
0xad: {  	_ =	swait.eq @p0 [sflag:s6], $0x1  }
0xae: {  	[sflag:s6] =	ssyncadd.s32 @p0 $0xFFFFFFFF  }
0xaf: {  	s7 =	sshll.u32 @!p0 s1, $0xE  }
0xb0: {  	s7 =	sor.u32 @!p0 $0x4000, s7;
	s6 =	simm.s32 @!p0 $0x1B8D  }
0xb1: {  	s5 =	sshll.u32 @!p0 s5, $0x11;
	s7 =	sadd.s32 @!p0 $0x11B8D, s7;
	_ =	swait.eq @!p0 [sflag:s6], $0x1  }
0xb2: {  	s5 =	sor.u32 @!p0 s5, s7;
	[sflag:s6] =	ssyncadd.s32 @!p0 $0xFFFFFFFF  }
0xb3: {  	s25 =	simm.s32 $0x1B8E;
	s24 =	sld [smem:$0x3FFE];
	[sflag:s5] =	ssyncadd.remote.s32 @!p0 $0x1  }
0xb4: {  	s26 =	simm.s32 $execute0_lowered;
	[smem:$0x3FD2] =	sst s25  }
0xb5: {  	s6 =	sshll.u32 s26, $0x1;
	_ =	strace $0x80000049;
	[dreg:$0x1] =	wrdreg $0xFFFFFFFF  }
0xb6: {  	s28 =	simm.s32 $_size_execute0_lowered;
	s4 =	sadd.s32 s4, s6;
	[dreg:$0x0] =	wrdreg $0x0  }
0xb7: {  	s6 =	sshll.u32 s28, $0x1;
	[dreg:$0x2] =	wrdreg s4  }
0xb8: {  	[dreg:$0x3] =	wrdreg s6  }
0xb9: {  	[dreg:$0x4] =	wrdreg $0xC0  }
0xba: {  	_ =	task [dreg:s22], $0x5FFFF  }
0xbb: {  	[dreg:$0x1] =	wrdreg $0xFFFFFFFF  }
0xbc: {  	[dreg:$0x0] =	wrdreg $0x60  }
0xbd: {  	[dreg:$0x2] =	wrdreg s24  }
0xbe: {  	[dreg:$0x3] =	wrdreg s18  }
0xbf: {  	[dreg:$0x4] =	wrdreg $0xA  }
0xc0: {  	_ =	task.clear_ibuf [dreg:s22], $0x5FFFF;
	_ =	strace $0x90000049  }
0xc1: {  	s29 =	simm.s32 $0xA;
	_ =	strace $0x8000004B  }
0xc2: {  	_ =	swait.ge [sflag:s29], $0x1  }
0xc3: {  	[sflag:s29] =	ssyncadd.s32 $0xFFFFFFFF  }
0xc4: {  	_ =	strace $0x9000004B  }
0xc5: {  	_ =	sfence  }
0xc6: {  	s30 =	sld [smem:$0x0];
	_ =	sdelay $0x2  }
0xc7: {  	s31 =	sshll.u32 s1, $0xD;
	s1 =	sshrl.u32 s1, $0x2  }
0xc8: {  	s4 =	sand.u32 $0x4000, s31;
	s1 =	sadd.s32 s1, s30  }
0xc9: {  	s0 =	sor.u32 s4, s0;
	s1 =	sshll.u32 s1, $0x11  }
0xca: {  	s0 =	sor.u32 s1, s0  }
0xcb: {  	s0 =	sadd.s32 $0x8F2B, s0  }
0xcc: {  	[sflag:s0] =	ssyncadd.remote.s32 $0x1  }
0xcd: {  	_ =	sfence.sel $0xFFFF  }
0xce: {  	[dreg:$0x0] =	wrdreg $0xFFFFFFFF;
	(pc) =	sbr.abs _section_cstart, $3  }
0xcf: {  	[dreg:$0x1] =	wrdreg $0xFFFFFFFF  }
0xd0: {  	_ =	task.clear_ibuf [dreg:s22], $0x2FFFF;
	_ =	strace $0x9FFFFFFF  }
0xd1: {  	(tm) =	ssettm $0x7FFFFFFF  }
tec
execute0_lowered:
.L_overlay_start_1:
0x0: {  	(tag) =	ssettag $0x1  }
0x1: {  	s0 =	rddreg [dreg:$0x0];
	s1 =	srdreg.scid  }
0x2: {  	s6 =	stileid.u32;
	s2 =	rddreg [dreg:$0x1]  }
0x3: {  	s13 =	simm.s32 $0x680;
	s12 =	simm.s32 $0x1;
	s14 =	simm.s32 $0xC680  }
0x4: {  	s28 =	simm.s32 $0x12E80;
	s29 =	simm.s32 $0x13680;
	s15 =	simm.s32 $0x13E80  }
0x5: {  	s30 =	simm.s32 $0x14680;
	s16 =	simm.s32 $0x14E80;
	s31 =	simm.s32 $0x15680  }
0x6: {  	s17 =	simm.s32 $0x15E80;
	s18 =	simm.s32 $0x16E80;
	s19 =	simm.s32 $0x17E80  }
0x7: {  	s20 =	simm.s32 $0x3;
	s1 =	sand.u32 $0x1, s1;
	s3 =	sshll.u32 s6, $0x1  }
0x8: {  	s10 =	simm.s32 $0x0;
	s6 =	sshrl.u32 s6, $0x3;
	s4 =	sor.u32 s1, s3  }
0x9: {  	s3 =	simm.s32 $0x0;
	s1 =	ssub.s32 $0x2, s1;
	s6 =	smul.u32 $0x12C0000, s6  }
0xa: {  	s5 =	smul.u32 $0xC8, s4;
	s4 =	sand.u32 $0xF, s4;
	[smem:$0x7FF] =	sst s3  }
0xb: {  	s21 =	sshrl.u32 s1, $0x1;
	s7 =	smul.u32 $0xC000, s4;
	_ =	strace $0x8000004A  }
0xc: {  	s4 =	sadd.s32 $0x4B8C00, s0;
	s5 =	sadd.s32 s5, s0;
	s0 =	ssub.s32 s1, s21  }
0xd: {  	s1 =	simm.s32 $0x16680;
	s22 =	sadd.s32 $0x4B7200, s5;
	s23 =	sadd.s32 s6, s7  }
0xe: {  	s6 =	sadd.s32 $0x100, s2;
	s7 =	sadd.s32 $0x200, s2;
	s0 =	smax.u32 s0, $0x1  }
0xf: {  	[dreg:$0x3] =	wrdreg s22;
	s24 =	sshrl.u32 s23, $0x3;
	s8 =	sadd.s32 $0xC0000, s23  }
.Ltmp0:
0x10: {  	[dreg:$0x5] =	wrdreg s0;
	s26 =	sadd.s32 $0x180000, s23;
	(pc) =	sbr.rel .LBB2_1-.Ltmp0, $4  }
0x11: {  	s23 =	simm.s32 $0x10E80;
	s0 =	simm.s32 $0x17680;
	s5 =	sadd.s32 s4, s24  }
0x12: {  	v2 =	vlaneseq.u32;
	s25 =	sshrl.u32 s8, $0x3;
	[dreg:$0x6] =	wrdreg s26;
	s24 =	simm.s32 $0x11680  }
0x13: {  	vm0 =	vmmov $0xffff;
	v1 =	vshrl.u32 v2, $0x3;
	s26 =	simm.s32 $0x12680;
	s8 =	simm.s32 $0x4;
	[dreg:$0x4] =	wrdreg s5  }
0x14: {  	v0 =	vand.u32 $0x7, v2;
	v2 =	vor.u32 $0x8, v2;
	v1 =	vmul.u32 $0x8, v1;
	s11 =	sadd.s32 s25, s4;
	s25 =	simm.s32 $0x11E80;
	s5 =	simm.s32 $0x2  }
.LBB2_4:
0x15: {  	_ =	swait.ge [sflag:s20], $0xC000  }
0x16: {  	s10 =	rddreg [dreg:$0x7]  }
0x17: {  	s9 =	rddreg [dreg:$0x5];
	s10 =	sadd.s32 $0x1, s10  }
0x18: {  	p0 =	sne.s32 s10, s9  }
.Ltmp1:
0x19: {  	_ = 	snop;
	(pc) =	sbr.rel @!p0 .LBB2_5-.Ltmp1, $3  }
0x1a: {  	_ =	sdelay $0x1  }
0x1b: {  	[sflag:s20] =	ssyncset.done $0x0  }
0x1c: {  	[sflag:s20] =	ssyncadd.s32 $0xFFFF4000  }
.LBB2_1:
0x1d: {  	[dreg:$0x7] =	wrdreg s10  }
0x1e: {  	s9 =	rddreg [dreg:$0x3];
	s10 =	simm.s32 $0x5  }
0x1f: {  	[tilespmem:s3], [sflag:$0x5] =	stream.linear.gather [hbm4b:s9+s3], $0x640, $0x38;
	[tilespmem:$0x18680] =	vst v63  }
0x20: {  	_ =	swait.ge [sflag:s10], $0x640  }
0x21: {  	[sflag:s10] =	ssyncset.done $0x0  }
0x22: {  	[sflag:s10] =	ssyncadd.s32 $0xFFFFF9C0  }
0x23: {  	v3 =	vld [tilespmem:$0x0];
	_ =	sdelay $0x4  }
0x24: {  	v4 =	vshrl.u32 v3, $0x3  }
0x25: {  	v4 =	vmul.u32 $0x30, v4  }
0x26: {  	v3 =	vand.u32 $0x7, v3  }
0x27: {  	v3 =	vor.u32 v3, v4  }
0x28: {  	v4 =	vperm.xlane v3, v0;
	_ =	sdelay $0x1  }
0x29: {  	v4 =	vadd.s32 v1, v4;
	_ =	sdelay $0x3  }
0x2a: {  	v3 =	vperm.xlane v3, v2  }
0x2b: {  	[tilespmem:s13], [sflag:$0x1] =	stream.indirect_vreg.gather [hbm4b:s2+s3], $0x80, v4, vm0, $0xb8;
	[tilespmem:$0x18680] =	vst v63  }
0x2c: {  	s21 =	simm.s32 $0xE80;
	v3 =	vadd.s32 v1, v3  }
0x2d: {  	[tilespmem:s21], [sflag:$0x1] =	stream.indirect_vreg.gather [hbm4b:s6+s3], $0x80, v4, vm0, $0xb8;
	[tilespmem:$0x18680] =	vst v63  }
0x2e: {  	s22 =	simm.s32 $0x1680  }
0x2f: {  	[tilespmem:s22], [sflag:$0x1] =	stream.indirect_vreg.gather [hbm4b:s7+s3], $0x80, v4, vm0, $0xb8;
	[tilespmem:$0x18680] =	vst v63  }
0x30: {  	s10 =	simm.s32 $0x1E80  }
0x31: {  	[tilespmem:s10], [sflag:$0x1] =	stream.indirect_vreg.gather [hbm4b:s2+s3], $0x80, v3, vm0, $0xb8;
	[tilespmem:$0x18680] =	vst v63  }
0x32: {  	s21 =	simm.s32 $0x2680  }
0x33: {  	[tilespmem:s21], [sflag:$0x1] =	stream.indirect_vreg.gather [hbm4b:s6+s3], $0x80, v3, vm0, $0xb8;
	[tilespmem:$0x18680] =	vst v63  }
0x34: {  	s22 =	simm.s32 $0x2E80  }
0x35: {  	[tilespmem:s22], [sflag:$0x1] =	stream.indirect_vreg.gather [hbm4b:s7+s3], $0x80, v3, vm0, $0xb8;
	[tilespmem:$0x18680] =	vst v63  }
0x36: {  	v3 =	vld [tilespmem:$0x10];
	_ =	sdelay $0x4  }
0x37: {  	v57 =	vshrl.u32 v3, $0x3  }
0x38: {  	v4 =	vmul.u32 $0x30, v57  }
0x39: {  	v3 =	vand.u32 $0x7, v3  }
0x3a: {  	v3 =	vor.u32 v3, v4  }
0x3b: {  	v4 =	vperm.xlane v3, v0;
	_ =	sdelay $0x1  }
0x3c: {  	v4 =	vadd.s32 v1, v4;
	_ =	sdelay $0x3  }
0x3d: {  	s10 =	simm.s32 $0x3680;
	v3 =	vperm.xlane v3, v2  }
0x3e: {  	[tilespmem:s10], [sflag:$0x1] =	stream.indirect_vreg.gather [hbm4b:s2+s3], $0x80, v4, vm0, $0xb8;
	[tilespmem:$0x18680] =	vst v63  }
0x3f: {  	s21 =	simm.s32 $0x3E80;
	v3 =	vadd.s32 v1, v3  }
0x40: {  	[tilespmem:s21], [sflag:$0x1] =	stream.indirect_vreg.gather [hbm4b:s6+s3], $0x80, v4, vm0, $0xb8;
	[tilespmem:$0x18680] =	vst v63  }
0x41: {  	s22 =	simm.s32 $0x4680  }
0x42: {  	[tilespmem:s22], [sflag:$0x1] =	stream.indirect_vreg.gather [hbm4b:s7+s3], $0x80, v4, vm0, $0xb8;
	[tilespmem:$0x18680] =	vst v63  }
0x43: {  	s10 =	simm.s32 $0x4E80  }
0x44: {  	[tilespmem:s10], [sflag:$0x1] =	stream.indirect_vreg.gather [hbm4b:s2+s3], $0x80, v3, vm0, $0xb8;
	[tilespmem:$0x18680] =	vst v63  }
0x45: {  	s21 =	simm.s32 $0x5680  }
0x46: {  	[tilespmem:s21], [sflag:$0x1] =	stream.indirect_vreg.gather [hbm4b:s6+s3], $0x80, v3, vm0, $0xb8;
	[tilespmem:$0x18680] =	vst v63  }
0x47: {  	s22 =	simm.s32 $0x5E80  }
0x48: {  	[tilespmem:s22], [sflag:$0x1] =	stream.indirect_vreg.gather [hbm4b:s7+s3], $0x80, v3, vm0, $0xb8;
	[tilespmem:$0x18680] =	vst v63  }
0x49: {  	v3 =	vld [tilespmem:$0x20];
	_ =	sdelay $0x4  }
0x4a: {  	v58 =	vshrl.u32 v3, $0x3  }
0x4b: {  	v4 =	vmul.u32 $0x30, v58  }
0x4c: {  	v3 =	vand.u32 $0x7, v3  }
0x4d: {  	v3 =	vor.u32 v3, v4  }
0x4e: {  	v4 =	vperm.xlane v3, v0;
	_ =	sdelay $0x1  }
0x4f: {  	v4 =	vadd.s32 v1, v4;
	_ =	sdelay $0x3  }
0x50: {  	s10 =	simm.s32 $0x6680;
	v3 =	vperm.xlane v3, v2  }
0x51: {  	[tilespmem:s10], [sflag:$0x1] =	stream.indirect_vreg.gather [hbm4b:s2+s3], $0x80, v4, vm0, $0xb8;
	[tilespmem:$0x18680] =	vst v63  }
0x52: {  	s21 =	simm.s32 $0x6E80;
	v3 =	vadd.s32 v1, v3  }
0x53: {  	[tilespmem:s21], [sflag:$0x1] =	stream.indirect_vreg.gather [hbm4b:s6+s3], $0x80, v4, vm0, $0xb8;
	[tilespmem:$0x18680] =	vst v63  }
0x54: {  	s22 =	simm.s32 $0x7680  }
0x55: {  	[tilespmem:s22], [sflag:$0x1] =	stream.indirect_vreg.gather [hbm4b:s7+s3], $0x80, v4, vm0, $0xb8;
	[tilespmem:$0x18680] =	vst v63  }
0x56: {  	s10 =	simm.s32 $0x7E80  }
0x57: {  	[tilespmem:s10], [sflag:$0x1] =	stream.indirect_vreg.gather [hbm4b:s2+s3], $0x80, v3, vm0, $0xb8;
	[tilespmem:$0x18680] =	vst v63  }
0x58: {  	s21 =	simm.s32 $0x8680  }
0x59: {  	[tilespmem:s21], [sflag:$0x1] =	stream.indirect_vreg.gather [hbm4b:s6+s3], $0x80, v3, vm0, $0xb8;
	[tilespmem:$0x18680] =	vst v63  }
0x5a: {  	s22 =	simm.s32 $0x8E80  }
0x5b: {  	[tilespmem:s22], [sflag:$0x1] =	stream.indirect_vreg.gather [hbm4b:s7+s3], $0x80, v3, vm0, $0xb8;
	[tilespmem:$0x18680] =	vst v63  }
0x5c: {  	v3 =	vld [tilespmem:$0x30];
	_ =	sdelay $0x4  }
0x5d: {  	v59 =	vshrl.u32 v3, $0x3  }
0x5e: {  	v4 =	vmul.u32 $0x30, v59  }
0x5f: {  	v3 =	vand.u32 $0x7, v3  }
0x60: {  	v3 =	vor.u32 v3, v4  }
0x61: {  	v4 =	vperm.xlane v3, v0;
	_ =	sdelay $0x1  }
0x62: {  	v4 =	vadd.s32 v1, v4;
	_ =	sdelay $0x3  }
0x63: {  	s10 =	simm.s32 $0x9680;
	v3 =	vperm.xlane v3, v2  }
0x64: {  	[tilespmem:s10], [sflag:$0x1] =	stream.indirect_vreg.gather [hbm4b:s2+s3], $0x80, v4, vm0, $0xb8;
	[tilespmem:$0x18680] =	vst v63  }
0x65: {  	s21 =	simm.s32 $0x9E80;
	v3 =	vadd.s32 v1, v3  }
0x66: {  	[tilespmem:s21], [sflag:$0x1] =	stream.indirect_vreg.gather [hbm4b:s6+s3], $0x80, v4, vm0, $0xb8;
	[tilespmem:$0x18680] =	vst v63  }
0x67: {  	s22 =	simm.s32 $0xA680  }
0x68: {  	[tilespmem:s22], [sflag:$0x1] =	stream.indirect_vreg.gather [hbm4b:s7+s3], $0x80, v4, vm0, $0xb8;
	[tilespmem:$0x18680] =	vst v63  }
0x69: {  	s10 =	simm.s32 $0xAE80  }
0x6a: {  	[tilespmem:s10], [sflag:$0x1] =	stream.indirect_vreg.gather [hbm4b:s2+s3], $0x80, v3, vm0, $0xb8;
	[tilespmem:$0x18680] =	vst v63  }
0x6b: {  	s21 =	simm.s32 $0xB680  }
0x6c: {  	[tilespmem:s21], [sflag:$0x1] =	stream.indirect_vreg.gather [hbm4b:s6+s3], $0x80, v3, vm0, $0xb8;
	[tilespmem:$0x18680] =	vst v63  }
0x6d: {  	s22 =	simm.s32 $0xBE80  }
0x6e: {  	[tilespmem:s22], [sflag:$0x1] =	stream.indirect_vreg.gather [hbm4b:s7+s3], $0x80, v3, vm0, $0xb8;
	[tilespmem:$0x18680] =	vst v63  }
0x6f: {  	_ =	swait.ge [sflag:s12], $0xC000  }
0x70: {  	[sflag:s12] =	ssyncset.done $0x0  }
0x71: {  	s10 =	rddreg [dreg:$0x4];
	[sflag:s12] =	ssyncadd.s32 $0xFFFF4000  }
0x72: {  	[hbm4b:s10+s3] =	stream.linear.scatter [tilespmem:s13], [sflag:$0x3], $0xC000, $0x38;
	[tilespmem:$0x18680] =	vst v63  }
0x73: {  	v3 =	vld [tilespmem:$0x40];
	_ =	sdelay $0x4  }
0x74: {  	v60 =	vshrl.u32 v3, $0x3  }
0x75: {  	v4 =	vmul.u32 $0x30, v60  }
0x76: {  	v3 =	vand.u32 $0x7, v3  }
0x77: {  	v3 =	vor.u32 v3, v4  }
0x78: {  	v4 =	vperm.xlane v3, v0;
	_ =	sdelay $0x1  }
0x79: {  	v4 =	vadd.s32 v1, v4;
	_ =	sdelay $0x3  }
0x7a: {  	v3 =	vperm.xlane v3, v2  }
0x7b: {  	[tilespmem:s14], [sflag:$0x2] =	stream.indirect_vreg.gather [hbm4b:s2+s3], $0x80, v4, vm0, $0xb8;
	[tilespmem:$0x18680] =	vst v63  }
0x7c: {  	s21 =	simm.s32 $0xCE80;
	v3 =	vadd.s32 v1, v3  }
0x7d: {  	[tilespmem:s21], [sflag:$0x2] =	stream.indirect_vreg.gather [hbm4b:s6+s3], $0x80, v4, vm0, $0xb8;
	[tilespmem:$0x18680] =	vst v63  }
0x7e: {  	s22 =	simm.s32 $0xD680  }
0x7f: {  	[tilespmem:s22], [sflag:$0x2] =	stream.indirect_vreg.gather [hbm4b:s7+s3], $0x80, v4, vm0, $0xb8;
	[tilespmem:$0x18680] =	vst v63  }
0x80: {  	s10 =	simm.s32 $0xDE80  }
0x81: {  	[tilespmem:s10], [sflag:$0x2] =	stream.indirect_vreg.gather [hbm4b:s2+s3], $0x80, v3, vm0, $0xb8;
	[tilespmem:$0x18680] =	vst v63  }
0x82: {  	s21 =	simm.s32 $0xE680  }
0x83: {  	[tilespmem:s21], [sflag:$0x2] =	stream.indirect_vreg.gather [hbm4b:s6+s3], $0x80, v3, vm0, $0xb8;
	[tilespmem:$0x18680] =	vst v63  }
0x84: {  	s22 =	simm.s32 $0xEE80  }
0x85: {  	[tilespmem:s22], [sflag:$0x2] =	stream.indirect_vreg.gather [hbm4b:s7+s3], $0x80, v3, vm0, $0xb8;
	[tilespmem:$0x18680] =	vst v63  }
0x86: {  	v3 =	vld [tilespmem:$0x50];
	_ =	sdelay $0x4  }
0x87: {  	v61 =	vshrl.u32 v3, $0x3  }
0x88: {  	v4 =	vmul.u32 $0x30, v61  }
0x89: {  	v3 =	vand.u32 $0x7, v3  }
0x8a: {  	v3 =	vor.u32 v3, v4  }
0x8b: {  	v4 =	vperm.xlane v3, v0;
	_ =	sdelay $0x1  }
0x8c: {  	v4 =	vadd.s32 v1, v4;
	_ =	sdelay $0x3  }
0x8d: {  	s10 =	simm.s32 $0xF680;
	v3 =	vperm.xlane v3, v2  }
0x8e: {  	[tilespmem:s10], [sflag:$0x2] =	stream.indirect_vreg.gather [hbm4b:s2+s3], $0x80, v4, vm0, $0xb8;
	[tilespmem:$0x18680] =	vst v63  }
0x8f: {  	s21 =	simm.s32 $0xFE80;
	v3 =	vadd.s32 v1, v3  }
0x90: {  	[tilespmem:s21], [sflag:$0x2] =	stream.indirect_vreg.gather [hbm4b:s6+s3], $0x80, v4, vm0, $0xb8;
	[tilespmem:$0x18680] =	vst v63  }
0x91: {  	s22 =	simm.s32 $0x10680  }
0x92: {  	[tilespmem:s22], [sflag:$0x2] =	stream.indirect_vreg.gather [hbm4b:s7+s3], $0x80, v4, vm0, $0xb8;
	[tilespmem:$0x18680] =	vst v63  }
0x93: {  	_ = 	snop  }
0x94: {  	[tilespmem:s23], [sflag:$0x2] =	stream.indirect_vreg.gather [hbm4b:s2+s3], $0x80, v3, vm0, $0xb8;
	[tilespmem:$0x18680] =	vst v63  }
0x95: {  	_ = 	snop  }
0x96: {  	[tilespmem:s24], [sflag:$0x2] =	stream.indirect_vreg.gather [hbm4b:s6+s3], $0x80, v3, vm0, $0xb8;
	[tilespmem:$0x18680] =	vst v63  }
0x97: {  	_ = 	snop  }
0x98: {  	[tilespmem:s25], [sflag:$0x2] =	stream.indirect_vreg.gather [hbm4b:s7+s3], $0x80, v3, vm0, $0xb8;
	[tilespmem:$0x18680] =	vst v63  }
0x99: {  	v3 =	vld [tilespmem:$0x60];
	_ =	sdelay $0x4  }
0x9a: {  	v62 =	vshrl.u32 v3, $0x3  }
0x9b: {  	v4 =	vmul.u32 $0x30, v62  }
0x9c: {  	v3 =	vand.u32 $0x7, v3  }
0x9d: {  	v3 =	vor.u32 v3, v4  }
0x9e: {  	v4 =	vperm.xlane v3, v0;
	_ =	sdelay $0x1  }
0x9f: {  	v4 =	vadd.s32 v1, v4;
	_ =	sdelay $0x3  }
0xa0: {  	v3 =	vperm.xlane v3, v2  }
0xa1: {  	[tilespmem:s26], [sflag:$0x2] =	stream.indirect_vreg.gather [hbm4b:s2+s3], $0x80, v4, vm0, $0xb8;
	[tilespmem:$0x18680] =	vst v63  }
0xa2: {  	v3 =	vadd.s32 v1, v3  }
0xa3: {  	[tilespmem:s28], [sflag:$0x2] =	stream.indirect_vreg.gather [hbm4b:s6+s3], $0x80, v4, vm0, $0xb8;
	[tilespmem:$0x18680] =	vst v63  }
0xa4: {  	_ = 	snop  }
0xa5: {  	[tilespmem:s29], [sflag:$0x2] =	stream.indirect_vreg.gather [hbm4b:s7+s3], $0x80, v4, vm0, $0xb8;
	[tilespmem:$0x18680] =	vst v63  }
0xa6: {  	_ = 	snop  }
0xa7: {  	[tilespmem:s15], [sflag:$0x2] =	stream.indirect_vreg.gather [hbm4b:s2+s3], $0x80, v3, vm0, $0xb8;
	[tilespmem:$0x18680] =	vst v63  }
0xa8: {  	_ = 	snop  }
0xa9: {  	[tilespmem:s30], [sflag:$0x2] =	stream.indirect_vreg.gather [hbm4b:s6+s3], $0x80, v3, vm0, $0xb8;
	[tilespmem:$0x18680] =	vst v63  }
0xaa: {  	_ = 	snop  }
0xab: {  	[tilespmem:s16], [sflag:$0x2] =	stream.indirect_vreg.gather [hbm4b:s7+s3], $0x80, v3, vm0, $0xb8;
	[tilespmem:$0x18680] =	vst v63  }
0xac: {  	v3 =	vld [tilespmem:$0x70];
	_ =	sdelay $0x4  }
0xad: {  	v63 =	vshrl.u32 v3, $0x3  }
0xae: {  	v4 =	vmul.u32 $0x30, v63  }
0xaf: {  	v3 =	vand.u32 $0x7, v3  }
0xb0: {  	v3 =	vor.u32 v3, v4  }
0xb1: {  	v4 =	vperm.xlane v3, v0;
	_ =	sdelay $0x1  }
0xb2: {  	v4 =	vadd.s32 v1, v4;
	_ =	sdelay $0x3  }
0xb3: {  	v3 =	vperm.xlane v3, v2  }
0xb4: {  	[tilespmem:s31], [sflag:$0x2] =	stream.indirect_vreg.gather [hbm4b:s2+s3], $0x80, v4, vm0, $0xb8;
	[tilespmem:$0x18680] =	vst v63  }
0xb5: {  	v3 =	vadd.s32 v1, v3  }
0xb6: {  	[tilespmem:s17], [sflag:$0x2] =	stream.indirect_vreg.gather [hbm4b:s6+s3], $0x80, v4, vm0, $0xb8;
	[tilespmem:$0x18680] =	vst v63  }
0xb7: {  	_ = 	snop  }
0xb8: {  	[tilespmem:s1], [sflag:$0x2] =	stream.indirect_vreg.gather [hbm4b:s7+s3], $0x80, v4, vm0, $0xb8;
	[tilespmem:$0x18680] =	vst v63  }
0xb9: {  	_ = 	snop  }
0xba: {  	[tilespmem:s18], [sflag:$0x2] =	stream.indirect_vreg.gather [hbm4b:s2+s3], $0x80, v3, vm0, $0xb8;
	[tilespmem:$0x18680] =	vst v63  }
0xbb: {  	_ = 	snop  }
0xbc: {  	[tilespmem:s0], [sflag:$0x2] =	stream.indirect_vreg.gather [hbm4b:s6+s3], $0x80, v3, vm0, $0xb8;
	[tilespmem:$0x18680] =	vst v63  }
0xbd: {  	s9 =	rddreg [dreg:$0x6];
	s21 =	simm.s32 $0xF0;
	s22 =	simm.s32 $0x0  }
0xbe: {  	[tilespmem:s19], [sflag:$0x2] =	stream.indirect_vreg.gather [hbm4b:s7+s3], $0x80, v3, vm0, $0xb8;
	[tilespmem:$0x18680] =	vst v63  }
.LBB2_2:
0xbf: {  	_ =	swait.ge [sflag:s5], $0xC000  }
0xc0: {  	[sflag:s5] =	ssyncset.done $0x0  }
0xc1: {  	s10 =	sadd.s32 s22, s11;
	[sflag:s5] =	ssyncadd.s32 $0xFFFF4000  }
0xc2: {  	[hbm4b:s10+s3] =	stream.linear.scatter [tilespmem:s14], [sflag:$0x4], $0xC000, $0x38;
	[tilespmem:$0x18680] =	vst v63  }
0xc3: {  	_ =	swait.ge [sflag:s20], $0xC000  }
0xc4: {  	[sflag:s20] =	ssyncset.done $0x0  }
0xc5: {  	[sflag:s20] =	ssyncadd.s32 $0xFFFF4000  }
0xc6: {  	v3 =	vld [tilespmem:s21+$0xFFFFFF90];
	_ =	sdelay $0x4  }
0xc7: {  	v4 =	vshrl.u32 v3, $0x3  }
0xc8: {  	v4 =	vmul.u32 $0x30, v4  }
0xc9: {  	v3 =	vand.u32 $0x7, v3  }
0xca: {  	v3 =	vor.u32 v3, v4  }
0xcb: {  	v4 =	vperm.xlane v3, v0;
	_ =	sdelay $0x1  }
0xcc: {  	v4 =	vadd.s32 v1, v4;
	_ =	sdelay $0x3  }
0xcd: {  	v3 =	vperm.xlane v3, v2  }
0xce: {  	[tilespmem:s13], [sflag:$0x1] =	stream.indirect_vreg.gather [hbm4b:s2+s3], $0x80, v4, vm0, $0xb8;
	[tilespmem:$0x18680] =	vst v63  }
0xcf: {  	s10 =	simm.s32 $0xE80;
	v3 =	vadd.s32 v1, v3  }
0xd0: {  	[tilespmem:s10], [sflag:$0x1] =	stream.indirect_vreg.gather [hbm4b:s6+s3], $0x80, v4, vm0, $0xb8;
	[tilespmem:$0x18680] =	vst v63  }
0xd1: {  	s10 =	simm.s32 $0x1680  }
0xd2: {  	[tilespmem:s10], [sflag:$0x1] =	stream.indirect_vreg.gather [hbm4b:s7+s3], $0x80, v4, vm0, $0xb8;
	[tilespmem:$0x18680] =	vst v63  }
0xd3: {  	s10 =	simm.s32 $0x1E80  }
0xd4: {  	[tilespmem:s10], [sflag:$0x1] =	stream.indirect_vreg.gather [hbm4b:s2+s3], $0x80, v3, vm0, $0xb8;
	[tilespmem:$0x18680] =	vst v63  }
0xd5: {  	s10 =	simm.s32 $0x2680  }
0xd6: {  	[tilespmem:s10], [sflag:$0x1] =	stream.indirect_vreg.gather [hbm4b:s6+s3], $0x80, v3, vm0, $0xb8;
	[tilespmem:$0x18680] =	vst v63  }
0xd7: {  	s10 =	simm.s32 $0x2E80  }
0xd8: {  	[tilespmem:s10], [sflag:$0x1] =	stream.indirect_vreg.gather [hbm4b:s7+s3], $0x80, v3, vm0, $0xb8;
	[tilespmem:$0x18680] =	vst v63  }
0xd9: {  	v3 =	vld [tilespmem:s21+$0xFFFFFFA0];
	_ =	sdelay $0x4  }
0xda: {  	v61 =	vshrl.u32 v3, $0x3  }
0xdb: {  	v4 =	vmul.u32 $0x30, v61  }
0xdc: {  	v3 =	vand.u32 $0x7, v3  }
0xdd: {  	v3 =	vor.u32 v3, v4  }
0xde: {  	v4 =	vperm.xlane v3, v0;
	_ =	sdelay $0x1  }
0xdf: {  	v4 =	vadd.s32 v1, v4;
	_ =	sdelay $0x3  }
0xe0: {  	s10 =	simm.s32 $0x3680;
	v3 =	vperm.xlane v3, v2  }
0xe1: {  	[tilespmem:s10], [sflag:$0x1] =	stream.indirect_vreg.gather [hbm4b:s2+s3], $0x80, v4, vm0, $0xb8;
	[tilespmem:$0x18680] =	vst v63  }
0xe2: {  	v3 =	vadd.s32 v1, v3;
	s10 =	simm.s32 $0x3E80  }
0xe3: {  	[tilespmem:s10], [sflag:$0x1] =	stream.indirect_vreg.gather [hbm4b:s6+s3], $0x80, v4, vm0, $0xb8;
	[tilespmem:$0x18680] =	vst v63  }
0xe4: {  	s10 =	simm.s32 $0x4680  }
0xe5: {  	[tilespmem:s10], [sflag:$0x1] =	stream.indirect_vreg.gather [hbm4b:s7+s3], $0x80, v4, vm0, $0xb8;
	[tilespmem:$0x18680] =	vst v63  }
0xe6: {  	s10 =	simm.s32 $0x4E80  }
0xe7: {  	[tilespmem:s10], [sflag:$0x1] =	stream.indirect_vreg.gather [hbm4b:s2+s3], $0x80, v3, vm0, $0xb8;
	[tilespmem:$0x18680] =	vst v63  }
0xe8: {  	s10 =	simm.s32 $0x5680  }
0xe9: {  	[tilespmem:s10], [sflag:$0x1] =	stream.indirect_vreg.gather [hbm4b:s6+s3], $0x80, v3, vm0, $0xb8;
	[tilespmem:$0x18680] =	vst v63  }
0xea: {  	s10 =	simm.s32 $0x5E80  }
0xeb: {  	[tilespmem:s10], [sflag:$0x1] =	stream.indirect_vreg.gather [hbm4b:s7+s3], $0x80, v3, vm0, $0xb8;
	[tilespmem:$0x18680] =	vst v63  }
0xec: {  	v3 =	vld [tilespmem:s21+$0xFFFFFFB0];
	_ =	sdelay $0x4  }
0xed: {  	v62 =	vshrl.u32 v3, $0x3  }
0xee: {  	v4 =	vmul.u32 $0x30, v62  }
0xef: {  	v3 =	vand.u32 $0x7, v3  }
0xf0: {  	v3 =	vor.u32 v3, v4  }
0xf1: {  	v4 =	vperm.xlane v3, v0;
	_ =	sdelay $0x1  }
0xf2: {  	v4 =	vadd.s32 v1, v4;
	_ =	sdelay $0x3  }
0xf3: {  	s10 =	simm.s32 $0x6680;
	v3 =	vperm.xlane v3, v2  }
0xf4: {  	[tilespmem:s10], [sflag:$0x1] =	stream.indirect_vreg.gather [hbm4b:s2+s3], $0x80, v4, vm0, $0xb8;
	[tilespmem:$0x18680] =	vst v63  }
0xf5: {  	v3 =	vadd.s32 v1, v3;
	s10 =	simm.s32 $0x6E80  }
0xf6: {  	[tilespmem:s10], [sflag:$0x1] =	stream.indirect_vreg.gather [hbm4b:s6+s3], $0x80, v4, vm0, $0xb8;
	[tilespmem:$0x18680] =	vst v63  }
0xf7: {  	s10 =	simm.s32 $0x7680  }
0xf8: {  	[tilespmem:s10], [sflag:$0x1] =	stream.indirect_vreg.gather [hbm4b:s7+s3], $0x80, v4, vm0, $0xb8;
	[tilespmem:$0x18680] =	vst v63  }
0xf9: {  	s10 =	simm.s32 $0x7E80  }
0xfa: {  	[tilespmem:s10], [sflag:$0x1] =	stream.indirect_vreg.gather [hbm4b:s2+s3], $0x80, v3, vm0, $0xb8;
	[tilespmem:$0x18680] =	vst v63  }
0xfb: {  	s10 =	simm.s32 $0x8680  }
0xfc: {  	[tilespmem:s10], [sflag:$0x1] =	stream.indirect_vreg.gather [hbm4b:s6+s3], $0x80, v3, vm0, $0xb8;
	[tilespmem:$0x18680] =	vst v63  }
0xfd: {  	s10 =	simm.s32 $0x8E80  }
0xfe: {  	[tilespmem:s10], [sflag:$0x1] =	stream.indirect_vreg.gather [hbm4b:s7+s3], $0x80, v3, vm0, $0xb8;
	[tilespmem:$0x18680] =	vst v63  }
0xff: {  	v3 =	vld [tilespmem:s21+$0xFFFFFFC0];
	_ =	sdelay $0x4  }
0x100: {  	v63 =	vshrl.u32 v3, $0x3  }
0x101: {  	v4 =	vmul.u32 $0x30, v63  }
0x102: {  	v3 =	vand.u32 $0x7, v3  }
0x103: {  	v3 =	vor.u32 v3, v4  }
0x104: {  	v4 =	vperm.xlane v3, v0;
	_ =	sdelay $0x1  }
0x105: {  	v4 =	vadd.s32 v1, v4;
	_ =	sdelay $0x3  }
0x106: {  	s10 =	simm.s32 $0x9680;
	v3 =	vperm.xlane v3, v2  }
0x107: {  	[tilespmem:s10], [sflag:$0x1] =	stream.indirect_vreg.gather [hbm4b:s2+s3], $0x80, v4, vm0, $0xb8;
	[tilespmem:$0x18680] =	vst v63  }
0x108: {  	v3 =	vadd.s32 v1, v3;
	s10 =	simm.s32 $0x9E80  }
0x109: {  	[tilespmem:s10], [sflag:$0x1] =	stream.indirect_vreg.gather [hbm4b:s6+s3], $0x80, v4, vm0, $0xb8;
	[tilespmem:$0x18680] =	vst v63  }
0x10a: {  	s10 =	simm.s32 $0xA680  }
0x10b: {  	[tilespmem:s10], [sflag:$0x1] =	stream.indirect_vreg.gather [hbm4b:s7+s3], $0x80, v4, vm0, $0xb8;
	[tilespmem:$0x18680] =	vst v63  }
0x10c: {  	s10 =	simm.s32 $0xAE80  }
0x10d: {  	[tilespmem:s10], [sflag:$0x1] =	stream.indirect_vreg.gather [hbm4b:s2+s3], $0x80, v3, vm0, $0xb8;
	[tilespmem:$0x18680] =	vst v63  }
0x10e: {  	s10 =	simm.s32 $0xB680  }
0x10f: {  	[tilespmem:s10], [sflag:$0x1] =	stream.indirect_vreg.gather [hbm4b:s6+s3], $0x80, v3, vm0, $0xb8;
	[tilespmem:$0x18680] =	vst v63  }
0x110: {  	s10 =	simm.s32 $0xBE80  }
0x111: {  	[tilespmem:s10], [sflag:$0x1] =	stream.indirect_vreg.gather [hbm4b:s7+s3], $0x80, v3, vm0, $0xb8;
	[tilespmem:$0x18680] =	vst v63  }
0x112: {  	_ =	swait.ge [sflag:s12], $0xC000  }
0x113: {  	p0 =	seq.s32 s22, $0x210000;
	s10 =	sshrl.u32 s9, $0x3;
	[sflag:s12] =	ssyncset.done $0x0  }
.Ltmp2:
0x114: {  	s10 =	sadd.s32 s4, s10;
	[sflag:s12] =	ssyncadd.s32 $0xFFFF4000;
	(pc) =	sbr.rel @p0 .LBB2_4-.Ltmp2, $4  }
0x115: {  	[hbm4b:s10+s3] =	stream.linear.scatter [tilespmem:s13], [sflag:$0x3], $0xC000, $0x38;
	[tilespmem:$0x18680] =	vst v63  }
0x116: {  	_ =	swait.ge [sflag:s8], $0xC000  }
0x117: {  	[sflag:s8] =	ssyncset.done $0x0  }
0x118: {  	[sflag:s8] =	ssyncadd.s32 $0xFFFF4000  }
0x119: {  	v3 =	vld [tilespmem:s21+$0xFFFFFFD0];
	_ =	sdelay $0x4  }
0x11a: {  	v4 =	vshrl.u32 v3, $0x3  }
0x11b: {  	v4 =	vmul.u32 $0x30, v4  }
0x11c: {  	v3 =	vand.u32 $0x7, v3  }
0x11d: {  	v3 =	vor.u32 v3, v4  }
0x11e: {  	v4 =	vperm.xlane v3, v0;
	_ =	sdelay $0x1  }
0x11f: {  	v4 =	vadd.s32 v1, v4;
	_ =	sdelay $0x3  }
0x120: {  	v3 =	vperm.xlane v3, v2  }
0x121: {  	[tilespmem:s14], [sflag:$0x2] =	stream.indirect_vreg.gather [hbm4b:s2+s3], $0x80, v4, vm0, $0xb8;
	[tilespmem:$0x18680] =	vst v63  }
0x122: {  	s10 =	simm.s32 $0xCE80;
	v3 =	vadd.s32 v1, v3  }
0x123: {  	[tilespmem:s10], [sflag:$0x2] =	stream.indirect_vreg.gather [hbm4b:s6+s3], $0x80, v4, vm0, $0xb8;
	[tilespmem:$0x18680] =	vst v63  }
0x124: {  	s10 =	simm.s32 $0xD680  }
0x125: {  	[tilespmem:s10], [sflag:$0x2] =	stream.indirect_vreg.gather [hbm4b:s7+s3], $0x80, v4, vm0, $0xb8;
	[tilespmem:$0x18680] =	vst v63  }
0x126: {  	s10 =	simm.s32 $0xDE80  }
0x127: {  	[tilespmem:s10], [sflag:$0x2] =	stream.indirect_vreg.gather [hbm4b:s2+s3], $0x80, v3, vm0, $0xb8;
	[tilespmem:$0x18680] =	vst v63  }
0x128: {  	s10 =	simm.s32 $0xE680  }
0x129: {  	[tilespmem:s10], [sflag:$0x2] =	stream.indirect_vreg.gather [hbm4b:s6+s3], $0x80, v3, vm0, $0xb8;
	[tilespmem:$0x18680] =	vst v63  }
0x12a: {  	s10 =	simm.s32 $0xEE80  }
0x12b: {  	[tilespmem:s10], [sflag:$0x2] =	stream.indirect_vreg.gather [hbm4b:s7+s3], $0x80, v3, vm0, $0xb8;
	[tilespmem:$0x18680] =	vst v63  }
0x12c: {  	v3 =	vld [tilespmem:s21+$0xFFFFFFE0];
	_ =	sdelay $0x4  }
0x12d: {  	v61 =	vshrl.u32 v3, $0x3  }
0x12e: {  	v4 =	vmul.u32 $0x30, v61  }
0x12f: {  	v3 =	vand.u32 $0x7, v3  }
0x130: {  	v3 =	vor.u32 v3, v4  }
0x131: {  	v4 =	vperm.xlane v3, v0;
	_ =	sdelay $0x1  }
0x132: {  	v4 =	vadd.s32 v1, v4;
	_ =	sdelay $0x3  }
0x133: {  	s10 =	simm.s32 $0xF680;
	v3 =	vperm.xlane v3, v2  }
0x134: {  	[tilespmem:s10], [sflag:$0x2] =	stream.indirect_vreg.gather [hbm4b:s2+s3], $0x80, v4, vm0, $0xb8;
	[tilespmem:$0x18680] =	vst v63  }
0x135: {  	v3 =	vadd.s32 v1, v3;
	s10 =	simm.s32 $0xFE80  }
0x136: {  	[tilespmem:s10], [sflag:$0x2] =	stream.indirect_vreg.gather [hbm4b:s6+s3], $0x80, v4, vm0, $0xb8;
	[tilespmem:$0x18680] =	vst v63  }
0x137: {  	s10 =	simm.s32 $0x10680  }
0x138: {  	[tilespmem:s10], [sflag:$0x2] =	stream.indirect_vreg.gather [hbm4b:s7+s3], $0x80, v4, vm0, $0xb8;
	[tilespmem:$0x18680] =	vst v63  }
0x139: {  	_ = 	snop  }
0x13a: {  	[tilespmem:s23], [sflag:$0x2] =	stream.indirect_vreg.gather [hbm4b:s2+s3], $0x80, v3, vm0, $0xb8;
	[tilespmem:$0x18680] =	vst v63  }
0x13b: {  	_ = 	snop  }
0x13c: {  	[tilespmem:s24], [sflag:$0x2] =	stream.indirect_vreg.gather [hbm4b:s6+s3], $0x80, v3, vm0, $0xb8;
	[tilespmem:$0x18680] =	vst v63  }
0x13d: {  	_ = 	snop  }
0x13e: {  	[tilespmem:s25], [sflag:$0x2] =	stream.indirect_vreg.gather [hbm4b:s7+s3], $0x80, v3, vm0, $0xb8;
	[tilespmem:$0x18680] =	vst v63  }
0x13f: {  	v3 =	vld [tilespmem:s21+$0xFFFFFFF0];
	_ =	sdelay $0x4  }
0x140: {  	v62 =	vshrl.u32 v3, $0x3  }
0x141: {  	v4 =	vmul.u32 $0x30, v62  }
0x142: {  	v3 =	vand.u32 $0x7, v3  }
0x143: {  	v3 =	vor.u32 v3, v4  }
0x144: {  	v4 =	vperm.xlane v3, v0;
	_ =	sdelay $0x1  }
0x145: {  	v4 =	vadd.s32 v1, v4;
	_ =	sdelay $0x3  }
0x146: {  	v3 =	vperm.xlane v3, v2  }
0x147: {  	[tilespmem:s26], [sflag:$0x2] =	stream.indirect_vreg.gather [hbm4b:s2+s3], $0x80, v4, vm0, $0xb8;
	[tilespmem:$0x18680] =	vst v63  }
0x148: {  	v3 =	vadd.s32 v1, v3  }
0x149: {  	[tilespmem:s28], [sflag:$0x2] =	stream.indirect_vreg.gather [hbm4b:s6+s3], $0x80, v4, vm0, $0xb8;
	[tilespmem:$0x18680] =	vst v63  }
0x14a: {  	_ = 	snop  }
0x14b: {  	[tilespmem:s29], [sflag:$0x2] =	stream.indirect_vreg.gather [hbm4b:s7+s3], $0x80, v4, vm0, $0xb8;
	[tilespmem:$0x18680] =	vst v63  }
0x14c: {  	_ = 	snop  }
0x14d: {  	[tilespmem:s15], [sflag:$0x2] =	stream.indirect_vreg.gather [hbm4b:s2+s3], $0x80, v3, vm0, $0xb8;
	[tilespmem:$0x18680] =	vst v63  }
0x14e: {  	_ = 	snop  }
0x14f: {  	[tilespmem:s30], [sflag:$0x2] =	stream.indirect_vreg.gather [hbm4b:s6+s3], $0x80, v3, vm0, $0xb8;
	[tilespmem:$0x18680] =	vst v63  }
0x150: {  	_ = 	snop  }
0x151: {  	[tilespmem:s16], [sflag:$0x2] =	stream.indirect_vreg.gather [hbm4b:s7+s3], $0x80, v3, vm0, $0xb8;
	[tilespmem:$0x18680] =	vst v63  }
0x152: {  	v3 =	vld [tilespmem:s21+$0x0];
	_ =	sdelay $0x4  }
0x153: {  	v63 =	vshrl.u32 v3, $0x3  }
0x154: {  	v4 =	vmul.u32 $0x30, v63  }
0x155: {  	v3 =	vand.u32 $0x7, v3  }
0x156: {  	v3 =	vor.u32 v3, v4  }
0x157: {  	v4 =	vperm.xlane v3, v0;
	_ =	sdelay $0x1  }
0x158: {  	v4 =	vadd.s32 v1, v4;
	_ =	sdelay $0x3  }
0x159: {  	v3 =	vperm.xlane v3, v2  }
0x15a: {  	[tilespmem:s31], [sflag:$0x2] =	stream.indirect_vreg.gather [hbm4b:s2+s3], $0x80, v4, vm0, $0xb8;
	[tilespmem:$0x18680] =	vst v63  }
0x15b: {  	v3 =	vadd.s32 v1, v3  }
0x15c: {  	[tilespmem:s17], [sflag:$0x2] =	stream.indirect_vreg.gather [hbm4b:s6+s3], $0x80, v4, vm0, $0xb8;
	[tilespmem:$0x18680] =	vst v63  }
0x15d: {  	_ = 	snop  }
0x15e: {  	[tilespmem:s1], [sflag:$0x2] =	stream.indirect_vreg.gather [hbm4b:s7+s3], $0x80, v4, vm0, $0xb8;
	[tilespmem:$0x18680] =	vst v63  }
0x15f: {  	_ = 	snop  }
0x160: {  	[tilespmem:s18], [sflag:$0x2] =	stream.indirect_vreg.gather [hbm4b:s2+s3], $0x80, v3, vm0, $0xb8;
	[tilespmem:$0x18680] =	vst v63  }
.Ltmp3:
0x161: {  	_ = 	snop;
	(pc) =	sbr.rel .LBB2_2-.Ltmp3, $4  }
0x162: {  	_ = 	snop  }
0x163: {  	[tilespmem:s0], [sflag:$0x2] =	stream.indirect_vreg.gather [hbm4b:s6+s3], $0x80, v3, vm0, $0xb8;
	[tilespmem:$0x18680] =	vst v63  }
0x164: {  	s22 =	sadd.s32 $0x30000, s22;
	s9 =	sadd.s32 $0x180000, s9;
	s21 =	sadd.s32 $0x80, s21  }
0x165: {  	[tilespmem:s19], [sflag:$0x2] =	stream.indirect_vreg.gather [hbm4b:s7+s3], $0x80, v3, vm0, $0xb8;
	[tilespmem:$0x18680] =	vst v63  }
.LBB2_5:
0x166: {  	_ =	sfence.sel $0x180000  }
0x167: {  	[bflag:$0x0] =	sbarrier.arrive $0xFFFF  }
0x168: {  	_ =	strace $0x9000004A  }
0x169: {  	s0 =	stileid.u32;
	[bflag:$0x2] =	sbarrier.arrive $0xFFFF  }
0x16a: {  	p0 =	sne.s32 s0, $0x0;
	s0 =	rddreg [dreg:$0x2]  }
0x16b: {  	s0 =	sadd.s32 @!p0 $0x100000, s0  }
0x16c: {  	[sflag:s0] =	ssyncadd.tile.s32 @!p0 $0x1;
	_ =	shalt  }
.Lfunc_end2:
_tile_overlayer_lowered:
.L_overlay_start_2:
0x16d: {  	(tag) =	ssettag $0x2  }
0x16e: {  	s0 =	rddreg [dreg:$0x0];
	s2 =	stileid.u32  }
0x16f: {  	s1 =	rddreg [dreg:$0x1];
	p0 =	sne.s32 s2, $0x0  }
0x170: {  	s3 =	rddreg [dreg:$0x2];
	[bflag:$0x3] =	sbarrier.arrive $0xFFFF;
	s2 =	simm.s32 @!p0 $0x1C05  }
0x171: {  	[timem:s3], [sflag:s2] =	dma.local @!p0 [hbm:s0], s1  }
0x172: {  	s0 =	simm.s32 @!p0 $0x5  }
0x173: {  	_ =	swait.ge @!p0 [sflag:s0], s1  }
0x174: {  	s1 =	ssub.s32 @!p0 $0x0, s1;
	[sflag:s0] =	ssyncset.done @!p0 $0x0  }
0x175: {  	[sflag:s0] =	ssyncadd.s32 @!p0 s1  }
0x176: {  	[bflag:$0x3] =	sbarrier.arrive $0xFFFF  }
0x177: {  	_ =	shalt  }

// kernel: kernel.16.cloned.1.call-start
scs
__scs_entry_jumppad:
0x0: {  	(pc) =	sbr.rel $0x88, $3  }
0x1: {  	(tag) =	ssettag $0x0;
	lr =	simm.s32 $0x1  }
0x2: {  	[smem:$0x3F9C] =	sst lr;
	_ =	strace $0xD0000000  }
0x3: {  	_ = 	snop  }
0x4: {  	_ = 	snop  }
0x5: {  	_ = 	snop  }
0x6: {  	_ = 	snop  }
0x7: {  	_ = 	snop  }
__scs_overlays_trampoline_lowered:
0x8: {  	[smem:$0x3FAB] =	sst s0  }
0x9: {  	[smem:$0x3FAC] =	sst s1  }
0xa: {  	[smem:$0x3FAD] =	sst s2  }
0xb: {  	[smem:$0x3FAE] =	sst s3  }
0xc: {  	[smem:$0x3FAF] =	sst s4  }
0xd: {  	[smem:$0x3FB0] =	sst s5  }
0xe: {  	[smem:$0x3FB1] =	sst s6  }
0xf: {  	[smem:$0x3FB2] =	sst s7  }
0x10: {  	[smem:$0x3FB3] =	sst s8  }
0x11: {  	[smem:$0x3FB4] =	sst s9;
	s0 =	simm.s32 @!p0 $0x0  }
0x12: {  	s1 =	sld [smem:$0x3F9A];
	s0 =	simm.s32 @p0 $0x1  }
0x13: {  	[smem:$0x3FB5] =	sst s0;
	s0 =	simm.s32 @!p1 $0x0  }
0x14: {  	s2 =	sld [smem:$0x3F99];
	s0 =	simm.s32 @p1 $0x1  }
0x15: {  	[smem:$0x3FB6] =	sst s0;
	s0 =	simm.s32 @!p2 $0x0  }
0x16: {  	s3 =	sld [smem:$0x3FDB];
	s0 =	simm.s32 @p2 $0x1  }
0x17: {  	s4 =	simm.s32 $0x1BF5;
	[smem:$0x3FB8] =	sst s0  }
0x18: {  	s0 =	sld [smem:$0x3F9B];
	_ =	swait.ge [sflag:s4], $0x0  }
0x19: {  	s7 =	sld [smem:$0x3F9C]  }
0x1a: {  	s8 =	sadd.s32 $0xFFFFE003, lr  }
0x1b: {  	s9 =	sadd.s32 $0xFFFFFEF7, lr;
	s5 =	simm.s32 $0xFFFFFFFF;
	p2 =	slt.u32 s8, $0xFFFFF086  }
0x1c: {  	p1 =	slt.u32 s9, $0xF7A;
	s5 =	simm.s32 @!p2 $0x0  }
0x1d: {  	s5 =	simm.s32 @p1 $0x1;
	p0 =	seq.s32 s7, s2  }
0x1e: {  	s7 =	smul.u32 @!p0 $0xF7A, s2;
	p2 =	seq.s32 @!p0 s5, $0x0  }
0x1f: {  	s9 =	smul.u32 $0xF7A, s1;
	s8 =	simm.s32 @!p0 $0x1BF5;
	p2 =	por !p2, p0  }
0x20: {  	[sflag:s8] =	ssyncset.s32 @!p0 $0xFFFFF086;
	s6 =	sadd.s32 @!p0 s3, s7;
	s7 =	simm.s32 @!p0 $0x108  }
0x21: {  	s3 =	sadd.s32 s3, s9;
	s6 =	sadd.s32 @!p0 $0x88, s6;
	s7 =	simm.s32 @p2 $0x1082  }
0x22: {  	[simem:s7], [sflag:s8] =	dma.local @!p0 [hbm:s6], $0xF7A  }
0x23: {  	s9 =	sor.u32 $0xD0000000, s2;
	s6 =	simm.s32 $0x108;
	_ =	swait.ge @!p0 [sflag:s8], $0x0  }
0x24: {  	s3 =	sadd.s32 $0x88, s3;
	s6 =	simm.s32 @!p1 $0x1082;
	[sflag:s4] =	ssyncset.s32 $0xFFFFF086  }
0x25: {  	[simem:s6], [sflag:s4] =	dma.local [hbm:s3], $0xF7A  }
0x26: {  	[smem:$0x3F9C] =	sst s1;
	(tag) =	ssettag s2;
	_ =	strace s9  }
0x27: {  	s1 =	sld [smem:$0x3FAC]  }
0x28: {  	s2 =	sld [smem:$0x3FAD]  }
0x29: {  	s4 =	sld [smem:$0x3FAF]  }
0x2a: {  	p0 =	seq.s32 s5, $0x0;
	s5 =	sld [smem:$0x3FB0]  }
0x2b: {  	s6 =	sld [smem:$0x3FB1]  }
0x2c: {  	s7 =	sld [smem:$0x3FB2]  }
0x2d: {  	s3 =	simm.s32 $0x108;
	s8 =	sld [smem:$0x3FB3]  }
0x2e: {  	s3 =	simm.s32 @!p0 $0x1082;
	s9 =	sld [smem:$0x3FB4]  }
0x2f: {  	lr =	sadd.s32 s0, s3;
	s0 =	sld [smem:$0x3FAB]  }
0x30: {  	s3 =	sld [smem:$0x3FAE]  }
0x31: {  	[smem:$0x3FB7] =	sst s10  }
0x32: {  	s10 =	sld [smem:$0x3FB5];
	_ =	sdelay $0x3  }
0x33: {  	p0 =	seq.s32 s10, $0x1;
	s10 =	sld [smem:$0x3FB7];
	_ =	sdelay $0x3  }
0x34: {  	[smem:$0x3FB7] =	sst s10  }
0x35: {  	s10 =	sld [smem:$0x3FB6];
	_ =	sdelay $0x3  }
0x36: {  	p1 =	seq.s32 s10, $0x1;
	s10 =	sld [smem:$0x3FB7];
	_ =	sdelay $0x3  }
0x37: {  	[smem:$0x3FB7] =	sst s10  }
0x38: {  	s10 =	sld [smem:$0x3FB8]  }
0x39: {  	_ = 	snop;
	(pc) =	sbr.ind lr, $3  }
0x3a: {  	_ = 	snop  }
0x3b: {  	_ = 	snop  }
0x3c: {  	p2 =	seq.s32 s10, $0x1;
	s10 =	sld [smem:$0x3FB7]  }
0x3d: {  	_ =	shalt  }
0x3e: {  	_ =	shalt  }
0x3f: {  	_ =	shalt  }
0x40: {  	_ =	shalt  }
0x41: {  	_ =	shalt  }
0x42: {  	_ =	shalt  }
0x43: {  	_ =	shalt  }
0x44: {  	_ =	shalt  }
0x45: {  	_ =	shalt  }
0x46: {  	_ =	shalt  }
0x47: {  	_ =	shalt  }
0x48: {  	_ =	shalt  }
0x49: {  	_ =	shalt  }
0x4a: {  	_ =	shalt  }
0x4b: {  	_ =	shalt  }
0x4c: {  	_ =	shalt  }
0x4d: {  	_ =	shalt  }
0x4e: {  	_ =	shalt  }
0x4f: {  	_ =	shalt  }
0x50: {  	_ =	shalt  }
0x51: {  	_ =	shalt  }
0x52: {  	_ =	shalt  }
0x53: {  	_ =	shalt  }
0x54: {  	_ =	shalt  }
0x55: {  	_ =	shalt  }
0x56: {  	_ =	shalt  }
0x57: {  	_ =	shalt  }
0x58: {  	_ =	shalt  }
0x59: {  	_ =	shalt  }
0x5a: {  	_ =	shalt  }
0x5b: {  	_ =	shalt  }
0x5c: {  	_ =	shalt  }
0x5d: {  	_ =	shalt  }
0x5e: {  	_ =	shalt  }
0x5f: {  	_ =	shalt  }
0x60: {  	_ =	shalt  }
0x61: {  	_ =	shalt  }
0x62: {  	_ =	shalt  }
0x63: {  	_ =	shalt  }
0x64: {  	_ =	shalt  }
0x65: {  	_ =	shalt  }
0x66: {  	_ =	shalt  }
0x67: {  	_ =	shalt  }
0x68: {  	_ =	shalt  }
0x69: {  	_ =	shalt  }
0x6a: {  	_ =	shalt  }
0x6b: {  	_ =	shalt  }
0x6c: {  	_ =	shalt  }
0x6d: {  	_ =	shalt  }
0x6e: {  	_ =	shalt  }
0x6f: {  	_ =	shalt  }
0x70: {  	_ =	shalt  }
0x71: {  	_ =	shalt  }
0x72: {  	_ =	shalt  }
0x73: {  	_ =	shalt  }
0x74: {  	_ =	shalt  }
0x75: {  	_ =	shalt  }
0x76: {  	_ =	shalt  }
0x77: {  	_ =	shalt  }
0x78: {  	_ =	shalt  }
0x79: {  	_ =	shalt  }
0x7a: {  	_ =	shalt  }
0x7b: {  	_ =	shalt  }
0x7c: {  	_ =	shalt  }
0x7d: {  	_ =	shalt  }
0x7e: {  	_ =	shalt  }
0x7f: {  	_ =	shalt  }
0x80: {  	_ =	shalt  }
0x81: {  	_ =	shalt  }
0x82: {  	_ =	shalt  }
0x83: {  	_ =	shalt  }
0x84: {  	_ =	shalt  }
0x85: {  	_ =	shalt  }
0x86: {  	_ =	shalt  }
0x87: {  	_ =	shalt  }
.Lfunc_end0:
.L_simem_size_0:
called_computation.2_lowered:
.L_overlay_start_0:
0x88: {  	s2 =	sld [smem:$0x3FD9]  }
0x89: {  	s3 =	sld [smem:$0x3FFE];
	_ =	sdelay $0x1  }
0x8a: {  	s1 =	srdreg.scid  }
0x8b: {  	s0 =	sand.u32 $0x1, s1  }
0x8c: {  	s17 =	sshll.u32 s0, $0xA;
	s2 =	sadd.s32 s3, s2  }
0x8d: {  	s2 =	sadd.s32 s2, s17  }
0x8e: {  	[smem:$0x3FC3] =	sst s2  }
0x8f: {  	_ = 	snop  }
0x90: {  	s18 =	sld [smem:$0x3FC8];
	(tm) =	ssettm $0x1  }
0x91: {  	s19 =	sld [smem:$0x3FFB];
	_ =	sdelay $0x3  }
0x92: {  	_ =	strace s19  }
0x93: {  	s2 =	sld [smem:$0x3FFC];
	_ =	sdelay $0x3  }
0x94: {  	_ =	strace s2  }
0x95: {  	s2 =	sld [smem:$0x3FFD];
	_ =	sdelay $0x3  }
0x96: {  	_ =	strace s2  }
0x97: {  	_ =	strace $0x8FFFFFFF  }
0x98: {  	s20 =	sld [smem:$0x3FDB];
	_ =	sdelay $0x1  }
0x99: {  	s4 =	simm.s32 $_scs_section_size  }
0x9a: {  	s5 =	simm.s32 $_size__tile_overlayer_lowered;
	s6 =	simm.s32 $_tile_overlayer_lowered  }
0x9b: {  	s7 =	simm.s32 $0x1BFF;
	s21 =	sshll.u32 s6, $0x1;
	s4 =	sadd.s32 s4, s20  }
0x9c: {  	s22 =	simm.s32 $0x0;
	s5 =	sshll.u32 s5, $0x1;
	s6 =	sadd.s32 s21, s4  }
0x9d: {  	[timem:s22], [sflag:s7] =	dma.local [hbm:s6], s5  }
0x9e: {  	_ =	swait.ge [sflag:s7], s5  }
0x9f: {  	s5 =	ssub.s32 $0x0, s5;
	[sflag:s7] =	ssyncset.done $0x0  }
0xa0: {  	[sflag:s7] =	ssyncadd.s32 s5;
	_ =	sdelay $0x1  }
0xa1: {  	s23 =	simm.s32 $0x1B8B  }
0xa2: {  	_ =	swait.ge [sflag:s23], $0x1  }
0xa3: {  	[sflag:s23] =	ssyncset.done $0x0  }
0xa4: {  	[sflag:s23] =	ssyncadd.s32 $0xFFFFFFFF  }
0xa5: {  	s5 =	sld [smem:$0x0]  }
0xa6: {  	s6 =	sand.u32 $0xFFFFFFFE, s1  }
0xa7: {  	p0 =	sne.s32 s1, s6  }
0xa8: {  	s6 =	sshll.u32 @p0 s6, $0xE  }
0xa9: {  	s6 =	sadd.s32 @p0 $0x11B8D, s6;
	s7 =	sshll.u32 @p0 s5, $0x11  }
0xaa: {  	s6 =	sor.u32 @p0 s7, s6  }
0xab: {  	[sflag:s6] =	ssyncadd.remote.s32 @p0 $0x1;
	_ =	sdelay $0x1  }
0xac: {  	s6 =	simm.s32 @p0 $0x1B8D  }
0xad: {  	_ =	swait.eq @p0 [sflag:s6], $0x1  }
0xae: {  	[sflag:s6] =	ssyncadd.s32 @p0 $0xFFFFFFFF  }
0xaf: {  	s7 =	sshll.u32 @!p0 s1, $0xE  }
0xb0: {  	s7 =	sor.u32 @!p0 $0x4000, s7;
	s6 =	simm.s32 @!p0 $0x1B8D  }
0xb1: {  	s5 =	sshll.u32 @!p0 s5, $0x11;
	s7 =	sadd.s32 @!p0 $0x11B8D, s7;
	_ =	swait.eq @!p0 [sflag:s6], $0x1  }
0xb2: {  	s5 =	sor.u32 @!p0 s5, s7;
	[sflag:s6] =	ssyncadd.s32 @!p0 $0xFFFFFFFF  }
0xb3: {  	s25 =	simm.s32 $0x1B8E;
	s24 =	sld [smem:$0x3FFE];
	[sflag:s5] =	ssyncadd.remote.s32 @!p0 $0x1  }
0xb4: {  	s26 =	simm.s32 $execute0_lowered;
	[smem:$0x3FD2] =	sst s25  }
0xb5: {  	s6 =	sshll.u32 s26, $0x1;
	_ =	strace $0x8000004C;
	[dreg:$0x1] =	wrdreg $0xFFFFFFFF  }
0xb6: {  	s28 =	simm.s32 $_size_execute0_lowered;
	s4 =	sadd.s32 s4, s6;
	[dreg:$0x0] =	wrdreg $0x0  }
0xb7: {  	s6 =	sshll.u32 s28, $0x1;
	[dreg:$0x2] =	wrdreg s4  }
0xb8: {  	[dreg:$0x3] =	wrdreg s6  }
0xb9: {  	[dreg:$0x4] =	wrdreg $0xC0  }
0xba: {  	_ =	task [dreg:s22], $0x5FFFF  }
0xbb: {  	[dreg:$0x1] =	wrdreg $0xFFFFFFFF  }
0xbc: {  	[dreg:$0x0] =	wrdreg $0x60  }
0xbd: {  	[dreg:$0x2] =	wrdreg s24  }
0xbe: {  	[dreg:$0x3] =	wrdreg s18  }
0xbf: {  	[dreg:$0x4] =	wrdreg $0xB  }
0xc0: {  	_ =	task.clear_ibuf [dreg:s22], $0x5FFFF;
	_ =	strace $0x9000004C  }
0xc1: {  	s29 =	simm.s32 $0xB;
	_ =	strace $0x8000004E  }
0xc2: {  	_ =	swait.ge [sflag:s29], $0x1  }
0xc3: {  	[sflag:s29] =	ssyncadd.s32 $0xFFFFFFFF  }
0xc4: {  	_ =	strace $0x9000004E  }
0xc5: {  	_ =	sfence  }
0xc6: {  	s30 =	sld [smem:$0x0];
	_ =	sdelay $0x2  }
0xc7: {  	s31 =	sshll.u32 s1, $0xD;
	s1 =	sshrl.u32 s1, $0x2  }
0xc8: {  	s4 =	sand.u32 $0x4000, s31;
	s1 =	sadd.s32 s1, s30  }
0xc9: {  	s0 =	sor.u32 s4, s0;
	s1 =	sshll.u32 s1, $0x11  }
0xca: {  	s0 =	sor.u32 s1, s0  }
0xcb: {  	s0 =	sadd.s32 $0x8F2B, s0  }
0xcc: {  	[sflag:s0] =	ssyncadd.remote.s32 $0x1  }
0xcd: {  	_ =	sfence.sel $0xFFFF  }
0xce: {  	[dreg:$0x0] =	wrdreg $0xFFFFFFFF;
	(pc) =	sbr.abs _section_cstart, $3  }
0xcf: {  	[dreg:$0x1] =	wrdreg $0xFFFFFFFF  }
0xd0: {  	_ =	task.clear_ibuf [dreg:s22], $0x2FFFF;
	_ =	strace $0x9FFFFFFF  }
0xd1: {  	(tm) =	ssettm $0x7FFFFFFF  }
tec
execute0_lowered:
.L_overlay_start_1:
0x0: {  	(tag) =	ssettag $0x1  }
0x1: {  	s0 =	rddreg [dreg:$0x0];
	s1 =	srdreg.scid  }
0x2: {  	s6 =	stileid.u32;
	s2 =	rddreg [dreg:$0x1]  }
0x3: {  	s13 =	simm.s32 $0x680;
	s12 =	simm.s32 $0x1;
	s14 =	simm.s32 $0xC680  }
0x4: {  	s28 =	simm.s32 $0x12E80;
	s29 =	simm.s32 $0x13680;
	s15 =	simm.s32 $0x13E80  }
0x5: {  	s30 =	simm.s32 $0x14680;
	s16 =	simm.s32 $0x14E80;
	s31 =	simm.s32 $0x15680  }
0x6: {  	s17 =	simm.s32 $0x15E80;
	s18 =	simm.s32 $0x16E80;
	s19 =	simm.s32 $0x17E80  }
0x7: {  	s20 =	simm.s32 $0x3;
	s1 =	sand.u32 $0x1, s1;
	s3 =	sshll.u32 s6, $0x1  }
0x8: {  	s10 =	simm.s32 $0x0;
	s6 =	sshrl.u32 s6, $0x3;
	s4 =	sor.u32 s1, s3  }
0x9: {  	s3 =	simm.s32 $0x0;
	s1 =	ssub.s32 $0x2, s1;
	s6 =	smul.u32 $0x12C0000, s6  }
0xa: {  	s5 =	smul.u32 $0xC8, s4;
	s4 =	sand.u32 $0xF, s4;
	[smem:$0x7FF] =	sst s3  }
0xb: {  	s21 =	sshrl.u32 s1, $0x1;
	s7 =	smul.u32 $0xC000, s4;
	_ =	strace $0x8000004D  }
0xc: {  	s4 =	sadd.s32 $0x968C00, s0;
	s5 =	sadd.s32 s5, s0;
	s0 =	ssub.s32 s1, s21  }
0xd: {  	s1 =	simm.s32 $0x16680;
	s22 =	sadd.s32 $0x2000, s5;
	s23 =	sadd.s32 s6, s7  }
0xe: {  	s6 =	sadd.s32 $0x100, s2;
	s7 =	sadd.s32 $0x200, s2;
	s0 =	smax.u32 s0, $0x1  }
0xf: {  	[dreg:$0x3] =	wrdreg s22;
	s24 =	sshrl.u32 s23, $0x3;
	s8 =	sadd.s32 $0xC0000, s23  }
.Ltmp0:
0x10: {  	[dreg:$0x5] =	wrdreg s0;
	s26 =	sadd.s32 $0x180000, s23;
	(pc) =	sbr.rel .LBB2_1-.Ltmp0, $4  }
0x11: {  	s23 =	simm.s32 $0x10E80;
	s0 =	simm.s32 $0x17680;
	s5 =	sadd.s32 s4, s24  }
0x12: {  	v2 =	vlaneseq.u32;
	s25 =	sshrl.u32 s8, $0x3;
	[dreg:$0x6] =	wrdreg s26;
	s24 =	simm.s32 $0x11680  }
0x13: {  	vm0 =	vmmov $0xffff;
	v1 =	vshrl.u32 v2, $0x3;
	s26 =	simm.s32 $0x12680;
	s8 =	simm.s32 $0x4;
	[dreg:$0x4] =	wrdreg s5  }
0x14: {  	v0 =	vand.u32 $0x7, v2;
	v2 =	vor.u32 $0x8, v2;
	v1 =	vmul.u32 $0x8, v1;
	s11 =	sadd.s32 s25, s4;
	s25 =	simm.s32 $0x11E80;
	s5 =	simm.s32 $0x2  }
.LBB2_4:
0x15: {  	_ =	swait.ge [sflag:s20], $0xC000  }
0x16: {  	s10 =	rddreg [dreg:$0x7]  }
0x17: {  	s9 =	rddreg [dreg:$0x5];
	s10 =	sadd.s32 $0x1, s10  }
0x18: {  	p0 =	sne.s32 s10, s9  }
.Ltmp1:
0x19: {  	_ = 	snop;
	(pc) =	sbr.rel @!p0 .LBB2_5-.Ltmp1, $3  }
0x1a: {  	_ =	sdelay $0x1  }
0x1b: {  	[sflag:s20] =	ssyncset.done $0x0  }
0x1c: {  	[sflag:s20] =	ssyncadd.s32 $0xFFFF4000  }
.LBB2_1:
0x1d: {  	[dreg:$0x7] =	wrdreg s10  }
0x1e: {  	s9 =	rddreg [dreg:$0x3];
	s10 =	simm.s32 $0x5  }
0x1f: {  	[tilespmem:s3], [sflag:$0x5] =	stream.linear.gather [hbm4b:s9+s3], $0x640, $0x38;
	[tilespmem:$0x18680] =	vst v63  }
0x20: {  	_ =	swait.ge [sflag:s10], $0x640  }
0x21: {  	[sflag:s10] =	ssyncset.done $0x0  }
0x22: {  	[sflag:s10] =	ssyncadd.s32 $0xFFFFF9C0  }
0x23: {  	v3 =	vld [tilespmem:$0x0];
	_ =	sdelay $0x4  }
0x24: {  	v4 =	vshrl.u32 v3, $0x3  }
0x25: {  	v4 =	vmul.u32 $0x30, v4  }
0x26: {  	v3 =	vand.u32 $0x7, v3  }
0x27: {  	v3 =	vor.u32 v3, v4  }
0x28: {  	v4 =	vperm.xlane v3, v0;
	_ =	sdelay $0x1  }
0x29: {  	v4 =	vadd.s32 v1, v4;
	_ =	sdelay $0x3  }
0x2a: {  	v3 =	vperm.xlane v3, v2  }
0x2b: {  	[tilespmem:s13], [sflag:$0x1] =	stream.indirect_vreg.gather [hbm4b:s2+s3], $0x80, v4, vm0, $0xb8;
	[tilespmem:$0x18680] =	vst v63  }
0x2c: {  	s21 =	simm.s32 $0xE80;
	v3 =	vadd.s32 v1, v3  }
0x2d: {  	[tilespmem:s21], [sflag:$0x1] =	stream.indirect_vreg.gather [hbm4b:s6+s3], $0x80, v4, vm0, $0xb8;
	[tilespmem:$0x18680] =	vst v63  }
0x2e: {  	s22 =	simm.s32 $0x1680  }
0x2f: {  	[tilespmem:s22], [sflag:$0x1] =	stream.indirect_vreg.gather [hbm4b:s7+s3], $0x80, v4, vm0, $0xb8;
	[tilespmem:$0x18680] =	vst v63  }
0x30: {  	s10 =	simm.s32 $0x1E80  }
0x31: {  	[tilespmem:s10], [sflag:$0x1] =	stream.indirect_vreg.gather [hbm4b:s2+s3], $0x80, v3, vm0, $0xb8;
	[tilespmem:$0x18680] =	vst v63  }
0x32: {  	s21 =	simm.s32 $0x2680  }
0x33: {  	[tilespmem:s21], [sflag:$0x1] =	stream.indirect_vreg.gather [hbm4b:s6+s3], $0x80, v3, vm0, $0xb8;
	[tilespmem:$0x18680] =	vst v63  }
0x34: {  	s22 =	simm.s32 $0x2E80  }
0x35: {  	[tilespmem:s22], [sflag:$0x1] =	stream.indirect_vreg.gather [hbm4b:s7+s3], $0x80, v3, vm0, $0xb8;
	[tilespmem:$0x18680] =	vst v63  }
0x36: {  	v3 =	vld [tilespmem:$0x10];
	_ =	sdelay $0x4  }
0x37: {  	v57 =	vshrl.u32 v3, $0x3  }
0x38: {  	v4 =	vmul.u32 $0x30, v57  }
0x39: {  	v3 =	vand.u32 $0x7, v3  }
0x3a: {  	v3 =	vor.u32 v3, v4  }
0x3b: {  	v4 =	vperm.xlane v3, v0;
	_ =	sdelay $0x1  }
0x3c: {  	v4 =	vadd.s32 v1, v4;
	_ =	sdelay $0x3  }
0x3d: {  	s10 =	simm.s32 $0x3680;
	v3 =	vperm.xlane v3, v2  }
0x3e: {  	[tilespmem:s10], [sflag:$0x1] =	stream.indirect_vreg.gather [hbm4b:s2+s3], $0x80, v4, vm0, $0xb8;
	[tilespmem:$0x18680] =	vst v63  }
0x3f: {  	s21 =	simm.s32 $0x3E80;
	v3 =	vadd.s32 v1, v3  }
0x40: {  	[tilespmem:s21], [sflag:$0x1] =	stream.indirect_vreg.gather [hbm4b:s6+s3], $0x80, v4, vm0, $0xb8;
	[tilespmem:$0x18680] =	vst v63  }
0x41: {  	s22 =	simm.s32 $0x4680  }
0x42: {  	[tilespmem:s22], [sflag:$0x1] =	stream.indirect_vreg.gather [hbm4b:s7+s3], $0x80, v4, vm0, $0xb8;
	[tilespmem:$0x18680] =	vst v63  }
0x43: {  	s10 =	simm.s32 $0x4E80  }
0x44: {  	[tilespmem:s10], [sflag:$0x1] =	stream.indirect_vreg.gather [hbm4b:s2+s3], $0x80, v3, vm0, $0xb8;
	[tilespmem:$0x18680] =	vst v63  }
0x45: {  	s21 =	simm.s32 $0x5680  }
0x46: {  	[tilespmem:s21], [sflag:$0x1] =	stream.indirect_vreg.gather [hbm4b:s6+s3], $0x80, v3, vm0, $0xb8;
	[tilespmem:$0x18680] =	vst v63  }
0x47: {  	s22 =	simm.s32 $0x5E80  }
0x48: {  	[tilespmem:s22], [sflag:$0x1] =	stream.indirect_vreg.gather [hbm4b:s7+s3], $0x80, v3, vm0, $0xb8;
	[tilespmem:$0x18680] =	vst v63  }
0x49: {  	v3 =	vld [tilespmem:$0x20];
	_ =	sdelay $0x4  }
0x4a: {  	v58 =	vshrl.u32 v3, $0x3  }
0x4b: {  	v4 =	vmul.u32 $0x30, v58  }
0x4c: {  	v3 =	vand.u32 $0x7, v3  }
0x4d: {  	v3 =	vor.u32 v3, v4  }
0x4e: {  	v4 =	vperm.xlane v3, v0;
	_ =	sdelay $0x1  }
0x4f: {  	v4 =	vadd.s32 v1, v4;
	_ =	sdelay $0x3  }
0x50: {  	s10 =	simm.s32 $0x6680;
	v3 =	vperm.xlane v3, v2  }
0x51: {  	[tilespmem:s10], [sflag:$0x1] =	stream.indirect_vreg.gather [hbm4b:s2+s3], $0x80, v4, vm0, $0xb8;
	[tilespmem:$0x18680] =	vst v63  }
0x52: {  	s21 =	simm.s32 $0x6E80;
	v3 =	vadd.s32 v1, v3  }
0x53: {  	[tilespmem:s21], [sflag:$0x1] =	stream.indirect_vreg.gather [hbm4b:s6+s3], $0x80, v4, vm0, $0xb8;
	[tilespmem:$0x18680] =	vst v63  }
0x54: {  	s22 =	simm.s32 $0x7680  }
0x55: {  	[tilespmem:s22], [sflag:$0x1] =	stream.indirect_vreg.gather [hbm4b:s7+s3], $0x80, v4, vm0, $0xb8;
	[tilespmem:$0x18680] =	vst v63  }
0x56: {  	s10 =	simm.s32 $0x7E80  }
0x57: {  	[tilespmem:s10], [sflag:$0x1] =	stream.indirect_vreg.gather [hbm4b:s2+s3], $0x80, v3, vm0, $0xb8;
	[tilespmem:$0x18680] =	vst v63  }
0x58: {  	s21 =	simm.s32 $0x8680  }
0x59: {  	[tilespmem:s21], [sflag:$0x1] =	stream.indirect_vreg.gather [hbm4b:s6+s3], $0x80, v3, vm0, $0xb8;
	[tilespmem:$0x18680] =	vst v63  }
0x5a: {  	s22 =	simm.s32 $0x8E80  }
0x5b: {  	[tilespmem:s22], [sflag:$0x1] =	stream.indirect_vreg.gather [hbm4b:s7+s3], $0x80, v3, vm0, $0xb8;
	[tilespmem:$0x18680] =	vst v63  }
0x5c: {  	v3 =	vld [tilespmem:$0x30];
	_ =	sdelay $0x4  }
0x5d: {  	v59 =	vshrl.u32 v3, $0x3  }
0x5e: {  	v4 =	vmul.u32 $0x30, v59  }
0x5f: {  	v3 =	vand.u32 $0x7, v3  }
0x60: {  	v3 =	vor.u32 v3, v4  }
0x61: {  	v4 =	vperm.xlane v3, v0;
	_ =	sdelay $0x1  }
0x62: {  	v4 =	vadd.s32 v1, v4;
	_ =	sdelay $0x3  }
0x63: {  	s10 =	simm.s32 $0x9680;
	v3 =	vperm.xlane v3, v2  }
0x64: {  	[tilespmem:s10], [sflag:$0x1] =	stream.indirect_vreg.gather [hbm4b:s2+s3], $0x80, v4, vm0, $0xb8;
	[tilespmem:$0x18680] =	vst v63  }
0x65: {  	s21 =	simm.s32 $0x9E80;
	v3 =	vadd.s32 v1, v3  }
0x66: {  	[tilespmem:s21], [sflag:$0x1] =	stream.indirect_vreg.gather [hbm4b:s6+s3], $0x80, v4, vm0, $0xb8;
	[tilespmem:$0x18680] =	vst v63  }
0x67: {  	s22 =	simm.s32 $0xA680  }
0x68: {  	[tilespmem:s22], [sflag:$0x1] =	stream.indirect_vreg.gather [hbm4b:s7+s3], $0x80, v4, vm0, $0xb8;
	[tilespmem:$0x18680] =	vst v63  }
0x69: {  	s10 =	simm.s32 $0xAE80  }
0x6a: {  	[tilespmem:s10], [sflag:$0x1] =	stream.indirect_vreg.gather [hbm4b:s2+s3], $0x80, v3, vm0, $0xb8;
	[tilespmem:$0x18680] =	vst v63  }
0x6b: {  	s21 =	simm.s32 $0xB680  }
0x6c: {  	[tilespmem:s21], [sflag:$0x1] =	stream.indirect_vreg.gather [hbm4b:s6+s3], $0x80, v3, vm0, $0xb8;
	[tilespmem:$0x18680] =	vst v63  }
0x6d: {  	s22 =	simm.s32 $0xBE80  }
0x6e: {  	[tilespmem:s22], [sflag:$0x1] =	stream.indirect_vreg.gather [hbm4b:s7+s3], $0x80, v3, vm0, $0xb8;
	[tilespmem:$0x18680] =	vst v63  }
0x6f: {  	_ =	swait.ge [sflag:s12], $0xC000  }
0x70: {  	[sflag:s12] =	ssyncset.done $0x0  }
0x71: {  	s10 =	rddreg [dreg:$0x4];
	[sflag:s12] =	ssyncadd.s32 $0xFFFF4000  }
0x72: {  	[hbm4b:s10+s3] =	stream.linear.scatter [tilespmem:s13], [sflag:$0x3], $0xC000, $0x38;
	[tilespmem:$0x18680] =	vst v63  }
0x73: {  	v3 =	vld [tilespmem:$0x40];
	_ =	sdelay $0x4  }
0x74: {  	v60 =	vshrl.u32 v3, $0x3  }
0x75: {  	v4 =	vmul.u32 $0x30, v60  }
0x76: {  	v3 =	vand.u32 $0x7, v3  }
0x77: {  	v3 =	vor.u32 v3, v4  }
0x78: {  	v4 =	vperm.xlane v3, v0;
	_ =	sdelay $0x1  }
0x79: {  	v4 =	vadd.s32 v1, v4;
	_ =	sdelay $0x3  }
0x7a: {  	v3 =	vperm.xlane v3, v2  }
0x7b: {  	[tilespmem:s14], [sflag:$0x2] =	stream.indirect_vreg.gather [hbm4b:s2+s3], $0x80, v4, vm0, $0xb8;
	[tilespmem:$0x18680] =	vst v63  }
0x7c: {  	s21 =	simm.s32 $0xCE80;
	v3 =	vadd.s32 v1, v3  }
0x7d: {  	[tilespmem:s21], [sflag:$0x2] =	stream.indirect_vreg.gather [hbm4b:s6+s3], $0x80, v4, vm0, $0xb8;
	[tilespmem:$0x18680] =	vst v63  }
0x7e: {  	s22 =	simm.s32 $0xD680  }
0x7f: {  	[tilespmem:s22], [sflag:$0x2] =	stream.indirect_vreg.gather [hbm4b:s7+s3], $0x80, v4, vm0, $0xb8;
	[tilespmem:$0x18680] =	vst v63  }
0x80: {  	s10 =	simm.s32 $0xDE80  }
0x81: {  	[tilespmem:s10], [sflag:$0x2] =	stream.indirect_vreg.gather [hbm4b:s2+s3], $0x80, v3, vm0, $0xb8;
	[tilespmem:$0x18680] =	vst v63  }
0x82: {  	s21 =	simm.s32 $0xE680  }
0x83: {  	[tilespmem:s21], [sflag:$0x2] =	stream.indirect_vreg.gather [hbm4b:s6+s3], $0x80, v3, vm0, $0xb8;
	[tilespmem:$0x18680] =	vst v63  }
0x84: {  	s22 =	simm.s32 $0xEE80  }
0x85: {  	[tilespmem:s22], [sflag:$0x2] =	stream.indirect_vreg.gather [hbm4b:s7+s3], $0x80, v3, vm0, $0xb8;
	[tilespmem:$0x18680] =	vst v63  }
0x86: {  	v3 =	vld [tilespmem:$0x50];
	_ =	sdelay $0x4  }
0x87: {  	v61 =	vshrl.u32 v3, $0x3  }
0x88: {  	v4 =	vmul.u32 $0x30, v61  }
0x89: {  	v3 =	vand.u32 $0x7, v3  }
0x8a: {  	v3 =	vor.u32 v3, v4  }
0x8b: {  	v4 =	vperm.xlane v3, v0;
	_ =	sdelay $0x1  }
0x8c: {  	v4 =	vadd.s32 v1, v4;
	_ =	sdelay $0x3  }
0x8d: {  	s10 =	simm.s32 $0xF680;
	v3 =	vperm.xlane v3, v2  }
0x8e: {  	[tilespmem:s10], [sflag:$0x2] =	stream.indirect_vreg.gather [hbm4b:s2+s3], $0x80, v4, vm0, $0xb8;
	[tilespmem:$0x18680] =	vst v63  }
0x8f: {  	s21 =	simm.s32 $0xFE80;
	v3 =	vadd.s32 v1, v3  }
0x90: {  	[tilespmem:s21], [sflag:$0x2] =	stream.indirect_vreg.gather [hbm4b:s6+s3], $0x80, v4, vm0, $0xb8;
	[tilespmem:$0x18680] =	vst v63  }
0x91: {  	s22 =	simm.s32 $0x10680  }
0x92: {  	[tilespmem:s22], [sflag:$0x2] =	stream.indirect_vreg.gather [hbm4b:s7+s3], $0x80, v4, vm0, $0xb8;
	[tilespmem:$0x18680] =	vst v63  }
0x93: {  	_ = 	snop  }
0x94: {  	[tilespmem:s23], [sflag:$0x2] =	stream.indirect_vreg.gather [hbm4b:s2+s3], $0x80, v3, vm0, $0xb8;
	[tilespmem:$0x18680] =	vst v63  }
0x95: {  	_ = 	snop  }
0x96: {  	[tilespmem:s24], [sflag:$0x2] =	stream.indirect_vreg.gather [hbm4b:s6+s3], $0x80, v3, vm0, $0xb8;
	[tilespmem:$0x18680] =	vst v63  }
0x97: {  	_ = 	snop  }
0x98: {  	[tilespmem:s25], [sflag:$0x2] =	stream.indirect_vreg.gather [hbm4b:s7+s3], $0x80, v3, vm0, $0xb8;
	[tilespmem:$0x18680] =	vst v63  }
0x99: {  	v3 =	vld [tilespmem:$0x60];
	_ =	sdelay $0x4  }
0x9a: {  	v62 =	vshrl.u32 v3, $0x3  }
0x9b: {  	v4 =	vmul.u32 $0x30, v62  }
0x9c: {  	v3 =	vand.u32 $0x7, v3  }
0x9d: {  	v3 =	vor.u32 v3, v4  }
0x9e: {  	v4 =	vperm.xlane v3, v0;
	_ =	sdelay $0x1  }
0x9f: {  	v4 =	vadd.s32 v1, v4;
	_ =	sdelay $0x3  }
0xa0: {  	v3 =	vperm.xlane v3, v2  }
0xa1: {  	[tilespmem:s26], [sflag:$0x2] =	stream.indirect_vreg.gather [hbm4b:s2+s3], $0x80, v4, vm0, $0xb8;
	[tilespmem:$0x18680] =	vst v63  }
0xa2: {  	v3 =	vadd.s32 v1, v3  }
0xa3: {  	[tilespmem:s28], [sflag:$0x2] =	stream.indirect_vreg.gather [hbm4b:s6+s3], $0x80, v4, vm0, $0xb8;
	[tilespmem:$0x18680] =	vst v63  }
0xa4: {  	_ = 	snop  }
0xa5: {  	[tilespmem:s29], [sflag:$0x2] =	stream.indirect_vreg.gather [hbm4b:s7+s3], $0x80, v4, vm0, $0xb8;
	[tilespmem:$0x18680] =	vst v63  }
0xa6: {  	_ = 	snop  }
0xa7: {  	[tilespmem:s15], [sflag:$0x2] =	stream.indirect_vreg.gather [hbm4b:s2+s3], $0x80, v3, vm0, $0xb8;
	[tilespmem:$0x18680] =	vst v63  }
0xa8: {  	_ = 	snop  }
0xa9: {  	[tilespmem:s30], [sflag:$0x2] =	stream.indirect_vreg.gather [hbm4b:s6+s3], $0x80, v3, vm0, $0xb8;
	[tilespmem:$0x18680] =	vst v63  }
0xaa: {  	_ = 	snop  }
0xab: {  	[tilespmem:s16], [sflag:$0x2] =	stream.indirect_vreg.gather [hbm4b:s7+s3], $0x80, v3, vm0, $0xb8;
	[tilespmem:$0x18680] =	vst v63  }
0xac: {  	v3 =	vld [tilespmem:$0x70];
	_ =	sdelay $0x4  }
0xad: {  	v63 =	vshrl.u32 v3, $0x3  }
0xae: {  	v4 =	vmul.u32 $0x30, v63  }
0xaf: {  	v3 =	vand.u32 $0x7, v3  }
0xb0: {  	v3 =	vor.u32 v3, v4  }
0xb1: {  	v4 =	vperm.xlane v3, v0;
	_ =	sdelay $0x1  }
0xb2: {  	v4 =	vadd.s32 v1, v4;
	_ =	sdelay $0x3  }
0xb3: {  	v3 =	vperm.xlane v3, v2  }
0xb4: {  	[tilespmem:s31], [sflag:$0x2] =	stream.indirect_vreg.gather [hbm4b:s2+s3], $0x80, v4, vm0, $0xb8;
	[tilespmem:$0x18680] =	vst v63  }
0xb5: {  	v3 =	vadd.s32 v1, v3  }
0xb6: {  	[tilespmem:s17], [sflag:$0x2] =	stream.indirect_vreg.gather [hbm4b:s6+s3], $0x80, v4, vm0, $0xb8;
	[tilespmem:$0x18680] =	vst v63  }
0xb7: {  	_ = 	snop  }
0xb8: {  	[tilespmem:s1], [sflag:$0x2] =	stream.indirect_vreg.gather [hbm4b:s7+s3], $0x80, v4, vm0, $0xb8;
	[tilespmem:$0x18680] =	vst v63  }
0xb9: {  	_ = 	snop  }
0xba: {  	[tilespmem:s18], [sflag:$0x2] =	stream.indirect_vreg.gather [hbm4b:s2+s3], $0x80, v3, vm0, $0xb8;
	[tilespmem:$0x18680] =	vst v63  }
0xbb: {  	_ = 	snop  }
0xbc: {  	[tilespmem:s0], [sflag:$0x2] =	stream.indirect_vreg.gather [hbm4b:s6+s3], $0x80, v3, vm0, $0xb8;
	[tilespmem:$0x18680] =	vst v63  }
0xbd: {  	s9 =	rddreg [dreg:$0x6];
	s21 =	simm.s32 $0xF0;
	s22 =	simm.s32 $0x0  }
0xbe: {  	[tilespmem:s19], [sflag:$0x2] =	stream.indirect_vreg.gather [hbm4b:s7+s3], $0x80, v3, vm0, $0xb8;
	[tilespmem:$0x18680] =	vst v63  }
.LBB2_2:
0xbf: {  	_ =	swait.ge [sflag:s5], $0xC000  }
0xc0: {  	[sflag:s5] =	ssyncset.done $0x0  }
0xc1: {  	s10 =	sadd.s32 s22, s11;
	[sflag:s5] =	ssyncadd.s32 $0xFFFF4000  }
0xc2: {  	[hbm4b:s10+s3] =	stream.linear.scatter [tilespmem:s14], [sflag:$0x4], $0xC000, $0x38;
	[tilespmem:$0x18680] =	vst v63  }
0xc3: {  	_ =	swait.ge [sflag:s20], $0xC000  }
0xc4: {  	[sflag:s20] =	ssyncset.done $0x0  }
0xc5: {  	[sflag:s20] =	ssyncadd.s32 $0xFFFF4000  }
0xc6: {  	v3 =	vld [tilespmem:s21+$0xFFFFFF90];
	_ =	sdelay $0x4  }
0xc7: {  	v4 =	vshrl.u32 v3, $0x3  }
0xc8: {  	v4 =	vmul.u32 $0x30, v4  }
0xc9: {  	v3 =	vand.u32 $0x7, v3  }
0xca: {  	v3 =	vor.u32 v3, v4  }
0xcb: {  	v4 =	vperm.xlane v3, v0;
	_ =	sdelay $0x1  }
0xcc: {  	v4 =	vadd.s32 v1, v4;
	_ =	sdelay $0x3  }
0xcd: {  	v3 =	vperm.xlane v3, v2  }
0xce: {  	[tilespmem:s13], [sflag:$0x1] =	stream.indirect_vreg.gather [hbm4b:s2+s3], $0x80, v4, vm0, $0xb8;
	[tilespmem:$0x18680] =	vst v63  }
0xcf: {  	s10 =	simm.s32 $0xE80;
	v3 =	vadd.s32 v1, v3  }
0xd0: {  	[tilespmem:s10], [sflag:$0x1] =	stream.indirect_vreg.gather [hbm4b:s6+s3], $0x80, v4, vm0, $0xb8;
	[tilespmem:$0x18680] =	vst v63  }
0xd1: {  	s10 =	simm.s32 $0x1680  }
0xd2: {  	[tilespmem:s10], [sflag:$0x1] =	stream.indirect_vreg.gather [hbm4b:s7+s3], $0x80, v4, vm0, $0xb8;
	[tilespmem:$0x18680] =	vst v63  }
0xd3: {  	s10 =	simm.s32 $0x1E80  }
0xd4: {  	[tilespmem:s10], [sflag:$0x1] =	stream.indirect_vreg.gather [hbm4b:s2+s3], $0x80, v3, vm0, $0xb8;
	[tilespmem:$0x18680] =	vst v63  }
0xd5: {  	s10 =	simm.s32 $0x2680  }
0xd6: {  	[tilespmem:s10], [sflag:$0x1] =	stream.indirect_vreg.gather [hbm4b:s6+s3], $0x80, v3, vm0, $0xb8;
	[tilespmem:$0x18680] =	vst v63  }
0xd7: {  	s10 =	simm.s32 $0x2E80  }
0xd8: {  	[tilespmem:s10], [sflag:$0x1] =	stream.indirect_vreg.gather [hbm4b:s7+s3], $0x80, v3, vm0, $0xb8;
	[tilespmem:$0x18680] =	vst v63  }
0xd9: {  	v3 =	vld [tilespmem:s21+$0xFFFFFFA0];
	_ =	sdelay $0x4  }
0xda: {  	v61 =	vshrl.u32 v3, $0x3  }
0xdb: {  	v4 =	vmul.u32 $0x30, v61  }
0xdc: {  	v3 =	vand.u32 $0x7, v3  }
0xdd: {  	v3 =	vor.u32 v3, v4  }
0xde: {  	v4 =	vperm.xlane v3, v0;
	_ =	sdelay $0x1  }
0xdf: {  	v4 =	vadd.s32 v1, v4;
	_ =	sdelay $0x3  }
0xe0: {  	s10 =	simm.s32 $0x3680;
	v3 =	vperm.xlane v3, v2  }
0xe1: {  	[tilespmem:s10], [sflag:$0x1] =	stream.indirect_vreg.gather [hbm4b:s2+s3], $0x80, v4, vm0, $0xb8;
	[tilespmem:$0x18680] =	vst v63  }
0xe2: {  	v3 =	vadd.s32 v1, v3;
	s10 =	simm.s32 $0x3E80  }
0xe3: {  	[tilespmem:s10], [sflag:$0x1] =	stream.indirect_vreg.gather [hbm4b:s6+s3], $0x80, v4, vm0, $0xb8;
	[tilespmem:$0x18680] =	vst v63  }
0xe4: {  	s10 =	simm.s32 $0x4680  }
0xe5: {  	[tilespmem:s10], [sflag:$0x1] =	stream.indirect_vreg.gather [hbm4b:s7+s3], $0x80, v4, vm0, $0xb8;
	[tilespmem:$0x18680] =	vst v63  }
0xe6: {  	s10 =	simm.s32 $0x4E80  }
0xe7: {  	[tilespmem:s10], [sflag:$0x1] =	stream.indirect_vreg.gather [hbm4b:s2+s3], $0x80, v3, vm0, $0xb8;
	[tilespmem:$0x18680] =	vst v63  }
0xe8: {  	s10 =	simm.s32 $0x5680  }
0xe9: {  	[tilespmem:s10], [sflag:$0x1] =	stream.indirect_vreg.gather [hbm4b:s6+s3], $0x80, v3, vm0, $0xb8;
	[tilespmem:$0x18680] =	vst v63  }
0xea: {  	s10 =	simm.s32 $0x5E80  }
0xeb: {  	[tilespmem:s10], [sflag:$0x1] =	stream.indirect_vreg.gather [hbm4b:s7+s3], $0x80, v3, vm0, $0xb8;
	[tilespmem:$0x18680] =	vst v63  }
0xec: {  	v3 =	vld [tilespmem:s21+$0xFFFFFFB0];
	_ =	sdelay $0x4  }
0xed: {  	v62 =	vshrl.u32 v3, $0x3  }
0xee: {  	v4 =	vmul.u32 $0x30, v62  }
0xef: {  	v3 =	vand.u32 $0x7, v3  }
0xf0: {  	v3 =	vor.u32 v3, v4  }
0xf1: {  	v4 =	vperm.xlane v3, v0;
	_ =	sdelay $0x1  }
0xf2: {  	v4 =	vadd.s32 v1, v4;
	_ =	sdelay $0x3  }
0xf3: {  	s10 =	simm.s32 $0x6680;
	v3 =	vperm.xlane v3, v2  }
0xf4: {  	[tilespmem:s10], [sflag:$0x1] =	stream.indirect_vreg.gather [hbm4b:s2+s3], $0x80, v4, vm0, $0xb8;
	[tilespmem:$0x18680] =	vst v63  }
0xf5: {  	v3 =	vadd.s32 v1, v3;
	s10 =	simm.s32 $0x6E80  }
0xf6: {  	[tilespmem:s10], [sflag:$0x1] =	stream.indirect_vreg.gather [hbm4b:s6+s3], $0x80, v4, vm0, $0xb8;
	[tilespmem:$0x18680] =	vst v63  }
0xf7: {  	s10 =	simm.s32 $0x7680  }
0xf8: {  	[tilespmem:s10], [sflag:$0x1] =	stream.indirect_vreg.gather [hbm4b:s7+s3], $0x80, v4, vm0, $0xb8;
	[tilespmem:$0x18680] =	vst v63  }
0xf9: {  	s10 =	simm.s32 $0x7E80  }
0xfa: {  	[tilespmem:s10], [sflag:$0x1] =	stream.indirect_vreg.gather [hbm4b:s2+s3], $0x80, v3, vm0, $0xb8;
	[tilespmem:$0x18680] =	vst v63  }
0xfb: {  	s10 =	simm.s32 $0x8680  }
0xfc: {  	[tilespmem:s10], [sflag:$0x1] =	stream.indirect_vreg.gather [hbm4b:s6+s3], $0x80, v3, vm0, $0xb8;
	[tilespmem:$0x18680] =	vst v63  }
0xfd: {  	s10 =	simm.s32 $0x8E80  }
0xfe: {  	[tilespmem:s10], [sflag:$0x1] =	stream.indirect_vreg.gather [hbm4b:s7+s3], $0x80, v3, vm0, $0xb8;
	[tilespmem:$0x18680] =	vst v63  }
0xff: {  	v3 =	vld [tilespmem:s21+$0xFFFFFFC0];
	_ =	sdelay $0x4  }
0x100: {  	v63 =	vshrl.u32 v3, $0x3  }
0x101: {  	v4 =	vmul.u32 $0x30, v63  }
0x102: {  	v3 =	vand.u32 $0x7, v3  }
0x103: {  	v3 =	vor.u32 v3, v4  }
0x104: {  	v4 =	vperm.xlane v3, v0;
	_ =	sdelay $0x1  }
0x105: {  	v4 =	vadd.s32 v1, v4;
	_ =	sdelay $0x3  }
0x106: {  	s10 =	simm.s32 $0x9680;
	v3 =	vperm.xlane v3, v2  }
0x107: {  	[tilespmem:s10], [sflag:$0x1] =	stream.indirect_vreg.gather [hbm4b:s2+s3], $0x80, v4, vm0, $0xb8;
	[tilespmem:$0x18680] =	vst v63  }
0x108: {  	v3 =	vadd.s32 v1, v3;
	s10 =	simm.s32 $0x9E80  }
0x109: {  	[tilespmem:s10], [sflag:$0x1] =	stream.indirect_vreg.gather [hbm4b:s6+s3], $0x80, v4, vm0, $0xb8;
	[tilespmem:$0x18680] =	vst v63  }
0x10a: {  	s10 =	simm.s32 $0xA680  }
0x10b: {  	[tilespmem:s10], [sflag:$0x1] =	stream.indirect_vreg.gather [hbm4b:s7+s3], $0x80, v4, vm0, $0xb8;
	[tilespmem:$0x18680] =	vst v63  }
0x10c: {  	s10 =	simm.s32 $0xAE80  }
0x10d: {  	[tilespmem:s10], [sflag:$0x1] =	stream.indirect_vreg.gather [hbm4b:s2+s3], $0x80, v3, vm0, $0xb8;
	[tilespmem:$0x18680] =	vst v63  }
0x10e: {  	s10 =	simm.s32 $0xB680  }
0x10f: {  	[tilespmem:s10], [sflag:$0x1] =	stream.indirect_vreg.gather [hbm4b:s6+s3], $0x80, v3, vm0, $0xb8;
	[tilespmem:$0x18680] =	vst v63  }
0x110: {  	s10 =	simm.s32 $0xBE80  }
0x111: {  	[tilespmem:s10], [sflag:$0x1] =	stream.indirect_vreg.gather [hbm4b:s7+s3], $0x80, v3, vm0, $0xb8;
	[tilespmem:$0x18680] =	vst v63  }
0x112: {  	_ =	swait.ge [sflag:s12], $0xC000  }
0x113: {  	p0 =	seq.s32 s22, $0x210000;
	s10 =	sshrl.u32 s9, $0x3;
	[sflag:s12] =	ssyncset.done $0x0  }
.Ltmp2:
0x114: {  	s10 =	sadd.s32 s4, s10;
	[sflag:s12] =	ssyncadd.s32 $0xFFFF4000;
	(pc) =	sbr.rel @p0 .LBB2_4-.Ltmp2, $4  }
0x115: {  	[hbm4b:s10+s3] =	stream.linear.scatter [tilespmem:s13], [sflag:$0x3], $0xC000, $0x38;
	[tilespmem:$0x18680] =	vst v63  }
0x116: {  	_ =	swait.ge [sflag:s8], $0xC000  }
0x117: {  	[sflag:s8] =	ssyncset.done $0x0  }
0x118: {  	[sflag:s8] =	ssyncadd.s32 $0xFFFF4000  }
0x119: {  	v3 =	vld [tilespmem:s21+$0xFFFFFFD0];
	_ =	sdelay $0x4  }
0x11a: {  	v4 =	vshrl.u32 v3, $0x3  }
0x11b: {  	v4 =	vmul.u32 $0x30, v4  }
0x11c: {  	v3 =	vand.u32 $0x7, v3  }
0x11d: {  	v3 =	vor.u32 v3, v4  }
0x11e: {  	v4 =	vperm.xlane v3, v0;
	_ =	sdelay $0x1  }
0x11f: {  	v4 =	vadd.s32 v1, v4;
	_ =	sdelay $0x3  }
0x120: {  	v3 =	vperm.xlane v3, v2  }
0x121: {  	[tilespmem:s14], [sflag:$0x2] =	stream.indirect_vreg.gather [hbm4b:s2+s3], $0x80, v4, vm0, $0xb8;
	[tilespmem:$0x18680] =	vst v63  }
0x122: {  	s10 =	simm.s32 $0xCE80;
	v3 =	vadd.s32 v1, v3  }
0x123: {  	[tilespmem:s10], [sflag:$0x2] =	stream.indirect_vreg.gather [hbm4b:s6+s3], $0x80, v4, vm0, $0xb8;
	[tilespmem:$0x18680] =	vst v63  }
0x124: {  	s10 =	simm.s32 $0xD680  }
0x125: {  	[tilespmem:s10], [sflag:$0x2] =	stream.indirect_vreg.gather [hbm4b:s7+s3], $0x80, v4, vm0, $0xb8;
	[tilespmem:$0x18680] =	vst v63  }
0x126: {  	s10 =	simm.s32 $0xDE80  }
0x127: {  	[tilespmem:s10], [sflag:$0x2] =	stream.indirect_vreg.gather [hbm4b:s2+s3], $0x80, v3, vm0, $0xb8;
	[tilespmem:$0x18680] =	vst v63  }
0x128: {  	s10 =	simm.s32 $0xE680  }
0x129: {  	[tilespmem:s10], [sflag:$0x2] =	stream.indirect_vreg.gather [hbm4b:s6+s3], $0x80, v3, vm0, $0xb8;
	[tilespmem:$0x18680] =	vst v63  }
0x12a: {  	s10 =	simm.s32 $0xEE80  }
0x12b: {  	[tilespmem:s10], [sflag:$0x2] =	stream.indirect_vreg.gather [hbm4b:s7+s3], $0x80, v3, vm0, $0xb8;
	[tilespmem:$0x18680] =	vst v63  }
0x12c: {  	v3 =	vld [tilespmem:s21+$0xFFFFFFE0];
	_ =	sdelay $0x4  }
0x12d: {  	v61 =	vshrl.u32 v3, $0x3  }
0x12e: {  	v4 =	vmul.u32 $0x30, v61  }
0x12f: {  	v3 =	vand.u32 $0x7, v3  }
0x130: {  	v3 =	vor.u32 v3, v4  }
0x131: {  	v4 =	vperm.xlane v3, v0;
	_ =	sdelay $0x1  }
0x132: {  	v4 =	vadd.s32 v1, v4;
	_ =	sdelay $0x3  }
0x133: {  	s10 =	simm.s32 $0xF680;
	v3 =	vperm.xlane v3, v2  }
0x134: {  	[tilespmem:s10], [sflag:$0x2] =	stream.indirect_vreg.gather [hbm4b:s2+s3], $0x80, v4, vm0, $0xb8;
	[tilespmem:$0x18680] =	vst v63  }
0x135: {  	v3 =	vadd.s32 v1, v3;
	s10 =	simm.s32 $0xFE80  }
0x136: {  	[tilespmem:s10], [sflag:$0x2] =	stream.indirect_vreg.gather [hbm4b:s6+s3], $0x80, v4, vm0, $0xb8;
	[tilespmem:$0x18680] =	vst v63  }
0x137: {  	s10 =	simm.s32 $0x10680  }
0x138: {  	[tilespmem:s10], [sflag:$0x2] =	stream.indirect_vreg.gather [hbm4b:s7+s3], $0x80, v4, vm0, $0xb8;
	[tilespmem:$0x18680] =	vst v63  }
0x139: {  	_ = 	snop  }
0x13a: {  	[tilespmem:s23], [sflag:$0x2] =	stream.indirect_vreg.gather [hbm4b:s2+s3], $0x80, v3, vm0, $0xb8;
	[tilespmem:$0x18680] =	vst v63  }
0x13b: {  	_ = 	snop  }
0x13c: {  	[tilespmem:s24], [sflag:$0x2] =	stream.indirect_vreg.gather [hbm4b:s6+s3], $0x80, v3, vm0, $0xb8;
	[tilespmem:$0x18680] =	vst v63  }
0x13d: {  	_ = 	snop  }
0x13e: {  	[tilespmem:s25], [sflag:$0x2] =	stream.indirect_vreg.gather [hbm4b:s7+s3], $0x80, v3, vm0, $0xb8;
	[tilespmem:$0x18680] =	vst v63  }
0x13f: {  	v3 =	vld [tilespmem:s21+$0xFFFFFFF0];
	_ =	sdelay $0x4  }
0x140: {  	v62 =	vshrl.u32 v3, $0x3  }
0x141: {  	v4 =	vmul.u32 $0x30, v62  }
0x142: {  	v3 =	vand.u32 $0x7, v3  }
0x143: {  	v3 =	vor.u32 v3, v4  }
0x144: {  	v4 =	vperm.xlane v3, v0;
	_ =	sdelay $0x1  }
0x145: {  	v4 =	vadd.s32 v1, v4;
	_ =	sdelay $0x3  }
0x146: {  	v3 =	vperm.xlane v3, v2  }
0x147: {  	[tilespmem:s26], [sflag:$0x2] =	stream.indirect_vreg.gather [hbm4b:s2+s3], $0x80, v4, vm0, $0xb8;
	[tilespmem:$0x18680] =	vst v63  }
0x148: {  	v3 =	vadd.s32 v1, v3  }
0x149: {  	[tilespmem:s28], [sflag:$0x2] =	stream.indirect_vreg.gather [hbm4b:s6+s3], $0x80, v4, vm0, $0xb8;
	[tilespmem:$0x18680] =	vst v63  }
0x14a: {  	_ = 	snop  }
0x14b: {  	[tilespmem:s29], [sflag:$0x2] =	stream.indirect_vreg.gather [hbm4b:s7+s3], $0x80, v4, vm0, $0xb8;
	[tilespmem:$0x18680] =	vst v63  }
0x14c: {  	_ = 	snop  }
0x14d: {  	[tilespmem:s15], [sflag:$0x2] =	stream.indirect_vreg.gather [hbm4b:s2+s3], $0x80, v3, vm0, $0xb8;
	[tilespmem:$0x18680] =	vst v63  }
0x14e: {  	_ = 	snop  }
0x14f: {  	[tilespmem:s30], [sflag:$0x2] =	stream.indirect_vreg.gather [hbm4b:s6+s3], $0x80, v3, vm0, $0xb8;
	[tilespmem:$0x18680] =	vst v63  }
0x150: {  	_ = 	snop  }
0x151: {  	[tilespmem:s16], [sflag:$0x2] =	stream.indirect_vreg.gather [hbm4b:s7+s3], $0x80, v3, vm0, $0xb8;
	[tilespmem:$0x18680] =	vst v63  }
0x152: {  	v3 =	vld [tilespmem:s21+$0x0];
	_ =	sdelay $0x4  }
0x153: {  	v63 =	vshrl.u32 v3, $0x3  }
0x154: {  	v4 =	vmul.u32 $0x30, v63  }
0x155: {  	v3 =	vand.u32 $0x7, v3  }
0x156: {  	v3 =	vor.u32 v3, v4  }
0x157: {  	v4 =	vperm.xlane v3, v0;
	_ =	sdelay $0x1  }
0x158: {  	v4 =	vadd.s32 v1, v4;
	_ =	sdelay $0x3  }
0x159: {  	v3 =	vperm.xlane v3, v2  }
0x15a: {  	[tilespmem:s31], [sflag:$0x2] =	stream.indirect_vreg.gather [hbm4b:s2+s3], $0x80, v4, vm0, $0xb8;
	[tilespmem:$0x18680] =	vst v63  }
0x15b: {  	v3 =	vadd.s32 v1, v3  }
0x15c: {  	[tilespmem:s17], [sflag:$0x2] =	stream.indirect_vreg.gather [hbm4b:s6+s3], $0x80, v4, vm0, $0xb8;
	[tilespmem:$0x18680] =	vst v63  }
0x15d: {  	_ = 	snop  }
0x15e: {  	[tilespmem:s1], [sflag:$0x2] =	stream.indirect_vreg.gather [hbm4b:s7+s3], $0x80, v4, vm0, $0xb8;
	[tilespmem:$0x18680] =	vst v63  }
0x15f: {  	_ = 	snop  }
0x160: {  	[tilespmem:s18], [sflag:$0x2] =	stream.indirect_vreg.gather [hbm4b:s2+s3], $0x80, v3, vm0, $0xb8;
	[tilespmem:$0x18680] =	vst v63  }
.Ltmp3:
0x161: {  	_ = 	snop;
	(pc) =	sbr.rel .LBB2_2-.Ltmp3, $4  }
0x162: {  	_ = 	snop  }
0x163: {  	[tilespmem:s0], [sflag:$0x2] =	stream.indirect_vreg.gather [hbm4b:s6+s3], $0x80, v3, vm0, $0xb8;
	[tilespmem:$0x18680] =	vst v63  }
0x164: {  	s22 =	sadd.s32 $0x30000, s22;
	s9 =	sadd.s32 $0x180000, s9;
	s21 =	sadd.s32 $0x80, s21  }
0x165: {  	[tilespmem:s19], [sflag:$0x2] =	stream.indirect_vreg.gather [hbm4b:s7+s3], $0x80, v3, vm0, $0xb8;
	[tilespmem:$0x18680] =	vst v63  }
.LBB2_5:
0x166: {  	_ =	sfence.sel $0x180000  }
0x167: {  	[bflag:$0x0] =	sbarrier.arrive $0xFFFF  }
0x168: {  	_ =	strace $0x9000004D  }
0x169: {  	s0 =	stileid.u32;
	[bflag:$0x2] =	sbarrier.arrive $0xFFFF  }
0x16a: {  	p0 =	sne.s32 s0, $0x0;
	s0 =	rddreg [dreg:$0x2]  }
0x16b: {  	s0 =	sadd.s32 @!p0 $0x100000, s0  }
0x16c: {  	[sflag:s0] =	ssyncadd.tile.s32 @!p0 $0x1;
	_ =	shalt  }
.Lfunc_end2:
_tile_overlayer_lowered:
.L_overlay_start_2:
0x16d: {  	(tag) =	ssettag $0x2  }
0x16e: {  	s0 =	rddreg [dreg:$0x0];
	s2 =	stileid.u32  }
0x16f: {  	s1 =	rddreg [dreg:$0x1];
	p0 =	sne.s32 s2, $0x0  }
0x170: {  	s3 =	rddreg [dreg:$0x2];
	[bflag:$0x3] =	sbarrier.arrive $0xFFFF;
	s2 =	simm.s32 @!p0 $0x1C05  }
0x171: {  	[timem:s3], [sflag:s2] =	dma.local @!p0 [hbm:s0], s1  }
0x172: {  	s0 =	simm.s32 @!p0 $0x5  }
0x173: {  	_ =	swait.ge @!p0 [sflag:s0], s1  }
0x174: {  	s1 =	ssub.s32 @!p0 $0x0, s1;
	[sflag:s0] =	ssyncset.done @!p0 $0x0  }
0x175: {  	[sflag:s0] =	ssyncadd.s32 @!p0 s1  }
0x176: {  	[bflag:$0x3] =	sbarrier.arrive $0xFFFF  }
0x177: {  	_ =	shalt  }

// kernel: kernel.19.cloned.1.call-start
scs
__scs_entry_jumppad:
0x0: {  	(pc) =	sbr.rel $0x88, $3  }
0x1: {  	(tag) =	ssettag $0x0;
	lr =	simm.s32 $0x1  }
0x2: {  	[smem:$0x3F9C] =	sst lr;
	_ =	strace $0xD0000000  }
0x3: {  	_ = 	snop  }
0x4: {  	_ = 	snop  }
0x5: {  	_ = 	snop  }
0x6: {  	_ = 	snop  }
0x7: {  	_ = 	snop  }
__scs_overlays_trampoline_lowered:
0x8: {  	[smem:$0x3FAB] =	sst s0  }
0x9: {  	[smem:$0x3FAC] =	sst s1  }
0xa: {  	[smem:$0x3FAD] =	sst s2  }
0xb: {  	[smem:$0x3FAE] =	sst s3  }
0xc: {  	[smem:$0x3FAF] =	sst s4  }
0xd: {  	[smem:$0x3FB0] =	sst s5  }
0xe: {  	[smem:$0x3FB1] =	sst s6  }
0xf: {  	[smem:$0x3FB2] =	sst s7  }
0x10: {  	[smem:$0x3FB3] =	sst s8  }
0x11: {  	[smem:$0x3FB4] =	sst s9;
	s0 =	simm.s32 @!p0 $0x0  }
0x12: {  	s1 =	sld [smem:$0x3F9A];
	s0 =	simm.s32 @p0 $0x1  }
0x13: {  	[smem:$0x3FB5] =	sst s0;
	s0 =	simm.s32 @!p1 $0x0  }
0x14: {  	s2 =	sld [smem:$0x3F99];
	s0 =	simm.s32 @p1 $0x1  }
0x15: {  	[smem:$0x3FB6] =	sst s0;
	s0 =	simm.s32 @!p2 $0x0  }
0x16: {  	s3 =	sld [smem:$0x3FDB];
	s0 =	simm.s32 @p2 $0x1  }
0x17: {  	s4 =	simm.s32 $0x1BF5;
	[smem:$0x3FB8] =	sst s0  }
0x18: {  	s0 =	sld [smem:$0x3F9B];
	_ =	swait.ge [sflag:s4], $0x0  }
0x19: {  	s7 =	sld [smem:$0x3F9C]  }
0x1a: {  	s8 =	sadd.s32 $0xFFFFE003, lr  }
0x1b: {  	s9 =	sadd.s32 $0xFFFFFEF7, lr;
	s5 =	simm.s32 $0xFFFFFFFF;
	p2 =	slt.u32 s8, $0xFFFFF086  }
0x1c: {  	p1 =	slt.u32 s9, $0xF7A;
	s5 =	simm.s32 @!p2 $0x0  }
0x1d: {  	s5 =	simm.s32 @p1 $0x1;
	p0 =	seq.s32 s7, s2  }
0x1e: {  	s7 =	smul.u32 @!p0 $0xF7A, s2;
	p2 =	seq.s32 @!p0 s5, $0x0  }
0x1f: {  	s9 =	smul.u32 $0xF7A, s1;
	s8 =	simm.s32 @!p0 $0x1BF5;
	p2 =	por !p2, p0  }
0x20: {  	[sflag:s8] =	ssyncset.s32 @!p0 $0xFFFFF086;
	s6 =	sadd.s32 @!p0 s3, s7;
	s7 =	simm.s32 @!p0 $0x108  }
0x21: {  	s3 =	sadd.s32 s3, s9;
	s6 =	sadd.s32 @!p0 $0x88, s6;
	s7 =	simm.s32 @p2 $0x1082  }
0x22: {  	[simem:s7], [sflag:s8] =	dma.local @!p0 [hbm:s6], $0xF7A  }
0x23: {  	s9 =	sor.u32 $0xD0000000, s2;
	s6 =	simm.s32 $0x108;
	_ =	swait.ge @!p0 [sflag:s8], $0x0  }
0x24: {  	s3 =	sadd.s32 $0x88, s3;
	s6 =	simm.s32 @!p1 $0x1082;
	[sflag:s4] =	ssyncset.s32 $0xFFFFF086  }
0x25: {  	[simem:s6], [sflag:s4] =	dma.local [hbm:s3], $0xF7A  }
0x26: {  	[smem:$0x3F9C] =	sst s1;
	(tag) =	ssettag s2;
	_ =	strace s9  }
0x27: {  	s1 =	sld [smem:$0x3FAC]  }
0x28: {  	s2 =	sld [smem:$0x3FAD]  }
0x29: {  	s4 =	sld [smem:$0x3FAF]  }
0x2a: {  	p0 =	seq.s32 s5, $0x0;
	s5 =	sld [smem:$0x3FB0]  }
0x2b: {  	s6 =	sld [smem:$0x3FB1]  }
0x2c: {  	s7 =	sld [smem:$0x3FB2]  }
0x2d: {  	s3 =	simm.s32 $0x108;
	s8 =	sld [smem:$0x3FB3]  }
0x2e: {  	s3 =	simm.s32 @!p0 $0x1082;
	s9 =	sld [smem:$0x3FB4]  }
0x2f: {  	lr =	sadd.s32 s0, s3;
	s0 =	sld [smem:$0x3FAB]  }
0x30: {  	s3 =	sld [smem:$0x3FAE]  }
0x31: {  	[smem:$0x3FB7] =	sst s10  }
0x32: {  	s10 =	sld [smem:$0x3FB5];
	_ =	sdelay $0x3  }
0x33: {  	p0 =	seq.s32 s10, $0x1;
	s10 =	sld [smem:$0x3FB7];
	_ =	sdelay $0x3  }
0x34: {  	[smem:$0x3FB7] =	sst s10  }
0x35: {  	s10 =	sld [smem:$0x3FB6];
	_ =	sdelay $0x3  }
0x36: {  	p1 =	seq.s32 s10, $0x1;
	s10 =	sld [smem:$0x3FB7];
	_ =	sdelay $0x3  }
0x37: {  	[smem:$0x3FB7] =	sst s10  }
0x38: {  	s10 =	sld [smem:$0x3FB8]  }
0x39: {  	_ = 	snop;
	(pc) =	sbr.ind lr, $3  }
0x3a: {  	_ = 	snop  }
0x3b: {  	_ = 	snop  }
0x3c: {  	p2 =	seq.s32 s10, $0x1;
	s10 =	sld [smem:$0x3FB7]  }
0x3d: {  	_ =	shalt  }
0x3e: {  	_ =	shalt  }
0x3f: {  	_ =	shalt  }
0x40: {  	_ =	shalt  }
0x41: {  	_ =	shalt  }
0x42: {  	_ =	shalt  }
0x43: {  	_ =	shalt  }
0x44: {  	_ =	shalt  }
0x45: {  	_ =	shalt  }
0x46: {  	_ =	shalt  }
0x47: {  	_ =	shalt  }
0x48: {  	_ =	shalt  }
0x49: {  	_ =	shalt  }
0x4a: {  	_ =	shalt  }
0x4b: {  	_ =	shalt  }
0x4c: {  	_ =	shalt  }
0x4d: {  	_ =	shalt  }
0x4e: {  	_ =	shalt  }
0x4f: {  	_ =	shalt  }
0x50: {  	_ =	shalt  }
0x51: {  	_ =	shalt  }
0x52: {  	_ =	shalt  }
0x53: {  	_ =	shalt  }
0x54: {  	_ =	shalt  }
0x55: {  	_ =	shalt  }
0x56: {  	_ =	shalt  }
0x57: {  	_ =	shalt  }
0x58: {  	_ =	shalt  }
0x59: {  	_ =	shalt  }
0x5a: {  	_ =	shalt  }
0x5b: {  	_ =	shalt  }
0x5c: {  	_ =	shalt  }
0x5d: {  	_ =	shalt  }
0x5e: {  	_ =	shalt  }
0x5f: {  	_ =	shalt  }
0x60: {  	_ =	shalt  }
0x61: {  	_ =	shalt  }
0x62: {  	_ =	shalt  }
0x63: {  	_ =	shalt  }
0x64: {  	_ =	shalt  }
0x65: {  	_ =	shalt  }
0x66: {  	_ =	shalt  }
0x67: {  	_ =	shalt  }
0x68: {  	_ =	shalt  }
0x69: {  	_ =	shalt  }
0x6a: {  	_ =	shalt  }
0x6b: {  	_ =	shalt  }
0x6c: {  	_ =	shalt  }
0x6d: {  	_ =	shalt  }
0x6e: {  	_ =	shalt  }
0x6f: {  	_ =	shalt  }
0x70: {  	_ =	shalt  }
0x71: {  	_ =	shalt  }
0x72: {  	_ =	shalt  }
0x73: {  	_ =	shalt  }
0x74: {  	_ =	shalt  }
0x75: {  	_ =	shalt  }
0x76: {  	_ =	shalt  }
0x77: {  	_ =	shalt  }
0x78: {  	_ =	shalt  }
0x79: {  	_ =	shalt  }
0x7a: {  	_ =	shalt  }
0x7b: {  	_ =	shalt  }
0x7c: {  	_ =	shalt  }
0x7d: {  	_ =	shalt  }
0x7e: {  	_ =	shalt  }
0x7f: {  	_ =	shalt  }
0x80: {  	_ =	shalt  }
0x81: {  	_ =	shalt  }
0x82: {  	_ =	shalt  }
0x83: {  	_ =	shalt  }
0x84: {  	_ =	shalt  }
0x85: {  	_ =	shalt  }
0x86: {  	_ =	shalt  }
0x87: {  	_ =	shalt  }
.Lfunc_end0:
.L_simem_size_0:
called_computation.3_lowered:
.L_overlay_start_0:
0x88: {  	s2 =	sld [smem:$0x3FD9]  }
0x89: {  	s3 =	sld [smem:$0x3FFE];
	_ =	sdelay $0x1  }
0x8a: {  	s1 =	srdreg.scid  }
0x8b: {  	s0 =	sand.u32 $0x1, s1  }
0x8c: {  	s17 =	sshll.u32 s0, $0xA;
	s2 =	sadd.s32 s3, s2  }
0x8d: {  	s2 =	sadd.s32 s2, s17  }
0x8e: {  	[smem:$0x3FC3] =	sst s2  }
0x8f: {  	_ = 	snop  }
0x90: {  	s18 =	sld [smem:$0x3FC8];
	(tm) =	ssettm $0x1  }
0x91: {  	s19 =	sld [smem:$0x3FFB];
	_ =	sdelay $0x3  }
0x92: {  	_ =	strace s19  }
0x93: {  	s2 =	sld [smem:$0x3FFC];
	_ =	sdelay $0x3  }
0x94: {  	_ =	strace s2  }
0x95: {  	s2 =	sld [smem:$0x3FFD];
	_ =	sdelay $0x3  }
0x96: {  	_ =	strace s2  }
0x97: {  	_ =	strace $0x8FFFFFFF  }
0x98: {  	s20 =	sld [smem:$0x3FDB];
	_ =	sdelay $0x1  }
0x99: {  	s4 =	simm.s32 $_scs_section_size  }
0x9a: {  	s5 =	simm.s32 $_size__tile_overlayer_lowered;
	s6 =	simm.s32 $_tile_overlayer_lowered  }
0x9b: {  	s7 =	simm.s32 $0x1BFF;
	s21 =	sshll.u32 s6, $0x1;
	s4 =	sadd.s32 s4, s20  }
0x9c: {  	s22 =	simm.s32 $0x0;
	s5 =	sshll.u32 s5, $0x1;
	s6 =	sadd.s32 s21, s4  }
0x9d: {  	[timem:s22], [sflag:s7] =	dma.local [hbm:s6], s5  }
0x9e: {  	_ =	swait.ge [sflag:s7], s5  }
0x9f: {  	s5 =	ssub.s32 $0x0, s5;
	[sflag:s7] =	ssyncset.done $0x0  }
0xa0: {  	[sflag:s7] =	ssyncadd.s32 s5;
	_ =	sdelay $0x1  }
0xa1: {  	s23 =	simm.s32 $0x1B8B  }
0xa2: {  	_ =	swait.ge [sflag:s23], $0x1  }
0xa3: {  	[sflag:s23] =	ssyncset.done $0x0  }
0xa4: {  	[sflag:s23] =	ssyncadd.s32 $0xFFFFFFFF  }
0xa5: {  	s5 =	sld [smem:$0x0]  }
0xa6: {  	s6 =	sand.u32 $0xFFFFFFFE, s1  }
0xa7: {  	p0 =	sne.s32 s1, s6  }
0xa8: {  	s6 =	sshll.u32 @p0 s6, $0xE  }
0xa9: {  	s6 =	sadd.s32 @p0 $0x11B8D, s6;
	s7 =	sshll.u32 @p0 s5, $0x11  }
0xaa: {  	s6 =	sor.u32 @p0 s7, s6  }
0xab: {  	[sflag:s6] =	ssyncadd.remote.s32 @p0 $0x1;
	_ =	sdelay $0x1  }
0xac: {  	s6 =	simm.s32 @p0 $0x1B8D  }
0xad: {  	_ =	swait.eq @p0 [sflag:s6], $0x1  }
0xae: {  	[sflag:s6] =	ssyncadd.s32 @p0 $0xFFFFFFFF  }
0xaf: {  	s7 =	sshll.u32 @!p0 s1, $0xE  }
0xb0: {  	s7 =	sor.u32 @!p0 $0x4000, s7;
	s6 =	simm.s32 @!p0 $0x1B8D  }
0xb1: {  	s5 =	sshll.u32 @!p0 s5, $0x11;
	s7 =	sadd.s32 @!p0 $0x11B8D, s7;
	_ =	swait.eq @!p0 [sflag:s6], $0x1  }
0xb2: {  	s5 =	sor.u32 @!p0 s5, s7;
	[sflag:s6] =	ssyncadd.s32 @!p0 $0xFFFFFFFF  }
0xb3: {  	s25 =	simm.s32 $0x1B8E;
	s24 =	sld [smem:$0x3FFE];
	[sflag:s5] =	ssyncadd.remote.s32 @!p0 $0x1  }
0xb4: {  	s26 =	simm.s32 $execute0_lowered;
	[smem:$0x3FD2] =	sst s25  }
0xb5: {  	s6 =	sshll.u32 s26, $0x1;
	_ =	strace $0x8000004F;
	[dreg:$0x1] =	wrdreg $0xFFFFFFFF  }
0xb6: {  	s28 =	simm.s32 $_size_execute0_lowered;
	s4 =	sadd.s32 s4, s6;
	[dreg:$0x0] =	wrdreg $0x0  }
0xb7: {  	s6 =	sshll.u32 s28, $0x1;
	[dreg:$0x2] =	wrdreg s4  }
0xb8: {  	[dreg:$0x3] =	wrdreg s6  }
0xb9: {  	[dreg:$0x4] =	wrdreg $0xC0  }
0xba: {  	_ =	task [dreg:s22], $0x5FFFF  }
0xbb: {  	[dreg:$0x1] =	wrdreg $0xFFFFFFFF  }
0xbc: {  	[dreg:$0x0] =	wrdreg $0x60  }
0xbd: {  	[dreg:$0x2] =	wrdreg s24  }
0xbe: {  	[dreg:$0x3] =	wrdreg s18  }
0xbf: {  	[dreg:$0x4] =	wrdreg $0xC  }
0xc0: {  	_ =	task.clear_ibuf [dreg:s22], $0x5FFFF;
	_ =	strace $0x9000004F  }
0xc1: {  	s29 =	simm.s32 $0xC;
	_ =	strace $0x80000051  }
0xc2: {  	_ =	swait.ge [sflag:s29], $0x1  }
0xc3: {  	[sflag:s29] =	ssyncadd.s32 $0xFFFFFFFF  }
0xc4: {  	_ =	strace $0x90000051  }
0xc5: {  	_ =	sfence  }
0xc6: {  	s30 =	sld [smem:$0x0];
	_ =	sdelay $0x2  }
0xc7: {  	s31 =	sshll.u32 s1, $0xD;
	s1 =	sshrl.u32 s1, $0x2  }
0xc8: {  	s4 =	sand.u32 $0x4000, s31;
	s1 =	sadd.s32 s1, s30  }
0xc9: {  	s0 =	sor.u32 s4, s0;
	s1 =	sshll.u32 s1, $0x11  }
0xca: {  	s0 =	sor.u32 s1, s0  }
0xcb: {  	s0 =	sadd.s32 $0x8F2B, s0  }
0xcc: {  	[sflag:s0] =	ssyncadd.remote.s32 $0x1  }
0xcd: {  	_ =	sfence.sel $0xFFFF  }
0xce: {  	[dreg:$0x0] =	wrdreg $0xFFFFFFFF;
	(pc) =	sbr.abs _section_cstart, $3  }
0xcf: {  	[dreg:$0x1] =	wrdreg $0xFFFFFFFF  }
0xd0: {  	_ =	task.clear_ibuf [dreg:s22], $0x2FFFF;
	_ =	strace $0x9FFFFFFF  }
0xd1: {  	(tm) =	ssettm $0x7FFFFFFF  }
tec
execute0_lowered:
.L_overlay_start_1:
0x0: {  	(tag) =	ssettag $0x1  }
0x1: {  	s0 =	rddreg [dreg:$0x0];
	s1 =	srdreg.scid  }
0x2: {  	s6 =	stileid.u32;
	s2 =	rddreg [dreg:$0x1]  }
0x3: {  	s13 =	simm.s32 $0x680;
	s12 =	simm.s32 $0x1;
	s14 =	simm.s32 $0xC680  }
0x4: {  	s28 =	simm.s32 $0x12E80;
	s29 =	simm.s32 $0x13680;
	s15 =	simm.s32 $0x13E80  }
0x5: {  	s30 =	simm.s32 $0x14680;
	s16 =	simm.s32 $0x14E80;
	s31 =	simm.s32 $0x15680  }
0x6: {  	s17 =	simm.s32 $0x15E80;
	s18 =	simm.s32 $0x16E80;
	s19 =	simm.s32 $0x17E80  }
0x7: {  	s20 =	simm.s32 $0x3;
	s1 =	sand.u32 $0x1, s1;
	s3 =	sshll.u32 s6, $0x1  }
0x8: {  	s10 =	simm.s32 $0x0;
	s6 =	sshrl.u32 s6, $0x3;
	s4 =	sor.u32 s1, s3  }
0x9: {  	s3 =	simm.s32 $0x0;
	s1 =	ssub.s32 $0x2, s1;
	s6 =	smul.u32 $0x12C0000, s6  }
0xa: {  	s5 =	smul.u32 $0xC8, s4;
	s4 =	sand.u32 $0xF, s4;
	[smem:$0x7FF] =	sst s3  }
0xb: {  	s21 =	sshrl.u32 s1, $0x1;
	s7 =	smul.u32 $0xC000, s4;
	_ =	strace $0x80000050  }
0xc: {  	s4 =	sadd.s32 $0xE18C00, s0;
	s5 =	sadd.s32 s5, s0;
	s0 =	ssub.s32 s1, s21  }
0xd: {  	s1 =	simm.s32 $0x16680;
	s22 =	sadd.s32 $0x3A00, s5;
	s23 =	sadd.s32 s6, s7  }
0xe: {  	s6 =	sadd.s32 $0x100, s2;
	s7 =	sadd.s32 $0x200, s2;
	s0 =	smax.u32 s0, $0x1  }
0xf: {  	[dreg:$0x3] =	wrdreg s22;
	s24 =	sshrl.u32 s23, $0x3;
	s8 =	sadd.s32 $0xC0000, s23  }
.Ltmp0:
0x10: {  	[dreg:$0x5] =	wrdreg s0;
	s26 =	sadd.s32 $0x180000, s23;
	(pc) =	sbr.rel .LBB2_1-.Ltmp0, $4  }
0x11: {  	s23 =	simm.s32 $0x10E80;
	s0 =	simm.s32 $0x17680;
	s5 =	sadd.s32 s4, s24  }
0x12: {  	v2 =	vlaneseq.u32;
	s25 =	sshrl.u32 s8, $0x3;
	[dreg:$0x6] =	wrdreg s26;
	s24 =	simm.s32 $0x11680  }
0x13: {  	vm0 =	vmmov $0xffff;
	v1 =	vshrl.u32 v2, $0x3;
	s26 =	simm.s32 $0x12680;
	s8 =	simm.s32 $0x4;
	[dreg:$0x4] =	wrdreg s5  }
0x14: {  	v0 =	vand.u32 $0x7, v2;
	v2 =	vor.u32 $0x8, v2;
	v1 =	vmul.u32 $0x8, v1;
	s11 =	sadd.s32 s25, s4;
	s25 =	simm.s32 $0x11E80;
	s5 =	simm.s32 $0x2  }
.LBB2_4:
0x15: {  	_ =	swait.ge [sflag:s20], $0xC000  }
0x16: {  	s10 =	rddreg [dreg:$0x7]  }
0x17: {  	s9 =	rddreg [dreg:$0x5];
	s10 =	sadd.s32 $0x1, s10  }
0x18: {  	p0 =	sne.s32 s10, s9  }
.Ltmp1:
0x19: {  	_ = 	snop;
	(pc) =	sbr.rel @!p0 .LBB2_5-.Ltmp1, $3  }
0x1a: {  	_ =	sdelay $0x1  }
0x1b: {  	[sflag:s20] =	ssyncset.done $0x0  }
0x1c: {  	[sflag:s20] =	ssyncadd.s32 $0xFFFF4000  }
.LBB2_1:
0x1d: {  	[dreg:$0x7] =	wrdreg s10  }
0x1e: {  	s9 =	rddreg [dreg:$0x3];
	s10 =	simm.s32 $0x5  }
0x1f: {  	[tilespmem:s3], [sflag:$0x5] =	stream.linear.gather [hbm4b:s9+s3], $0x640, $0x38;
	[tilespmem:$0x18680] =	vst v63  }
0x20: {  	_ =	swait.ge [sflag:s10], $0x640  }
0x21: {  	[sflag:s10] =	ssyncset.done $0x0  }
0x22: {  	[sflag:s10] =	ssyncadd.s32 $0xFFFFF9C0  }
0x23: {  	v3 =	vld [tilespmem:$0x0];
	_ =	sdelay $0x4  }
0x24: {  	v4 =	vshrl.u32 v3, $0x3  }
0x25: {  	v4 =	vmul.u32 $0x30, v4  }
0x26: {  	v3 =	vand.u32 $0x7, v3  }
0x27: {  	v3 =	vor.u32 v3, v4  }
0x28: {  	v4 =	vperm.xlane v3, v0;
	_ =	sdelay $0x1  }
0x29: {  	v4 =	vadd.s32 v1, v4;
	_ =	sdelay $0x3  }
0x2a: {  	v3 =	vperm.xlane v3, v2  }
0x2b: {  	[tilespmem:s13], [sflag:$0x1] =	stream.indirect_vreg.gather [hbm4b:s2+s3], $0x80, v4, vm0, $0xb8;
	[tilespmem:$0x18680] =	vst v63  }
0x2c: {  	s21 =	simm.s32 $0xE80;
	v3 =	vadd.s32 v1, v3  }
0x2d: {  	[tilespmem:s21], [sflag:$0x1] =	stream.indirect_vreg.gather [hbm4b:s6+s3], $0x80, v4, vm0, $0xb8;
	[tilespmem:$0x18680] =	vst v63  }
0x2e: {  	s22 =	simm.s32 $0x1680  }
0x2f: {  	[tilespmem:s22], [sflag:$0x1] =	stream.indirect_vreg.gather [hbm4b:s7+s3], $0x80, v4, vm0, $0xb8;
	[tilespmem:$0x18680] =	vst v63  }
0x30: {  	s10 =	simm.s32 $0x1E80  }
0x31: {  	[tilespmem:s10], [sflag:$0x1] =	stream.indirect_vreg.gather [hbm4b:s2+s3], $0x80, v3, vm0, $0xb8;
	[tilespmem:$0x18680] =	vst v63  }
0x32: {  	s21 =	simm.s32 $0x2680  }
0x33: {  	[tilespmem:s21], [sflag:$0x1] =	stream.indirect_vreg.gather [hbm4b:s6+s3], $0x80, v3, vm0, $0xb8;
	[tilespmem:$0x18680] =	vst v63  }
0x34: {  	s22 =	simm.s32 $0x2E80  }
0x35: {  	[tilespmem:s22], [sflag:$0x1] =	stream.indirect_vreg.gather [hbm4b:s7+s3], $0x80, v3, vm0, $0xb8;
	[tilespmem:$0x18680] =	vst v63  }
0x36: {  	v3 =	vld [tilespmem:$0x10];
	_ =	sdelay $0x4  }
0x37: {  	v57 =	vshrl.u32 v3, $0x3  }
0x38: {  	v4 =	vmul.u32 $0x30, v57  }
0x39: {  	v3 =	vand.u32 $0x7, v3  }
0x3a: {  	v3 =	vor.u32 v3, v4  }
0x3b: {  	v4 =	vperm.xlane v3, v0;
	_ =	sdelay $0x1  }
0x3c: {  	v4 =	vadd.s32 v1, v4;
	_ =	sdelay $0x3  }
0x3d: {  	s10 =	simm.s32 $0x3680;
	v3 =	vperm.xlane v3, v2  }
0x3e: {  	[tilespmem:s10], [sflag:$0x1] =	stream.indirect_vreg.gather [hbm4b:s2+s3], $0x80, v4, vm0, $0xb8;
	[tilespmem:$0x18680] =	vst v63  }
0x3f: {  	s21 =	simm.s32 $0x3E80;
	v3 =	vadd.s32 v1, v3  }
0x40: {  	[tilespmem:s21], [sflag:$0x1] =	stream.indirect_vreg.gather [hbm4b:s6+s3], $0x80, v4, vm0, $0xb8;
	[tilespmem:$0x18680] =	vst v63  }
0x41: {  	s22 =	simm.s32 $0x4680  }
0x42: {  	[tilespmem:s22], [sflag:$0x1] =	stream.indirect_vreg.gather [hbm4b:s7+s3], $0x80, v4, vm0, $0xb8;
	[tilespmem:$0x18680] =	vst v63  }
0x43: {  	s10 =	simm.s32 $0x4E80  }
0x44: {  	[tilespmem:s10], [sflag:$0x1] =	stream.indirect_vreg.gather [hbm4b:s2+s3], $0x80, v3, vm0, $0xb8;
	[tilespmem:$0x18680] =	vst v63  }
0x45: {  	s21 =	simm.s32 $0x5680  }
0x46: {  	[tilespmem:s21], [sflag:$0x1] =	stream.indirect_vreg.gather [hbm4b:s6+s3], $0x80, v3, vm0, $0xb8;
	[tilespmem:$0x18680] =	vst v63  }
0x47: {  	s22 =	simm.s32 $0x5E80  }
0x48: {  	[tilespmem:s22], [sflag:$0x1] =	stream.indirect_vreg.gather [hbm4b:s7+s3], $0x80, v3, vm0, $0xb8;
	[tilespmem:$0x18680] =	vst v63  }
0x49: {  	v3 =	vld [tilespmem:$0x20];
	_ =	sdelay $0x4  }
0x4a: {  	v58 =	vshrl.u32 v3, $0x3  }
0x4b: {  	v4 =	vmul.u32 $0x30, v58  }
0x4c: {  	v3 =	vand.u32 $0x7, v3  }
0x4d: {  	v3 =	vor.u32 v3, v4  }
0x4e: {  	v4 =	vperm.xlane v3, v0;
	_ =	sdelay $0x1  }
0x4f: {  	v4 =	vadd.s32 v1, v4;
	_ =	sdelay $0x3  }
0x50: {  	s10 =	simm.s32 $0x6680;
	v3 =	vperm.xlane v3, v2  }
0x51: {  	[tilespmem:s10], [sflag:$0x1] =	stream.indirect_vreg.gather [hbm4b:s2+s3], $0x80, v4, vm0, $0xb8;
	[tilespmem:$0x18680] =	vst v63  }
0x52: {  	s21 =	simm.s32 $0x6E80;
	v3 =	vadd.s32 v1, v3  }
0x53: {  	[tilespmem:s21], [sflag:$0x1] =	stream.indirect_vreg.gather [hbm4b:s6+s3], $0x80, v4, vm0, $0xb8;
	[tilespmem:$0x18680] =	vst v63  }
0x54: {  	s22 =	simm.s32 $0x7680  }
0x55: {  	[tilespmem:s22], [sflag:$0x1] =	stream.indirect_vreg.gather [hbm4b:s7+s3], $0x80, v4, vm0, $0xb8;
	[tilespmem:$0x18680] =	vst v63  }
0x56: {  	s10 =	simm.s32 $0x7E80  }
0x57: {  	[tilespmem:s10], [sflag:$0x1] =	stream.indirect_vreg.gather [hbm4b:s2+s3], $0x80, v3, vm0, $0xb8;
	[tilespmem:$0x18680] =	vst v63  }
0x58: {  	s21 =	simm.s32 $0x8680  }
0x59: {  	[tilespmem:s21], [sflag:$0x1] =	stream.indirect_vreg.gather [hbm4b:s6+s3], $0x80, v3, vm0, $0xb8;
	[tilespmem:$0x18680] =	vst v63  }
0x5a: {  	s22 =	simm.s32 $0x8E80  }
0x5b: {  	[tilespmem:s22], [sflag:$0x1] =	stream.indirect_vreg.gather [hbm4b:s7+s3], $0x80, v3, vm0, $0xb8;
	[tilespmem:$0x18680] =	vst v63  }
0x5c: {  	v3 =	vld [tilespmem:$0x30];
	_ =	sdelay $0x4  }
0x5d: {  	v59 =	vshrl.u32 v3, $0x3  }
0x5e: {  	v4 =	vmul.u32 $0x30, v59  }
0x5f: {  	v3 =	vand.u32 $0x7, v3  }
0x60: {  	v3 =	vor.u32 v3, v4  }
0x61: {  	v4 =	vperm.xlane v3, v0;
	_ =	sdelay $0x1  }
0x62: {  	v4 =	vadd.s32 v1, v4;
	_ =	sdelay $0x3  }
0x63: {  	s10 =	simm.s32 $0x9680;
	v3 =	vperm.xlane v3, v2  }
0x64: {  	[tilespmem:s10], [sflag:$0x1] =	stream.indirect_vreg.gather [hbm4b:s2+s3], $0x80, v4, vm0, $0xb8;
	[tilespmem:$0x18680] =	vst v63  }
0x65: {  	s21 =	simm.s32 $0x9E80;
	v3 =	vadd.s32 v1, v3  }
0x66: {  	[tilespmem:s21], [sflag:$0x1] =	stream.indirect_vreg.gather [hbm4b:s6+s3], $0x80, v4, vm0, $0xb8;
	[tilespmem:$0x18680] =	vst v63  }
0x67: {  	s22 =	simm.s32 $0xA680  }
0x68: {  	[tilespmem:s22], [sflag:$0x1] =	stream.indirect_vreg.gather [hbm4b:s7+s3], $0x80, v4, vm0, $0xb8;
	[tilespmem:$0x18680] =	vst v63  }
0x69: {  	s10 =	simm.s32 $0xAE80  }
0x6a: {  	[tilespmem:s10], [sflag:$0x1] =	stream.indirect_vreg.gather [hbm4b:s2+s3], $0x80, v3, vm0, $0xb8;
	[tilespmem:$0x18680] =	vst v63  }
0x6b: {  	s21 =	simm.s32 $0xB680  }
0x6c: {  	[tilespmem:s21], [sflag:$0x1] =	stream.indirect_vreg.gather [hbm4b:s6+s3], $0x80, v3, vm0, $0xb8;
	[tilespmem:$0x18680] =	vst v63  }
0x6d: {  	s22 =	simm.s32 $0xBE80  }
0x6e: {  	[tilespmem:s22], [sflag:$0x1] =	stream.indirect_vreg.gather [hbm4b:s7+s3], $0x80, v3, vm0, $0xb8;
	[tilespmem:$0x18680] =	vst v63  }
0x6f: {  	_ =	swait.ge [sflag:s12], $0xC000  }
0x70: {  	[sflag:s12] =	ssyncset.done $0x0  }
0x71: {  	s10 =	rddreg [dreg:$0x4];
	[sflag:s12] =	ssyncadd.s32 $0xFFFF4000  }
0x72: {  	[hbm4b:s10+s3] =	stream.linear.scatter [tilespmem:s13], [sflag:$0x3], $0xC000, $0x38;
	[tilespmem:$0x18680] =	vst v63  }
0x73: {  	v3 =	vld [tilespmem:$0x40];
	_ =	sdelay $0x4  }
0x74: {  	v60 =	vshrl.u32 v3, $0x3  }
0x75: {  	v4 =	vmul.u32 $0x30, v60  }
0x76: {  	v3 =	vand.u32 $0x7, v3  }
0x77: {  	v3 =	vor.u32 v3, v4  }
0x78: {  	v4 =	vperm.xlane v3, v0;
	_ =	sdelay $0x1  }
0x79: {  	v4 =	vadd.s32 v1, v4;
	_ =	sdelay $0x3  }
0x7a: {  	v3 =	vperm.xlane v3, v2  }
0x7b: {  	[tilespmem:s14], [sflag:$0x2] =	stream.indirect_vreg.gather [hbm4b:s2+s3], $0x80, v4, vm0, $0xb8;
	[tilespmem:$0x18680] =	vst v63  }
0x7c: {  	s21 =	simm.s32 $0xCE80;
	v3 =	vadd.s32 v1, v3  }
0x7d: {  	[tilespmem:s21], [sflag:$0x2] =	stream.indirect_vreg.gather [hbm4b:s6+s3], $0x80, v4, vm0, $0xb8;
	[tilespmem:$0x18680] =	vst v63  }
0x7e: {  	s22 =	simm.s32 $0xD680  }
0x7f: {  	[tilespmem:s22], [sflag:$0x2] =	stream.indirect_vreg.gather [hbm4b:s7+s3], $0x80, v4, vm0, $0xb8;
	[tilespmem:$0x18680] =	vst v63  }
0x80: {  	s10 =	simm.s32 $0xDE80  }
0x81: {  	[tilespmem:s10], [sflag:$0x2] =	stream.indirect_vreg.gather [hbm4b:s2+s3], $0x80, v3, vm0, $0xb8;
	[tilespmem:$0x18680] =	vst v63  }
0x82: {  	s21 =	simm.s32 $0xE680  }
0x83: {  	[tilespmem:s21], [sflag:$0x2] =	stream.indirect_vreg.gather [hbm4b:s6+s3], $0x80, v3, vm0, $0xb8;
	[tilespmem:$0x18680] =	vst v63  }
0x84: {  	s22 =	simm.s32 $0xEE80  }
0x85: {  	[tilespmem:s22], [sflag:$0x2] =	stream.indirect_vreg.gather [hbm4b:s7+s3], $0x80, v3, vm0, $0xb8;
	[tilespmem:$0x18680] =	vst v63  }
0x86: {  	v3 =	vld [tilespmem:$0x50];
	_ =	sdelay $0x4  }
0x87: {  	v61 =	vshrl.u32 v3, $0x3  }
0x88: {  	v4 =	vmul.u32 $0x30, v61  }
0x89: {  	v3 =	vand.u32 $0x7, v3  }
0x8a: {  	v3 =	vor.u32 v3, v4  }
0x8b: {  	v4 =	vperm.xlane v3, v0;
	_ =	sdelay $0x1  }
0x8c: {  	v4 =	vadd.s32 v1, v4;
	_ =	sdelay $0x3  }
0x8d: {  	s10 =	simm.s32 $0xF680;
	v3 =	vperm.xlane v3, v2  }
0x8e: {  	[tilespmem:s10], [sflag:$0x2] =	stream.indirect_vreg.gather [hbm4b:s2+s3], $0x80, v4, vm0, $0xb8;
	[tilespmem:$0x18680] =	vst v63  }
0x8f: {  	s21 =	simm.s32 $0xFE80;
	v3 =	vadd.s32 v1, v3  }
0x90: {  	[tilespmem:s21], [sflag:$0x2] =	stream.indirect_vreg.gather [hbm4b:s6+s3], $0x80, v4, vm0, $0xb8;
	[tilespmem:$0x18680] =	vst v63  }
0x91: {  	s22 =	simm.s32 $0x10680  }
0x92: {  	[tilespmem:s22], [sflag:$0x2] =	stream.indirect_vreg.gather [hbm4b:s7+s3], $0x80, v4, vm0, $0xb8;
	[tilespmem:$0x18680] =	vst v63  }
0x93: {  	_ = 	snop  }
0x94: {  	[tilespmem:s23], [sflag:$0x2] =	stream.indirect_vreg.gather [hbm4b:s2+s3], $0x80, v3, vm0, $0xb8;
	[tilespmem:$0x18680] =	vst v63  }
0x95: {  	_ = 	snop  }
0x96: {  	[tilespmem:s24], [sflag:$0x2] =	stream.indirect_vreg.gather [hbm4b:s6+s3], $0x80, v3, vm0, $0xb8;
	[tilespmem:$0x18680] =	vst v63  }
0x97: {  	_ = 	snop  }
0x98: {  	[tilespmem:s25], [sflag:$0x2] =	stream.indirect_vreg.gather [hbm4b:s7+s3], $0x80, v3, vm0, $0xb8;
	[tilespmem:$0x18680] =	vst v63  }
0x99: {  	v3 =	vld [tilespmem:$0x60];
	_ =	sdelay $0x4  }
0x9a: {  	v62 =	vshrl.u32 v3, $0x3  }
0x9b: {  	v4 =	vmul.u32 $0x30, v62  }
0x9c: {  	v3 =	vand.u32 $0x7, v3  }
0x9d: {  	v3 =	vor.u32 v3, v4  }
0x9e: {  	v4 =	vperm.xlane v3, v0;
	_ =	sdelay $0x1  }
0x9f: {  	v4 =	vadd.s32 v1, v4;
	_ =	sdelay $0x3  }
0xa0: {  	v3 =	vperm.xlane v3, v2  }
0xa1: {  	[tilespmem:s26], [sflag:$0x2] =	stream.indirect_vreg.gather [hbm4b:s2+s3], $0x80, v4, vm0, $0xb8;
	[tilespmem:$0x18680] =	vst v63  }
0xa2: {  	v3 =	vadd.s32 v1, v3  }
0xa3: {  	[tilespmem:s28], [sflag:$0x2] =	stream.indirect_vreg.gather [hbm4b:s6+s3], $0x80, v4, vm0, $0xb8;
	[tilespmem:$0x18680] =	vst v63  }
0xa4: {  	_ = 	snop  }
0xa5: {  	[tilespmem:s29], [sflag:$0x2] =	stream.indirect_vreg.gather [hbm4b:s7+s3], $0x80, v4, vm0, $0xb8;
	[tilespmem:$0x18680] =	vst v63  }
0xa6: {  	_ = 	snop  }
0xa7: {  	[tilespmem:s15], [sflag:$0x2] =	stream.indirect_vreg.gather [hbm4b:s2+s3], $0x80, v3, vm0, $0xb8;
	[tilespmem:$0x18680] =	vst v63  }
0xa8: {  	_ = 	snop  }
0xa9: {  	[tilespmem:s30], [sflag:$0x2] =	stream.indirect_vreg.gather [hbm4b:s6+s3], $0x80, v3, vm0, $0xb8;
	[tilespmem:$0x18680] =	vst v63  }
0xaa: {  	_ = 	snop  }
0xab: {  	[tilespmem:s16], [sflag:$0x2] =	stream.indirect_vreg.gather [hbm4b:s7+s3], $0x80, v3, vm0, $0xb8;
	[tilespmem:$0x18680] =	vst v63  }
0xac: {  	v3 =	vld [tilespmem:$0x70];
	_ =	sdelay $0x4  }
0xad: {  	v63 =	vshrl.u32 v3, $0x3  }
0xae: {  	v4 =	vmul.u32 $0x30, v63  }
0xaf: {  	v3 =	vand.u32 $0x7, v3  }
0xb0: {  	v3 =	vor.u32 v3, v4  }
0xb1: {  	v4 =	vperm.xlane v3, v0;
	_ =	sdelay $0x1  }
0xb2: {  	v4 =	vadd.s32 v1, v4;
	_ =	sdelay $0x3  }
0xb3: {  	v3 =	vperm.xlane v3, v2  }
0xb4: {  	[tilespmem:s31], [sflag:$0x2] =	stream.indirect_vreg.gather [hbm4b:s2+s3], $0x80, v4, vm0, $0xb8;
	[tilespmem:$0x18680] =	vst v63  }
0xb5: {  	v3 =	vadd.s32 v1, v3  }
0xb6: {  	[tilespmem:s17], [sflag:$0x2] =	stream.indirect_vreg.gather [hbm4b:s6+s3], $0x80, v4, vm0, $0xb8;
	[tilespmem:$0x18680] =	vst v63  }
0xb7: {  	_ = 	snop  }
0xb8: {  	[tilespmem:s1], [sflag:$0x2] =	stream.indirect_vreg.gather [hbm4b:s7+s3], $0x80, v4, vm0, $0xb8;
	[tilespmem:$0x18680] =	vst v63  }
0xb9: {  	_ = 	snop  }
0xba: {  	[tilespmem:s18], [sflag:$0x2] =	stream.indirect_vreg.gather [hbm4b:s2+s3], $0x80, v3, vm0, $0xb8;
	[tilespmem:$0x18680] =	vst v63  }
0xbb: {  	_ = 	snop  }
0xbc: {  	[tilespmem:s0], [sflag:$0x2] =	stream.indirect_vreg.gather [hbm4b:s6+s3], $0x80, v3, vm0, $0xb8;
	[tilespmem:$0x18680] =	vst v63  }
0xbd: {  	s9 =	rddreg [dreg:$0x6];
	s21 =	simm.s32 $0xF0;
	s22 =	simm.s32 $0x0  }
0xbe: {  	[tilespmem:s19], [sflag:$0x2] =	stream.indirect_vreg.gather [hbm4b:s7+s3], $0x80, v3, vm0, $0xb8;
	[tilespmem:$0x18680] =	vst v63  }
.LBB2_2:
0xbf: {  	_ =	swait.ge [sflag:s5], $0xC000  }
0xc0: {  	[sflag:s5] =	ssyncset.done $0x0  }
0xc1: {  	s10 =	sadd.s32 s22, s11;
	[sflag:s5] =	ssyncadd.s32 $0xFFFF4000  }
0xc2: {  	[hbm4b:s10+s3] =	stream.linear.scatter [tilespmem:s14], [sflag:$0x4], $0xC000, $0x38;
	[tilespmem:$0x18680] =	vst v63  }
0xc3: {  	_ =	swait.ge [sflag:s20], $0xC000  }
0xc4: {  	[sflag:s20] =	ssyncset.done $0x0  }
0xc5: {  	[sflag:s20] =	ssyncadd.s32 $0xFFFF4000  }
0xc6: {  	v3 =	vld [tilespmem:s21+$0xFFFFFF90];
	_ =	sdelay $0x4  }
0xc7: {  	v4 =	vshrl.u32 v3, $0x3  }
0xc8: {  	v4 =	vmul.u32 $0x30, v4  }
0xc9: {  	v3 =	vand.u32 $0x7, v3  }
0xca: {  	v3 =	vor.u32 v3, v4  }
0xcb: {  	v4 =	vperm.xlane v3, v0;
	_ =	sdelay $0x1  }
0xcc: {  	v4 =	vadd.s32 v1, v4;
	_ =	sdelay $0x3  }
0xcd: {  	v3 =	vperm.xlane v3, v2  }
0xce: {  	[tilespmem:s13], [sflag:$0x1] =	stream.indirect_vreg.gather [hbm4b:s2+s3], $0x80, v4, vm0, $0xb8;
	[tilespmem:$0x18680] =	vst v63  }
0xcf: {  	s10 =	simm.s32 $0xE80;
	v3 =	vadd.s32 v1, v3  }
0xd0: {  	[tilespmem:s10], [sflag:$0x1] =	stream.indirect_vreg.gather [hbm4b:s6+s3], $0x80, v4, vm0, $0xb8;
	[tilespmem:$0x18680] =	vst v63  }
0xd1: {  	s10 =	simm.s32 $0x1680  }
0xd2: {  	[tilespmem:s10], [sflag:$0x1] =	stream.indirect_vreg.gather [hbm4b:s7+s3], $0x80, v4, vm0, $0xb8;
	[tilespmem:$0x18680] =	vst v63  }
0xd3: {  	s10 =	simm.s32 $0x1E80  }
0xd4: {  	[tilespmem:s10], [sflag:$0x1] =	stream.indirect_vreg.gather [hbm4b:s2+s3], $0x80, v3, vm0, $0xb8;
	[tilespmem:$0x18680] =	vst v63  }
0xd5: {  	s10 =	simm.s32 $0x2680  }
0xd6: {  	[tilespmem:s10], [sflag:$0x1] =	stream.indirect_vreg.gather [hbm4b:s6+s3], $0x80, v3, vm0, $0xb8;
	[tilespmem:$0x18680] =	vst v63  }
0xd7: {  	s10 =	simm.s32 $0x2E80  }
0xd8: {  	[tilespmem:s10], [sflag:$0x1] =	stream.indirect_vreg.gather [hbm4b:s7+s3], $0x80, v3, vm0, $0xb8;
	[tilespmem:$0x18680] =	vst v63  }
0xd9: {  	v3 =	vld [tilespmem:s21+$0xFFFFFFA0];
	_ =	sdelay $0x4  }
0xda: {  	v61 =	vshrl.u32 v3, $0x3  }
0xdb: {  	v4 =	vmul.u32 $0x30, v61  }
0xdc: {  	v3 =	vand.u32 $0x7, v3  }
0xdd: {  	v3 =	vor.u32 v3, v4  }
0xde: {  	v4 =	vperm.xlane v3, v0;
	_ =	sdelay $0x1  }
0xdf: {  	v4 =	vadd.s32 v1, v4;
	_ =	sdelay $0x3  }
0xe0: {  	s10 =	simm.s32 $0x3680;
	v3 =	vperm.xlane v3, v2  }
0xe1: {  	[tilespmem:s10], [sflag:$0x1] =	stream.indirect_vreg.gather [hbm4b:s2+s3], $0x80, v4, vm0, $0xb8;
	[tilespmem:$0x18680] =	vst v63  }
0xe2: {  	v3 =	vadd.s32 v1, v3;
	s10 =	simm.s32 $0x3E80  }
0xe3: {  	[tilespmem:s10], [sflag:$0x1] =	stream.indirect_vreg.gather [hbm4b:s6+s3], $0x80, v4, vm0, $0xb8;
	[tilespmem:$0x18680] =	vst v63  }
0xe4: {  	s10 =	simm.s32 $0x4680  }
0xe5: {  	[tilespmem:s10], [sflag:$0x1] =	stream.indirect_vreg.gather [hbm4b:s7+s3], $0x80, v4, vm0, $0xb8;
	[tilespmem:$0x18680] =	vst v63  }
0xe6: {  	s10 =	simm.s32 $0x4E80  }
0xe7: {  	[tilespmem:s10], [sflag:$0x1] =	stream.indirect_vreg.gather [hbm4b:s2+s3], $0x80, v3, vm0, $0xb8;
	[tilespmem:$0x18680] =	vst v63  }
0xe8: {  	s10 =	simm.s32 $0x5680  }
0xe9: {  	[tilespmem:s10], [sflag:$0x1] =	stream.indirect_vreg.gather [hbm4b:s6+s3], $0x80, v3, vm0, $0xb8;
	[tilespmem:$0x18680] =	vst v63  }
0xea: {  	s10 =	simm.s32 $0x5E80  }
0xeb: {  	[tilespmem:s10], [sflag:$0x1] =	stream.indirect_vreg.gather [hbm4b:s7+s3], $0x80, v3, vm0, $0xb8;
	[tilespmem:$0x18680] =	vst v63  }
0xec: {  	v3 =	vld [tilespmem:s21+$0xFFFFFFB0];
	_ =	sdelay $0x4  }
0xed: {  	v62 =	vshrl.u32 v3, $0x3  }
0xee: {  	v4 =	vmul.u32 $0x30, v62  }
0xef: {  	v3 =	vand.u32 $0x7, v3  }
0xf0: {  	v3 =	vor.u32 v3, v4  }
0xf1: {  	v4 =	vperm.xlane v3, v0;
	_ =	sdelay $0x1  }
0xf2: {  	v4 =	vadd.s32 v1, v4;
	_ =	sdelay $0x3  }
0xf3: {  	s10 =	simm.s32 $0x6680;
	v3 =	vperm.xlane v3, v2  }
0xf4: {  	[tilespmem:s10], [sflag:$0x1] =	stream.indirect_vreg.gather [hbm4b:s2+s3], $0x80, v4, vm0, $0xb8;
	[tilespmem:$0x18680] =	vst v63  }
0xf5: {  	v3 =	vadd.s32 v1, v3;
	s10 =	simm.s32 $0x6E80  }
0xf6: {  	[tilespmem:s10], [sflag:$0x1] =	stream.indirect_vreg.gather [hbm4b:s6+s3], $0x80, v4, vm0, $0xb8;
	[tilespmem:$0x18680] =	vst v63  }
0xf7: {  	s10 =	simm.s32 $0x7680  }
0xf8: {  	[tilespmem:s10], [sflag:$0x1] =	stream.indirect_vreg.gather [hbm4b:s7+s3], $0x80, v4, vm0, $0xb8;
	[tilespmem:$0x18680] =	vst v63  }
0xf9: {  	s10 =	simm.s32 $0x7E80  }
0xfa: {  	[tilespmem:s10], [sflag:$0x1] =	stream.indirect_vreg.gather [hbm4b:s2+s3], $0x80, v3, vm0, $0xb8;
	[tilespmem:$0x18680] =	vst v63  }
0xfb: {  	s10 =	simm.s32 $0x8680  }
0xfc: {  	[tilespmem:s10], [sflag:$0x1] =	stream.indirect_vreg.gather [hbm4b:s6+s3], $0x80, v3, vm0, $0xb8;
	[tilespmem:$0x18680] =	vst v63  }
0xfd: {  	s10 =	simm.s32 $0x8E80  }
0xfe: {  	[tilespmem:s10], [sflag:$0x1] =	stream.indirect_vreg.gather [hbm4b:s7+s3], $0x80, v3, vm0, $0xb8;
	[tilespmem:$0x18680] =	vst v63  }
0xff: {  	v3 =	vld [tilespmem:s21+$0xFFFFFFC0];
	_ =	sdelay $0x4  }
0x100: {  	v63 =	vshrl.u32 v3, $0x3  }
0x101: {  	v4 =	vmul.u32 $0x30, v63  }
0x102: {  	v3 =	vand.u32 $0x7, v3  }
0x103: {  	v3 =	vor.u32 v3, v4  }
0x104: {  	v4 =	vperm.xlane v3, v0;
	_ =	sdelay $0x1  }
0x105: {  	v4 =	vadd.s32 v1, v4;
	_ =	sdelay $0x3  }
0x106: {  	s10 =	simm.s32 $0x9680;
	v3 =	vperm.xlane v3, v2  }
0x107: {  	[tilespmem:s10], [sflag:$0x1] =	stream.indirect_vreg.gather [hbm4b:s2+s3], $0x80, v4, vm0, $0xb8;
	[tilespmem:$0x18680] =	vst v63  }
0x108: {  	v3 =	vadd.s32 v1, v3;
	s10 =	simm.s32 $0x9E80  }
0x109: {  	[tilespmem:s10], [sflag:$0x1] =	stream.indirect_vreg.gather [hbm4b:s6+s3], $0x80, v4, vm0, $0xb8;
	[tilespmem:$0x18680] =	vst v63  }
0x10a: {  	s10 =	simm.s32 $0xA680  }
0x10b: {  	[tilespmem:s10], [sflag:$0x1] =	stream.indirect_vreg.gather [hbm4b:s7+s3], $0x80, v4, vm0, $0xb8;
	[tilespmem:$0x18680] =	vst v63  }
0x10c: {  	s10 =	simm.s32 $0xAE80  }
0x10d: {  	[tilespmem:s10], [sflag:$0x1] =	stream.indirect_vreg.gather [hbm4b:s2+s3], $0x80, v3, vm0, $0xb8;
	[tilespmem:$0x18680] =	vst v63  }
0x10e: {  	s10 =	simm.s32 $0xB680  }
0x10f: {  	[tilespmem:s10], [sflag:$0x1] =	stream.indirect_vreg.gather [hbm4b:s6+s3], $0x80, v3, vm0, $0xb8;
	[tilespmem:$0x18680] =	vst v63  }
0x110: {  	s10 =	simm.s32 $0xBE80  }
0x111: {  	[tilespmem:s10], [sflag:$0x1] =	stream.indirect_vreg.gather [hbm4b:s7+s3], $0x80, v3, vm0, $0xb8;
	[tilespmem:$0x18680] =	vst v63  }
0x112: {  	_ =	swait.ge [sflag:s12], $0xC000  }
0x113: {  	p0 =	seq.s32 s22, $0x210000;
	s10 =	sshrl.u32 s9, $0x3;
	[sflag:s12] =	ssyncset.done $0x0  }
.Ltmp2:
0x114: {  	s10 =	sadd.s32 s4, s10;
	[sflag:s12] =	ssyncadd.s32 $0xFFFF4000;
	(pc) =	sbr.rel @p0 .LBB2_4-.Ltmp2, $4  }
0x115: {  	[hbm4b:s10+s3] =	stream.linear.scatter [tilespmem:s13], [sflag:$0x3], $0xC000, $0x38;
	[tilespmem:$0x18680] =	vst v63  }
0x116: {  	_ =	swait.ge [sflag:s8], $0xC000  }
0x117: {  	[sflag:s8] =	ssyncset.done $0x0  }
0x118: {  	[sflag:s8] =	ssyncadd.s32 $0xFFFF4000  }
0x119: {  	v3 =	vld [tilespmem:s21+$0xFFFFFFD0];
	_ =	sdelay $0x4  }
0x11a: {  	v4 =	vshrl.u32 v3, $0x3  }
0x11b: {  	v4 =	vmul.u32 $0x30, v4  }
0x11c: {  	v3 =	vand.u32 $0x7, v3  }
0x11d: {  	v3 =	vor.u32 v3, v4  }
0x11e: {  	v4 =	vperm.xlane v3, v0;
	_ =	sdelay $0x1  }
0x11f: {  	v4 =	vadd.s32 v1, v4;
	_ =	sdelay $0x3  }
0x120: {  	v3 =	vperm.xlane v3, v2  }
0x121: {  	[tilespmem:s14], [sflag:$0x2] =	stream.indirect_vreg.gather [hbm4b:s2+s3], $0x80, v4, vm0, $0xb8;
	[tilespmem:$0x18680] =	vst v63  }
0x122: {  	s10 =	simm.s32 $0xCE80;
	v3 =	vadd.s32 v1, v3  }
0x123: {  	[tilespmem:s10], [sflag:$0x2] =	stream.indirect_vreg.gather [hbm4b:s6+s3], $0x80, v4, vm0, $0xb8;
	[tilespmem:$0x18680] =	vst v63  }
0x124: {  	s10 =	simm.s32 $0xD680  }
0x125: {  	[tilespmem:s10], [sflag:$0x2] =	stream.indirect_vreg.gather [hbm4b:s7+s3], $0x80, v4, vm0, $0xb8;
	[tilespmem:$0x18680] =	vst v63  }
0x126: {  	s10 =	simm.s32 $0xDE80  }
0x127: {  	[tilespmem:s10], [sflag:$0x2] =	stream.indirect_vreg.gather [hbm4b:s2+s3], $0x80, v3, vm0, $0xb8;
	[tilespmem:$0x18680] =	vst v63  }
0x128: {  	s10 =	simm.s32 $0xE680  }
0x129: {  	[tilespmem:s10], [sflag:$0x2] =	stream.indirect_vreg.gather [hbm4b:s6+s3], $0x80, v3, vm0, $0xb8;
	[tilespmem:$0x18680] =	vst v63  }
0x12a: {  	s10 =	simm.s32 $0xEE80  }
0x12b: {  	[tilespmem:s10], [sflag:$0x2] =	stream.indirect_vreg.gather [hbm4b:s7+s3], $0x80, v3, vm0, $0xb8;
	[tilespmem:$0x18680] =	vst v63  }
0x12c: {  	v3 =	vld [tilespmem:s21+$0xFFFFFFE0];
	_ =	sdelay $0x4  }
0x12d: {  	v61 =	vshrl.u32 v3, $0x3  }
0x12e: {  	v4 =	vmul.u32 $0x30, v61  }
0x12f: {  	v3 =	vand.u32 $0x7, v3  }
0x130: {  	v3 =	vor.u32 v3, v4  }
0x131: {  	v4 =	vperm.xlane v3, v0;
	_ =	sdelay $0x1  }
0x132: {  	v4 =	vadd.s32 v1, v4;
	_ =	sdelay $0x3  }
0x133: {  	s10 =	simm.s32 $0xF680;
	v3 =	vperm.xlane v3, v2  }
0x134: {  	[tilespmem:s10], [sflag:$0x2] =	stream.indirect_vreg.gather [hbm4b:s2+s3], $0x80, v4, vm0, $0xb8;
	[tilespmem:$0x18680] =	vst v63  }
0x135: {  	v3 =	vadd.s32 v1, v3;
	s10 =	simm.s32 $0xFE80  }
0x136: {  	[tilespmem:s10], [sflag:$0x2] =	stream.indirect_vreg.gather [hbm4b:s6+s3], $0x80, v4, vm0, $0xb8;
	[tilespmem:$0x18680] =	vst v63  }
0x137: {  	s10 =	simm.s32 $0x10680  }
0x138: {  	[tilespmem:s10], [sflag:$0x2] =	stream.indirect_vreg.gather [hbm4b:s7+s3], $0x80, v4, vm0, $0xb8;
	[tilespmem:$0x18680] =	vst v63  }
0x139: {  	_ = 	snop  }
0x13a: {  	[tilespmem:s23], [sflag:$0x2] =	stream.indirect_vreg.gather [hbm4b:s2+s3], $0x80, v3, vm0, $0xb8;
	[tilespmem:$0x18680] =	vst v63  }
0x13b: {  	_ = 	snop  }
0x13c: {  	[tilespmem:s24], [sflag:$0x2] =	stream.indirect_vreg.gather [hbm4b:s6+s3], $0x80, v3, vm0, $0xb8;
	[tilespmem:$0x18680] =	vst v63  }
0x13d: {  	_ = 	snop  }
0x13e: {  	[tilespmem:s25], [sflag:$0x2] =	stream.indirect_vreg.gather [hbm4b:s7+s3], $0x80, v3, vm0, $0xb8;
	[tilespmem:$0x18680] =	vst v63  }
0x13f: {  	v3 =	vld [tilespmem:s21+$0xFFFFFFF0];
	_ =	sdelay $0x4  }
0x140: {  	v62 =	vshrl.u32 v3, $0x3  }
0x141: {  	v4 =	vmul.u32 $0x30, v62  }
0x142: {  	v3 =	vand.u32 $0x7, v3  }
0x143: {  	v3 =	vor.u32 v3, v4  }
0x144: {  	v4 =	vperm.xlane v3, v0;
	_ =	sdelay $0x1  }
0x145: {  	v4 =	vadd.s32 v1, v4;
	_ =	sdelay $0x3  }
0x146: {  	v3 =	vperm.xlane v3, v2  }
0x147: {  	[tilespmem:s26], [sflag:$0x2] =	stream.indirect_vreg.gather [hbm4b:s2+s3], $0x80, v4, vm0, $0xb8;
	[tilespmem:$0x18680] =	vst v63  }
0x148: {  	v3 =	vadd.s32 v1, v3  }
0x149: {  	[tilespmem:s28], [sflag:$0x2] =	stream.indirect_vreg.gather [hbm4b:s6+s3], $0x80, v4, vm0, $0xb8;
	[tilespmem:$0x18680] =	vst v63  }
0x14a: {  	_ = 	snop  }
0x14b: {  	[tilespmem:s29], [sflag:$0x2] =	stream.indirect_vreg.gather [hbm4b:s7+s3], $0x80, v4, vm0, $0xb8;
	[tilespmem:$0x18680] =	vst v63  }
0x14c: {  	_ = 	snop  }
0x14d: {  	[tilespmem:s15], [sflag:$0x2] =	stream.indirect_vreg.gather [hbm4b:s2+s3], $0x80, v3, vm0, $0xb8;
	[tilespmem:$0x18680] =	vst v63  }
0x14e: {  	_ = 	snop  }
0x14f: {  	[tilespmem:s30], [sflag:$0x2] =	stream.indirect_vreg.gather [hbm4b:s6+s3], $0x80, v3, vm0, $0xb8;
	[tilespmem:$0x18680] =	vst v63  }
0x150: {  	_ = 	snop  }
0x151: {  	[tilespmem:s16], [sflag:$0x2] =	stream.indirect_vreg.gather [hbm4b:s7+s3], $0x80, v3, vm0, $0xb8;
	[tilespmem:$0x18680] =	vst v63  }
0x152: {  	v3 =	vld [tilespmem:s21+$0x0];
	_ =	sdelay $0x4  }
0x153: {  	v63 =	vshrl.u32 v3, $0x3  }
0x154: {  	v4 =	vmul.u32 $0x30, v63  }
0x155: {  	v3 =	vand.u32 $0x7, v3  }
0x156: {  	v3 =	vor.u32 v3, v4  }
0x157: {  	v4 =	vperm.xlane v3, v0;
	_ =	sdelay $0x1  }
0x158: {  	v4 =	vadd.s32 v1, v4;
	_ =	sdelay $0x3  }
0x159: {  	v3 =	vperm.xlane v3, v2  }
0x15a: {  	[tilespmem:s31], [sflag:$0x2] =	stream.indirect_vreg.gather [hbm4b:s2+s3], $0x80, v4, vm0, $0xb8;
	[tilespmem:$0x18680] =	vst v63  }
0x15b: {  	v3 =	vadd.s32 v1, v3  }
0x15c: {  	[tilespmem:s17], [sflag:$0x2] =	stream.indirect_vreg.gather [hbm4b:s6+s3], $0x80, v4, vm0, $0xb8;
	[tilespmem:$0x18680] =	vst v63  }
0x15d: {  	_ = 	snop  }
0x15e: {  	[tilespmem:s1], [sflag:$0x2] =	stream.indirect_vreg.gather [hbm4b:s7+s3], $0x80, v4, vm0, $0xb8;
	[tilespmem:$0x18680] =	vst v63  }
0x15f: {  	_ = 	snop  }
0x160: {  	[tilespmem:s18], [sflag:$0x2] =	stream.indirect_vreg.gather [hbm4b:s2+s3], $0x80, v3, vm0, $0xb8;
	[tilespmem:$0x18680] =	vst v63  }
.Ltmp3:
0x161: {  	_ = 	snop;
	(pc) =	sbr.rel .LBB2_2-.Ltmp3, $4  }
0x162: {  	_ = 	snop  }
0x163: {  	[tilespmem:s0], [sflag:$0x2] =	stream.indirect_vreg.gather [hbm4b:s6+s3], $0x80, v3, vm0, $0xb8;
	[tilespmem:$0x18680] =	vst v63  }
0x164: {  	s22 =	sadd.s32 $0x30000, s22;
	s9 =	sadd.s32 $0x180000, s9;
	s21 =	sadd.s32 $0x80, s21  }
0x165: {  	[tilespmem:s19], [sflag:$0x2] =	stream.indirect_vreg.gather [hbm4b:s7+s3], $0x80, v3, vm0, $0xb8;
	[tilespmem:$0x18680] =	vst v63  }
.LBB2_5:
0x166: {  	_ =	sfence.sel $0x180000  }
0x167: {  	[bflag:$0x0] =	sbarrier.arrive $0xFFFF  }
0x168: {  	_ =	strace $0x90000050  }
0x169: {  	s0 =	stileid.u32;
	[bflag:$0x2] =	sbarrier.arrive $0xFFFF  }
0x16a: {  	p0 =	sne.s32 s0, $0x0;
	s0 =	rddreg [dreg:$0x2]  }
0x16b: {  	s0 =	sadd.s32 @!p0 $0x100000, s0  }
0x16c: {  	[sflag:s0] =	ssyncadd.tile.s32 @!p0 $0x1;
	_ =	shalt  }
.Lfunc_end2:
_tile_overlayer_lowered:
.L_overlay_start_2:
0x16d: {  	(tag) =	ssettag $0x2  }
0x16e: {  	s0 =	rddreg [dreg:$0x0];
	s2 =	stileid.u32  }
0x16f: {  	s1 =	rddreg [dreg:$0x1];
	p0 =	sne.s32 s2, $0x0  }
0x170: {  	s3 =	rddreg [dreg:$0x2];
	[bflag:$0x3] =	sbarrier.arrive $0xFFFF;
	s2 =	simm.s32 @!p0 $0x1C05  }
0x171: {  	[timem:s3], [sflag:s2] =	dma.local @!p0 [hbm:s0], s1  }
0x172: {  	s0 =	simm.s32 @!p0 $0x5  }
0x173: {  	_ =	swait.ge @!p0 [sflag:s0], s1  }
0x174: {  	s1 =	ssub.s32 @!p0 $0x0, s1;
	[sflag:s0] =	ssyncset.done @!p0 $0x0  }
0x175: {  	[sflag:s0] =	ssyncadd.s32 @!p0 s1  }
0x176: {  	[bflag:$0x3] =	sbarrier.arrive $0xFFFF  }
0x177: {  	_ =	shalt  }

</sc_bundles>
